<compile_context>
chip_gen: v7x
topology: tpu7x:2x2x1
jax: 0.10.2.dev20260603
libtpu: 0.0.44.dev20260713+nightly
codegen_flags: <defaults>
</compile_context>

<pallas_src>
import functools

import jax
import jax.numpy as jnp
from jax import lax
from jax.experimental import pallas as pl
from jax.experimental.pallas import tpu as pltpu
from jax.experimental.pallas import tpu_sc as plsc

HIDDEN = 1024
FFN = 2048
E = 16
TOPK = 2
TOK = 128
FB = 1024
NF = FFN // FB

_N_ASSIGN = TOK * TOPK


def _router_kernel(te_hbm, tw_hbm, w_hbm, te_v, tw_v, w_v):
    cid = lax.axis_index("c")
    sid = lax.axis_index("s")
    wid = sid * 2 + cid

    @pl.when(wid == 0)
    def _():
        pltpu.sync_copy(te_hbm, te_v)
        pltpu.sync_copy(tw_hbm, tw_v)
        zero = jnp.zeros((16,), jnp.float32)
        for p in range(TOK // 16):
            te0 = te_v[pl.ds(p * 16, 16)]
            tw0 = tw_v[pl.ds(p * 16, 16)]
            te1 = te_v[pl.ds(TOK + p * 16, 16)]
            tw1 = tw_v[pl.ds(TOK + p * 16, 16)]
            for e in range(E):
                w = (jnp.where(te0 == e, tw0, zero)
                     + jnp.where(te1 == e, tw1, zero))
                w_v[pl.ds(e * TOK + p * 16, 16)] = w
        pltpu.sync_copy(w_v, w_hbm)


_sc_router = functools.partial(
    pl.kernel,
    mesh=plsc.VectorSubcoreMesh(core_axis_name="c", subcore_axis_name="s"),
    out_type=jax.ShapeDtypeStruct((E * TOK,), jnp.float32),
    scratch_types=[
        pltpu.VMEM((_N_ASSIGN,), jnp.int32),
        pltpu.VMEM((_N_ASSIGN,), jnp.float32),
        pltpu.VMEM((E * TOK,), jnp.float32),
    ],
)(_router_kernel)


def _moe_kernel(x_ref, w_ref, up_ref, gate_ref, down_ref, out_ref, wt_ref):
    e = pl.program_id(0)
    f = pl.program_id(1)
    first = (e == 0) & (f == 0)

    @pl.when(first)
    def _():
        wt_ref[...] = jnp.transpose(w_ref[...])

    xf = x_ref[...]
    up = up_ref[0]
    gate = gate_ref[0]
    down = down_ref[0]

    x1 = jax.lax.dot_general(xf, up, (((1,), (1,)), ((), ())),
                             preferred_element_type=jnp.float32)
    x2 = jax.lax.dot_general(xf, gate, (((1,), (1,)), ((), ())),
                             preferred_element_type=jnp.float32)
    h = x1 * jax.nn.sigmoid(x1) * x2
    partial = jax.lax.dot_general(h, down, (((1,), (1,)), ((), ())),
                                  preferred_element_type=jnp.float32)

    lane = jax.lax.broadcasted_iota(jnp.int32, (TOK, E), 1)
    w = jnp.sum(jnp.where(lane == e, wt_ref[...], 0.0), axis=1, keepdims=True)
    contrib = partial * w

    @pl.when(first)
    def _():
        out_ref[...] = contrib

    @pl.when(jnp.logical_not(first))
    def _():
        out_ref[...] += contrib


def kernel(x, weights, top_weights, top_experts, up_w, gate_w, down_w):
    bsz, q_len, hidden = x.shape
    tok = bsz * q_len
    xf = x.reshape(tok, hidden)

    te_slots = top_experts.astype(jnp.int32).T.reshape(-1)
    tw_slots = top_weights.T.reshape(-1)
    w_dense = _sc_router(te_slots, tw_slots).reshape(E, tok)

    out = pl.pallas_call(
        _moe_kernel,
        grid=(E, NF),
        in_specs=[
            pl.BlockSpec((tok, hidden), lambda e, f: (0, 0)),
            pl.BlockSpec((E, tok), lambda e, f: (0, 0)),
            pl.BlockSpec((1, FB, hidden), lambda e, f: (e, f, 0)),
            pl.BlockSpec((1, FB, hidden), lambda e, f: (e, f, 0)),
            pl.BlockSpec((1, hidden, FB), lambda e, f: (e, 0, f)),
        ],
        out_specs=pl.BlockSpec((tok, hidden), lambda e, f: (0, 0)),
        out_shape=jax.ShapeDtypeStruct((tok, hidden), jnp.float32),
        scratch_shapes=[pltpu.VMEM((tok, E), jnp.float32)],
    )(xf, w_dense, up_w, gate_w, down_w)

    return out.reshape(bsz, q_len, hidden)

# --- scband reference (transcript-rebuilt; emitter-appended) ---
"""Pipeline reference for scband-dbrx-mo-e-83330955478064 (READ-ONLY COPY).

The authoritative reference and input builder live on the scoring server;
editing this copy changes nothing except your own understanding.
"""

import jax, jax.numpy as jnp
import numpy as np

HIDDEN = 1024
FFN = 2048
E = 16
TOPK = 2
BSZ = 32
QLEN = 4
TOK = BSZ * QLEN


def setup_inputs(seed: int = 0) -> dict:
    key = jax.random.key(seed)
    k1, k2, k3, k4, k5, k6, k7 = jax.random.split(key, 7)
    x = jax.random.normal(k1, (BSZ, QLEN, HIDDEN), dtype=jnp.float32)
    weights = jax.random.uniform(k2, (TOK, E), dtype=jnp.float32)
    top_weights = jax.random.uniform(k3, (TOK, TOPK), dtype=jnp.float32)
    top_experts = jax.random.randint(k4, (TOK, TOPK), 0, E, dtype=jnp.int64 if jax.config.jax_enable_x64 else jnp.int32)
    up_w = jax.random.normal(k5, (E, FFN, HIDDEN), dtype=jnp.float32) * 0.02
    gate_w = jax.random.normal(k6, (E, FFN, HIDDEN), dtype=jnp.float32) * 0.02
    down_w = jax.random.normal(k7, (E, HIDDEN, FFN), dtype=jnp.float32) * 0.02
    return {"x": x, "weights": weights, "top_weights": top_weights, "top_experts": top_experts, "up_w": up_w, "gate_w": gate_w, "down_w": down_w}


def reference(x, weights, top_weights, top_experts, up_w, gate_w, down_w):
    bsz, q_len, hidden = x.shape
    xf = x.reshape(-1, hidden)
    out = jnp.zeros_like(xf)
    n_experts = up_w.shape[0]
    for e in range(n_experts):
        # mask of (token, topk-slot) assignments to expert e; sum weights over slots
        mask = (top_experts == e)
        w = jnp.sum(jnp.where(mask, top_weights, jnp.zeros_like(top_weights)), axis=1)
        x1 = xf @ up_w[e].T
        x2 = xf @ gate_w[e].T
        x1 = jax.nn.silu(x1)
        x1 = x1 * x2
        eo = x1 @ down_w[e].T
        out = out + eo * w[:, None]
    return out.reshape(bsz, q_len, hidden)

if __name__ == "__main__":
    import jax
    _d = setup_inputs()
    print(jax.jit(kernel)(*tuple(_d.values())))

</pallas_src>

<mosaic_0001>
#map = affine_map<(d0, d1) -> (0)>
module attributes {stable_mosaic.version = 14 : i64} {
  func.func @_router_kernel(%arg0: i32, %arg1: i32, %arg2: memref<256xi32, #tpu.memory_space<hbm>>, %arg3: memref<256xf32, #tpu.memory_space<hbm>>, %arg4: memref<2048xf32, #tpu.memory_space<hbm>>, %arg5: memref<256xi32, #tpu.memory_space<vmem>>, %arg6: memref<256xf32, #tpu.memory_space<vmem>>, %arg7: memref<2048xf32, #tpu.memory_space<vmem>>) attributes {dimension_semantics = [#tpu.dimension_semantics<core_parallel>, #tpu.dimension_semantics<subcore_parallel>], iteration_bounds = array<i64: 2, 16>, scalar_prefetch = 0 : i64, scratch_operands = 3 : i64, tpu.core_type = #tpu.core_type<sc_vector_subcore>, window_params = [{transform_indices = #map}, {transform_indices = #map}, {transform_indices = #map}]} {
    %mul3A = arith.constant 2 : i32
    %mul3A_0 = arith.muli %arg1, %mul3A : i32
    %add3A = arith.addi %mul3A_0, %arg0 : i32
    %eq3A = arith.constant 0 : i32
    %eq3A_1 = arith.cmpi eq, %add3A, %eq3A : i32
    %convert_element_type3A = arith.extui %eq3A_1 : i1 to i32
    %cond3A = arith.constant 0 : i32
    %cond3A_2 = arith.cmpi ne, %convert_element_type3A, %cond3A : i32
    scf.if %cond3A_2 {
      "tpu.region"() ({
        %run_scoped3A = tpu.sem_alloc : memref<!tpu.dma_semaphore, #tpu.memory_space<semaphore_mem>>
        tpu.enqueue_dma source(%arg2 : memref<256xi32, #tpu.memory_space<hbm>>) target(%arg5 : memref<256xi32, #tpu.memory_space<vmem>>) target_semaphore(%run_scoped3A : memref<!tpu.dma_semaphore, #tpu.memory_space<semaphore_mem>>)
        tpu.wait_dma2 semaphore(%run_scoped3A : memref<!tpu.dma_semaphore, #tpu.memory_space<semaphore_mem>>) src(%arg2 : memref<256xi32, #tpu.memory_space<hbm>>) dst(%arg5 : memref<256xi32, #tpu.memory_space<vmem>>)
        tpu.yield
      }) : () -> ()
      "tpu.region"() ({
        %run_scoped3A = tpu.sem_alloc : memref<!tpu.dma_semaphore, #tpu.memory_space<semaphore_mem>>
        tpu.enqueue_dma source(%arg3 : memref<256xf32, #tpu.memory_space<hbm>>) target(%arg6 : memref<256xf32, #tpu.memory_space<vmem>>) target_semaphore(%run_scoped3A : memref<!tpu.dma_semaphore, #tpu.memory_space<semaphore_mem>>)
        tpu.wait_dma2 semaphore(%run_scoped3A : memref<!tpu.dma_semaphore, #tpu.memory_space<semaphore_mem>>) src(%arg3 : memref<256xf32, #tpu.memory_space<hbm>>) dst(%arg6 : memref<256xf32, #tpu.memory_space<vmem>>)
        tpu.yield
      }) : () -> ()
      %broadcast_in_dim3A = arith.constant 0.000000e+00 : f32
      %broadcast_in_dim3A_3 = vector.broadcast %broadcast_in_dim3A : f32 to vector<16xf32>
      %get3A = arith.constant 0 : index
      %get3A_4 = tpu.vector_load %arg5[%get3A] {strides = array<i32>} : memref<256xi32, #tpu.memory_space<vmem>>, vector<16xi32>,
      %get3A_5 = vector.shape_cast %get3A_4 : vector<16xi32> to vector<16xi32>
      %get3A_6 = arith.constant 0 : index
      %get3A_7 = tpu.vector_load %arg6[%get3A_6] {strides = array<i32>} : memref<256xf32, #tpu.memory_space<vmem>>, vector<16xf32>,
      %get3A_8 = vector.shape_cast %get3A_7 : vector<16xf32> to vector<16xf32>
      %get3A_9 = arith.constant 128 : index
      %get3A_10 = tpu.vector_load %arg5[%get3A_9] {strides = array<i32>} : memref<256xi32, #tpu.memory_space<vmem>>, vector<16xi32>,
      %get3A_11 = vector.shape_cast %get3A_10 : vector<16xi32> to vector<16xi32>
      %get3A_12 = arith.constant 128 : index
      %get3A_13 = tpu.vector_load %arg6[%get3A_12] {strides = array<i32>} : memref<256xf32, #tpu.memory_space<vmem>>, vector<16xf32>,
      %get3A_14 = vector.shape_cast %get3A_13 : vector<16xf32> to vector<16xf32>
      %eq3A_15 = arith.constant 0 : i32
      %eq3A_16 = vector.broadcast %eq3A_15 : i32 to vector<16xi32>
      %eq3A_17 = arith.cmpi eq, %get3A_5, %eq3A_16 : vector<16xi32>
      %select_n3A = arith.select %eq3A_17, %get3A_8, %broadcast_in_dim3A_3 : vector<16xi1>, vector<16xf32>
      %eq3A_18 = arith.constant 0 : i32
      %eq3A_19 = vector.broadcast %eq3A_18 : i32 to vector<16xi32>
      %eq3A_20 = arith.cmpi eq, %get3A_11, %eq3A_19 : vector<16xi32>
      %select_n3A_21 = arith.select %eq3A_20, %get3A_14, %broadcast_in_dim3A_3 : vector<16xi1>, vector<16xf32>
      %add3A_22 = arith.addf %select_n3A, %select_n3A_21 : vector<16xf32>
      %swap3A = arith.constant 0 : index
      %swap3A_23 = tpu.vector_load %arg7[%swap3A] {strides = array<i32>} : memref<2048xf32, #tpu.memory_space<vmem>>, vector<16xf32>,
      %swap3A_24 = vector.shape_cast %swap3A_23 : vector<16xf32> to vector<16xf32>
      %swap3A_25 = vector.shape_cast %add3A_22 : vector<16xf32> to vector<16xf32>
      tpu.vector_store %arg7[%swap3A], %swap3A_25 {strides = array<i32>} : memref<2048xf32, #tpu.memory_space<vmem>>, vector<16xf32>,
      %eq3A_26 = arith.constant 1 : i32
      %eq3A_27 = vector.broadcast %eq3A_26 : i32 to vector<16xi32>
      %eq3A_28 = arith.cmpi eq, %get3A_5, %eq3A_27 : vector<16xi32>
      %select_n3A_29 = arith.select %eq3A_28, %get3A_8, %broadcast_in_dim3A_3 : vector<16xi1>, vector<16xf32>
      %eq3A_30 = arith.constant 1 : i32
      %eq3A_31 = vector.broadcast %eq3A_30 : i32 to vector<16xi32>
      %eq3A_32 = arith.cmpi eq, %get3A_11, %eq3A_31 : vector<16xi32>
      %select_n3A_33 = arith.select %eq3A_32, %get3A_14, %broadcast_in_dim3A_3 : vector<16xi1>, vector<16xf32>
      %add3A_34 = arith.addf %select_n3A_29, %select_n3A_33 : vector<16xf32>
      %swap3A_35 = arith.constant 128 : index
      %swap3A_36 = tpu.vector_load %arg7[%swap3A_35] {strides = array<i32>} : memref<2048xf32, #tpu.memory_space<vmem>>, vector<16xf32>,
      %swap3A_37 = vector.shape_cast %swap3A_36 : vector<16xf32> to vector<16xf32>
      %swap3A_38 = vector.shape_cast %add3A_34 : vector<16xf32> to vector<16xf32>
      tpu.vector_store %arg7[%swap3A_35], %swap3A_38 {strides = array<i32>} : memref<2048xf32, #tpu.memory_space<vmem>>, vector<16xf32>,
      %eq3A_39 = arith.constant 2 : i32
      %eq3A_40 = vector.broadcast %eq3A_39 : i32 to vector<16xi32>
      %eq3A_41 = arith.cmpi eq, %get3A_5, %eq3A_40 : vector<16xi32>
      %select_n3A_42 = arith.select %eq3A_41, %get3A_8, %broadcast_in_dim3A_3 : vector<16xi1>, vector<16xf32>
      %eq3A_43 = arith.constant 2 : i32
      %eq3A_44 = vector.broadcast %eq3A_43 : i32 to vector<16xi32>
      %eq3A_45 = arith.cmpi eq, %get3A_11, %eq3A_44 : vector<16xi32>
      %select_n3A_46 = arith.select %eq3A_45, %get3A_14, %broadcast_in_dim3A_3 : vector<16xi1>, vector<16xf32>
      %add3A_47 = arith.addf %select_n3A_42, %select_n3A_46 : vector<16xf32>
      %swap3A_48 = arith.constant 256 : index
      %swap3A_49 = tpu.vector_load %arg7[%swap3A_48] {strides = array<i32>} : memref<2048xf32, #tpu.memory_space<vmem>>, vector<16xf32>,
      %swap3A_50 = vector.shape_cast %swap3A_49 : vector<16xf32> to vector<16xf32>
      %swap3A_51 = vector.shape_cast %add3A_47 : vector<16xf32> to vector<16xf32>
      tpu.vector_store %arg7[%swap3A_48], %swap3A_51 {strides = array<i32>} : memref<2048xf32, #tpu.memory_space<vmem>>, vector<16xf32>,
      %eq3A_52 = arith.constant 3 : i32
      %eq3A_53 = vector.broadcast %eq3A_52 : i32 to vector<16xi32>
      %eq3A_54 = arith.cmpi eq, %get3A_5, %eq3A_53 : vector<16xi32>
      %select_n3A_55 = arith.select %eq3A_54, %get3A_8, %broadcast_in_dim3A_3 : vector<16xi1>, vector<16xf32>
      %eq3A_56 = arith.constant 3 : i32
      %eq3A_57 = vector.broadcast %eq3A_56 : i32 to vector<16xi32>
      %eq3A_58 = arith.cmpi eq, %get3A_11, %eq3A_57 : vector<16xi32>
      %select_n3A_59 = arith.select %eq3A_58, %get3A_14, %broadcast_in_dim3A_3 : vector<16xi1>, vector<16xf32>
      %add3A_60 = arith.addf %select_n3A_55, %select_n3A_59 : vector<16xf32>
      %swap3A_61 = arith.constant 384 : index
      %swap3A_62 = tpu.vector_load %arg7[%swap3A_61] {strides = array<i32>} : memref<2048xf32, #tpu.memory_space<vmem>>, vector<16xf32>,
      %swap3A_63 = vector.shape_cast %swap3A_62 : vector<16xf32> to vector<16xf32>
      %swap3A_64 = vector.shape_cast %add3A_60 : vector<16xf32> to vector<16xf32>
      tpu.vector_store %arg7[%swap3A_61], %swap3A_64 {strides = array<i32>} : memref<2048xf32, #tpu.memory_space<vmem>>, vector<16xf32>,
      %eq3A_65 = arith.constant 4 : i32
      %eq3A_66 = vector.broadcast %eq3A_65 : i32 to vector<16xi32>
      %eq3A_67 = arith.cmpi eq, %get3A_5, %eq3A_66 : vector<16xi32>
      %select_n3A_68 = arith.select %eq3A_67, %get3A_8, %broadcast_in_dim3A_3 : vector<16xi1>, vector<16xf32>
      %eq3A_69 = arith.constant 4 : i32
      %eq3A_70 = vector.broadcast %eq3A_69 : i32 to vector<16xi32>
      %eq3A_71 = arith.cmpi eq, %get3A_11, %eq3A_70 : vector<16xi32>
      %select_n3A_72 = arith.select %eq3A_71, %get3A_14, %broadcast_in_dim3A_3 : vector<16xi1>, vector<16xf32>
      %add3A_73 = arith.addf %select_n3A_68, %select_n3A_72 : vector<16xf32>
      %swap3A_74 = arith.constant 512 : index
      %swap3A_75 = tpu.vector_load %arg7[%swap3A_74] {strides = array<i32>} : memref<2048xf32, #tpu.memory_space<vmem>>, vector<16xf32>,
      %swap3A_76 = vector.shape_cast %swap3A_75 : vector<16xf32> to vector<16xf32>
      %swap3A_77 = vector.shape_cast %add3A_73 : vector<16xf32> to vector<16xf32>
      tpu.vector_store %arg7[%swap3A_74], %swap3A_77 {strides = array<i32>} : memref<2048xf32, #tpu.memory_space<vmem>>, vector<16xf32>,
      %eq3A_78 = arith.constant 5 : i32
      %eq3A_79 = vector.broadcast %eq3A_78 : i32 to vector<16xi32>
      %eq3A_80 = arith.cmpi eq, %get3A_5, %eq3A_79 : vector<16xi32>
      %select_n3A_81 = arith.select %eq3A_80, %get3A_8, %broadcast_in_dim3A_3 : vector<16xi1>, vector<16xf32>
      %eq3A_82 = arith.constant 5 : i32
      %eq3A_83 = vector.broadcast %eq3A_82 : i32 to vector<16xi32>
      %eq3A_84 = arith.cmpi eq, %get3A_11, %eq3A_83 : vector<16xi32>
      %select_n3A_85 = arith.select %eq3A_84, %get3A_14, %broadcast_in_dim3A_3 : vector<16xi1>, vector<16xf32>
      %add3A_86 = arith.addf %select_n3A_81, %select_n3A_85 : vector<16xf32>
      %swap3A_87 = arith.constant 640 : index
      %swap3A_88 = tpu.vector_load %arg7[%swap3A_87] {strides = array<i32>} : memref<2048xf32, #tpu.memory_space<vmem>>, vector<16xf32>,
      %swap3A_89 = vector.shape_cast %swap3A_88 : vector<16xf32> to vector<16xf32>
      %swap3A_90 = vector.shape_cast %add3A_86 : vector<16xf32> to vector<16xf32>
      tpu.vector_store %arg7[%swap3A_87], %swap3A_90 {strides = array<i32>} : memref<2048xf32, #tpu.memory_space<vmem>>, vector<16xf32>,
      %eq3A_91 = arith.constant 6 : i32
      %eq3A_92 = vector.broadcast %eq3A_91 : i32 to vector<16xi32>
      %eq3A_93 = arith.cmpi eq, %get3A_5, %eq3A_92 : vector<16xi32>
      %select_n3A_94 = arith.select %eq3A_93, %get3A_8, %broadcast_in_dim3A_3 : vector<16xi1>, vector<16xf32>
      %eq3A_95 = arith.constant 6 : i32
      %eq3A_96 = vector.broadcast %eq3A_95 : i32 to vector<16xi32>
      %eq3A_97 = arith.cmpi eq, %get3A_11, %eq3A_96 : vector<16xi32>
      %select_n3A_98 = arith.select %eq3A_97, %get3A_14, %broadcast_in_dim3A_3 : vector<16xi1>, vector<16xf32>
      %add3A_99 = arith.addf %select_n3A_94, %select_n3A_98 : vector<16xf32>
      %swap3A_100 = arith.constant 768 : index
      %swap3A_101 = tpu.vector_load %arg7[%swap3A_100] {strides = array<i32>} : memref<2048xf32, #tpu.memory_space<vmem>>, vector<16xf32>,
      %swap3A_102 = vector.shape_cast %swap3A_101 : vector<16xf32> to vector<16xf32>
      %swap3A_103 = vector.shape_cast %add3A_99 : vector<16xf32> to vector<16xf32>
      tpu.vector_store %arg7[%swap3A_100], %swap3A_103 {strides = array<i32>} : memref<2048xf32, #tpu.memory_space<vmem>>, vector<16xf32>,
      %eq3A_104 = arith.constant 7 : i32
      %eq3A_105 = vector.broadcast %eq3A_104 : i32 to vector<16xi32>
      %eq3A_106 = arith.cmpi eq, %get3A_5, %eq3A_105 : vector<16xi32>
      %select_n3A_107 = arith.select %eq3A_106, %get3A_8, %broadcast_in_dim3A_3 : vector<16xi1>, vector<16xf32>
      %eq3A_108 = arith.constant 7 : i32
      %eq3A_109 = vector.broadcast %eq3A_108 : i32 to vector<16xi32>
      %eq3A_110 = arith.cmpi eq, %get3A_11, %eq3A_109 : vector<16xi32>
      %select_n3A_111 = arith.select %eq3A_110, %get3A_14, %broadcast_in_dim3A_3 : vector<16xi1>, vector<16xf32>
      %add3A_112 = arith.addf %select_n3A_107, %select_n3A_111 : vector<16xf32>
      %swap3A_113 = arith.constant 896 : index
      %swap3A_114 = tpu.vector_load %arg7[%swap3A_113] {strides = array<i32>} : memref<2048xf32, #tpu.memory_space<vmem>>, vector<16xf32>,
      %swap3A_115 = vector.shape_cast %swap3A_114 : vector<16xf32> to vector<16xf32>
      %swap3A_116 = vector.shape_cast %add3A_112 : vector<16xf32> to vector<16xf32>
      tpu.vector_store %arg7[%swap3A_113], %swap3A_116 {strides = array<i32>} : memref<2048xf32, #tpu.memory_space<vmem>>, vector<16xf32>,
      %eq3A_117 = arith.constant 8 : i32
      %eq3A_118 = vector.broadcast %eq3A_117 : i32 to vector<16xi32>
      %eq3A_119 = arith.cmpi eq, %get3A_5, %eq3A_118 : vector<16xi32>
      %select_n3A_120 = arith.select %eq3A_119, %get3A_8, %broadcast_in_dim3A_3 : vector<16xi1>, vector<16xf32>
      %eq3A_121 = arith.constant 8 : i32
      %eq3A_122 = vector.broadcast %eq3A_121 : i32 to vector<16xi32>
      %eq3A_123 = arith.cmpi eq, %get3A_11, %eq3A_122 : vector<16xi32>
      %select_n3A_124 = arith.select %eq3A_123, %get3A_14, %broadcast_in_dim3A_3 : vector<16xi1>, vector<16xf32>
      %add3A_125 = arith.addf %select_n3A_120, %select_n3A_124 : vector<16xf32>
      %swap3A_126 = arith.constant 1024 : index
      %swap3A_127 = tpu.vector_load %arg7[%swap3A_126] {strides = array<i32>} : memref<2048xf32, #tpu.memory_space<vmem>>, vector<16xf32>,
      %swap3A_128 = vector.shape_cast %swap3A_127 : vector<16xf32> to vector<16xf32>
      %swap3A_129 = vector.shape_cast %add3A_125 : vector<16xf32> to vector<16xf32>
      tpu.vector_store %arg7[%swap3A_126], %swap3A_129 {strides = array<i32>} : memref<2048xf32, #tpu.memory_space<vmem>>, vector<16xf32>,
      %eq3A_130 = arith.constant 9 : i32
      %eq3A_131 = vector.broadcast %eq3A_130 : i32 to vector<16xi32>
      %eq3A_132 = arith.cmpi eq, %get3A_5, %eq3A_131 : vector<16xi32>
      %select_n3A_133 = arith.select %eq3A_132, %get3A_8, %broadcast_in_dim3A_3 : vector<16xi1>, vector<16xf32>
      %eq3A_134 = arith.constant 9 : i32
      %eq3A_135 = vector.broadcast %eq3A_134 : i32 to vector<16xi32>
      %eq3A_136 = arith.cmpi eq, %get3A_11, %eq3A_135 : vector<16xi32>
      %select_n3A_137 = arith.select %eq3A_136, %get3A_14, %broadcast_in_dim3A_3 : vector<16xi1>, vector<16xf32>
      %add3A_138 = arith.addf %select_n3A_133, %select_n3A_137 : vector<16xf32>
      %swap3A_139 = arith.constant 1152 : index
      %swap3A_140 = tpu.vector_load %arg7[%swap3A_139] {strides = array<i32>} : memref<2048xf32, #tpu.memory_space<vmem>>, vector<16xf32>,
      %swap3A_141 = vector.shape_cast %swap3A_140 : vector<16xf32> to vector<16xf32>
      %swap3A_142 = vector.shape_cast %add3A_138 : vector<16xf32> to vector<16xf32>
      tpu.vector_store %arg7[%swap3A_139], %swap3A_142 {strides = array<i32>} : memref<2048xf32, #tpu.memory_space<vmem>>, vector<16xf32>,
      %eq3A_143 = arith.constant 10 : i32
      %eq3A_144 = vector.broadcast %eq3A_143 : i32 to vector<16xi32>
      %eq3A_145 = arith.cmpi eq, %get3A_5, %eq3A_144 : vector<16xi32>
      %select_n3A_146 = arith.select %eq3A_145, %get3A_8, %broadcast_in_dim3A_3 : vector<16xi1>, vector<16xf32>
      %eq3A_147 = arith.constant 10 : i32
      %eq3A_148 = vector.broadcast %eq3A_147 : i32 to vector<16xi32>
      %eq3A_149 = arith.cmpi eq, %get3A_11, %eq3A_148 : vector<16xi32>
      %select_n3A_150 = arith.select %eq3A_149, %get3A_14, %broadcast_in_dim3A_3 : vector<16xi1>, vector<16xf32>
      %add3A_151 = arith.addf %select_n3A_146, %select_n3A_150 : vector<16xf32>
      %swap3A_152 = arith.constant 1280 : index
      %swap3A_153 = tpu.vector_load %arg7[%swap3A_152] {strides = array<i32>} : memref<2048xf32, #tpu.memory_space<vmem>>, vector<16xf32>,
      %swap3A_154 = vector.shape_cast %swap3A_153 : vector<16xf32> to vector<16xf32>
      %swap3A_155 = vector.shape_cast %add3A_151 : vector<16xf32> to vector<16xf32>
      tpu.vector_store %arg7[%swap3A_152], %swap3A_155 {strides = array<i32>} : memref<2048xf32, #tpu.memory_space<vmem>>, vector<16xf32>,
      %eq3A_156 = arith.constant 11 : i32
      %eq3A_157 = vector.broadcast %eq3A_156 : i32 to vector<16xi32>
      %eq3A_158 = arith.cmpi eq, %get3A_5, %eq3A_157 : vector<16xi32>
      %select_n3A_159 = arith.select %eq3A_158, %get3A_8, %broadcast_in_dim3A_3 : vector<16xi1>, vector<16xf32>
      %eq3A_160 = arith.constant 11 : i32
      %eq3A_161 = vector.broadcast %eq3A_160 : i32 to vector<16xi32>
      %eq3A_162 = arith.cmpi eq, %get3A_11, %eq3A_161 : vector<16xi32>
      %select_n3A_163 = arith.select %eq3A_162, %get3A_14, %broadcast_in_dim3A_3 : vector<16xi1>, vector<16xf32>
      %add3A_164 = arith.addf %select_n3A_159, %select_n3A_163 : vector<16xf32>
      %swap3A_165 = arith.constant 1408 : index
      %swap3A_166 = tpu.vector_load %arg7[%swap3A_165] {strides = array<i32>} : memref<2048xf32, #tpu.memory_space<vmem>>, vector<16xf32>,
      %swap3A_167 = vector.shape_cast %swap3A_166 : vector<16xf32> to vector<16xf32>
      %swap3A_168 = vector.shape_cast %add3A_164 : vector<16xf32> to vector<16xf32>
      tpu.vector_store %arg7[%swap3A_165], %swap3A_168 {strides = array<i32>} : memref<2048xf32, #tpu.memory_space<vmem>>, vector<16xf32>,
      %eq3A_169 = arith.constant 12 : i32
      %eq3A_170 = vector.broadcast %eq3A_169 : i32 to vector<16xi32>
      %eq3A_171 = arith.cmpi eq, %get3A_5, %eq3A_170 : vector<16xi32>
      %select_n3A_172 = arith.select %eq3A_171, %get3A_8, %broadcast_in_dim3A_3 : vector<16xi1>, vector<16xf32>
      %eq3A_173 = arith.constant 12 : i32
      %eq3A_174 = vector.broadcast %eq3A_173 : i32 to vector<16xi32>
      %eq3A_175 = arith.cmpi eq, %get3A_11, %eq3A_174 : vector<16xi32>
      %select_n3A_176 = arith.select %eq3A_175, %get3A_14, %broadcast_in_dim3A_3 : vector<16xi1>, vector<16xf32>
      %add3A_177 = arith.addf %select_n3A_172, %select_n3A_176 : vector<16xf32>
      %swap3A_178 = arith.constant 1536 : index
      %swap3A_179 = tpu.vector_load %arg7[%swap3A_178] {strides = array<i32>} : memref<2048xf32, #tpu.memory_space<vmem>>, vector<16xf32>,
      %swap3A_180 = vector.shape_cast %swap3A_179 : vector<16xf32> to vector<16xf32>
      %swap3A_181 = vector.shape_cast %add3A_177 : vector<16xf32> to vector<16xf32>
      tpu.vector_store %arg7[%swap3A_178], %swap3A_181 {strides = array<i32>} : memref<2048xf32, #tpu.memory_space<vmem>>, vector<16xf32>,
      %eq3A_182 = arith.constant 13 : i32
      %eq3A_183 = vector.broadcast %eq3A_182 : i32 to vector<16xi32>
      %eq3A_184 = arith.cmpi eq, %get3A_5, %eq3A_183 : vector<16xi32>
      %select_n3A_185 = arith.select %eq3A_184, %get3A_8, %broadcast_in_dim3A_3 : vector<16xi1>, vector<16xf32>
      %eq3A_186 = arith.constant 13 : i32
      %eq3A_187 = vector.broadcast %eq3A_186 : i32 to vector<16xi32>
      %eq3A_188 = arith.cmpi eq, %get3A_11, %eq3A_187 : vector<16xi32>
      %select_n3A_189 = arith.select %eq3A_188, %get3A_14, %broadcast_in_dim3A_3 : vector<16xi1>, vector<16xf32>
      %add3A_190 = arith.addf %select_n3A_185, %select_n3A_189 : vector<16xf32>
      %swap3A_191 = arith.constant 1664 : index
      %swap3A_192 = tpu.vector_load %arg7[%swap3A_191] {strides = array<i32>} : memref<2048xf32, #tpu.memory_space<vmem>>, vector<16xf32>,
      %swap3A_193 = vector.shape_cast %swap3A_192 : vector<16xf32> to vector<16xf32>
      %swap3A_194 = vector.shape_cast %add3A_190 : vector<16xf32> to vector<16xf32>
      tpu.vector_store %arg7[%swap3A_191], %swap3A_194 {strides = array<i32>} : memref<2048xf32, #tpu.memory_space<vmem>>, vector<16xf32>,
      %eq3A_195 = arith.constant 14 : i32
      %eq3A_196 = vector.broadcast %eq3A_195 : i32 to vector<16xi32>
      %eq3A_197 = arith.cmpi eq, %get3A_5, %eq3A_196 : vector<16xi32>
      %select_n3A_198 = arith.select %eq3A_197, %get3A_8, %broadcast_in_dim3A_3 : vector<16xi1>, vector<16xf32>
      %eq3A_199 = arith.constant 14 : i32
      %eq3A_200 = vector.broadcast %eq3A_199 : i32 to vector<16xi32>
      %eq3A_201 = arith.cmpi eq, %get3A_11, %eq3A_200 : vector<16xi32>
      %select_n3A_202 = arith.select %eq3A_201, %get3A_14, %broadcast_in_dim3A_3 : vector<16xi1>, vector<16xf32>
      %add3A_203 = arith.addf %select_n3A_198, %select_n3A_202 : vector<16xf32>
      %swap3A_204 = arith.constant 1792 : index
      %swap3A_205 = tpu.vector_load %arg7[%swap3A_204] {strides = array<i32>} : memref<2048xf32, #tpu.memory_space<vmem>>, vector<16xf32>,
      %swap3A_206 = vector.shape_cast %swap3A_205 : vector<16xf32> to vector<16xf32>
      %swap3A_207 = vector.shape_cast %add3A_203 : vector<16xf32> to vector<16xf32>
      tpu.vector_store %arg7[%swap3A_204], %swap3A_207 {strides = array<i32>} : memref<2048xf32, #tpu.memory_space<vmem>>, vector<16xf32>,
      %eq3A_208 = arith.constant 15 : i32
      %eq3A_209 = vector.broadcast %eq3A_208 : i32 to vector<16xi32>
      %eq3A_210 = arith.cmpi eq, %get3A_5, %eq3A_209 : vector<16xi32>
      %select_n3A_211 = arith.select %eq3A_210, %get3A_8, %broadcast_in_dim3A_3 : vector<16xi1>, vector<16xf32>
      %eq3A_212 = arith.constant 15 : i32
      %eq3A_213 = vector.broadcast %eq3A_212 : i32 to vector<16xi32>
      %eq3A_214 = arith.cmpi eq, %get3A_11, %eq3A_213 : vector<16xi32>
      %select_n3A_215 = arith.select %eq3A_214, %get3A_14, %broadcast_in_dim3A_3 : vector<16xi1>, vector<16xf32>
      %add3A_216 = arith.addf %select_n3A_211, %select_n3A_215 : vector<16xf32>
      %swap3A_217 = arith.constant 1920 : index
      %swap3A_218 = tpu.vector_load %arg7[%swap3A_217] {strides = array<i32>} : memref<2048xf32, #tpu.memory_space<vmem>>, vector<16xf32>,
      %swap3A_219 = vector.shape_cast %swap3A_218 : vector<16xf32> to vector<16xf32>
      %swap3A_220 = vector.shape_cast %add3A_216 : vector<16xf32> to vector<16xf32>
      tpu.vector_store %arg7[%swap3A_217], %swap3A_220 {strides = array<i32>} : memref<2048xf32, #tpu.memory_space<vmem>>, vector<16xf32>,
      %get3A_221 = arith.constant 16 : index
      %get3A_222 = tpu.vector_load %arg5[%get3A_221] {strides = array<i32>} : memref<256xi32, #tpu.memory_space<vmem>>, vector<16xi32>,
      %get3A_223 = vector.shape_cast %get3A_222 : vector<16xi32> to vector<16xi32>
      %get3A_224 = arith.constant 16 : index
      %get3A_225 = tpu.vector_load %arg6[%get3A_224] {strides = array<i32>} : memref<256xf32, #tpu.memory_space<vmem>>, vector<16xf32>,
      %get3A_226 = vector.shape_cast %get3A_225 : vector<16xf32> to vector<16xf32>
      %get3A_227 = arith.constant 144 : index
      %get3A_228 = tpu.vector_load %arg5[%get3A_227] {strides = array<i32>} : memref<256xi32, #tpu.memory_space<vmem>>, vector<16xi32>,
      %get3A_229 = vector.shape_cast %get3A_228 : vector<16xi32> to vector<16xi32>
      %get3A_230 = arith.constant 144 : index
      %get3A_231 = tpu.vector_load %arg6[%get3A_230] {strides = array<i32>} : memref<256xf32, #tpu.memory_space<vmem>>, vector<16xf32>,
      %get3A_232 = vector.shape_cast %get3A_231 : vector<16xf32> to vector<16xf32>
      %eq3A_233 = arith.constant 0 : i32
      %eq3A_234 = vector.broadcast %eq3A_233 : i32 to vector<16xi32>
      %eq3A_235 = arith.cmpi eq, %get3A_223, %eq3A_234 : vector<16xi32>
      %select_n3A_236 = arith.select %eq3A_235, %get3A_226, %broadcast_in_dim3A_3 : vector<16xi1>, vector<16xf32>
      %eq3A_237 = arith.constant 0 : i32
      %eq3A_238 = vector.broadcast %eq3A_237 : i32 to vector<16xi32>
      %eq3A_239 = arith.cmpi eq, %get3A_229, %eq3A_238 : vector<16xi32>
      %select_n3A_240 = arith.select %eq3A_239, %get3A_232, %broadcast_in_dim3A_3 : vector<16xi1>, vector<16xf32>
      %add3A_241 = arith.addf %select_n3A_236, %select_n3A_240 : vector<16xf32>
      %swap3A_242 = arith.constant 16 : index
      %swap3A_243 = tpu.vector_load %arg7[%swap3A_242] {strides = array<i32>} : memref<2048xf32, #tpu.memory_space<vmem>>, vector<16xf32>,
      %swap3A_244 = vector.shape_cast %swap3A_243 : vector<16xf32> to vector<16xf32>
      %swap3A_245 = vector.shape_cast %add3A_241 : vector<16xf32> to vector<16xf32>
      tpu.vector_store %arg7[%swap3A_242], %swap3A_245 {strides = array<i32>} : memref<2048xf32, #tpu.memory_space<vmem>>, vector<16xf32>,
      %eq3A_246 = arith.constant 1 : i32
      %eq3A_247 = vector.broadcast %eq3A_246 : i32 to vector<16xi32>
      %eq3A_248 = arith.cmpi eq, %get3A_223, %eq3A_247 : vector<16xi32>
      %select_n3A_249 = arith.select %eq3A_248, %get3A_226, %broadcast_in_dim3A_3 : vector<16xi1>, vector<16xf32>
      %eq3A_250 = arith.constant 1 : i32
      %eq3A_251 = vector.broadcast %eq3A_250 : i32 to vector<16xi32>
      %eq3A_252 = arith.cmpi eq, %get3A_229, %eq3A_251 : vector<16xi32>
      %select_n3A_253 = arith.select %eq3A_252, %get3A_232, %broadcast_in_dim3A_3 : vector<16xi1>, vector<16xf32>
      %add3A_254 = arith.addf %select_n3A_249, %select_n3A_253 : vector<16xf32>
      %swap3A_255 = arith.constant 144 : index
      %swap3A_256 = tpu.vector_load %arg7[%swap3A_255] {strides = array<i32>} : memref<2048xf32, #tpu.memory_space<vmem>>, vector<16xf32>,
      %swap3A_257 = vector.shape_cast %swap3A_256 : vector<16xf32> to vector<16xf32>
      %swap3A_258 = vector.shape_cast %add3A_254 : vector<16xf32> to vector<16xf32>
      tpu.vector_store %arg7[%swap3A_255], %swap3A_258 {strides = array<i32>} : memref<2048xf32, #tpu.memory_space<vmem>>, vector<16xf32>,
      %eq3A_259 = arith.constant 2 : i32
      %eq3A_260 = vector.broadcast %eq3A_259 : i32 to vector<16xi32>
      %eq3A_261 = arith.cmpi eq, %get3A_223, %eq3A_260 : vector<16xi32>
      %select_n3A_262 = arith.select %eq3A_261, %get3A_226, %broadcast_in_dim3A_3 : vector<16xi1>, vector<16xf32>
      %eq3A_263 = arith.constant 2 : i32
      %eq3A_264 = vector.broadcast %eq3A_263 : i32 to vector<16xi32>
      %eq3A_265 = arith.cmpi eq, %get3A_229, %eq3A_264 : vector<16xi32>
      %select_n3A_266 = arith.select %eq3A_265, %get3A_232, %broadcast_in_dim3A_3 : vector<16xi1>, vector<16xf32>
      %add3A_267 = arith.addf %select_n3A_262, %select_n3A_266 : vector<16xf32>
      %swap3A_268 = arith.constant 272 : index
      %swap3A_269 = tpu.vector_load %arg7[%swap3A_268] {strides = array<i32>} : memref<2048xf32, #tpu.memory_space<vmem>>, vector<16xf32>,
      %swap3A_270 = vector.shape_cast %swap3A_269 : vector<16xf32> to vector<16xf32>
      %swap3A_271 = vector.shape_cast %add3A_267 : vector<16xf32> to vector<16xf32>
      tpu.vector_store %arg7[%swap3A_268], %swap3A_271 {strides = array<i32>} : memref<2048xf32, #tpu.memory_space<vmem>>, vector<16xf32>,
      %eq3A_272 = arith.constant 3 : i32
      %eq3A_273 = vector.broadcast %eq3A_272 : i32 to vector<16xi32>
      %eq3A_274 = arith.cmpi eq, %get3A_223, %eq3A_273 : vector<16xi32>
      %select_n3A_275 = arith.select %eq3A_274, %get3A_226, %broadcast_in_dim3A_3 : vector<16xi1>, vector<16xf32>
      %eq3A_276 = arith.constant 3 : i32
      %eq3A_277 = vector.broadcast %eq3A_276 : i32 to vector<16xi32>
      %eq3A_278 = arith.cmpi eq, %get3A_229, %eq3A_277 : vector<16xi32>
      %select_n3A_279 = arith.select %eq3A_278, %get3A_232, %broadcast_in_dim3A_3 : vector<16xi1>, vector<16xf32>
      %add3A_280 = arith.addf %select_n3A_275, %select_n3A_279 : vector<16xf32>
      %swap3A_281 = arith.constant 400 : index
      %swap3A_282 = tpu.vector_load %arg7[%swap3A_281] {strides = array<i32>} : memref<2048xf32, #tpu.memory_space<vmem>>, vector<16xf32>,
      %swap3A_283 = vector.shape_cast %swap3A_282 : vector<16xf32> to vector<16xf32>
      %swap3A_284 = vector.shape_cast %add3A_280 : vector<16xf32> to vector<16xf32>
      tpu.vector_store %arg7[%swap3A_281], %swap3A_284 {strides = array<i32>} : memref<2048xf32, #tpu.memory_space<vmem>>, vector<16xf32>,
      %eq3A_285 = arith.constant 4 : i32
      %eq3A_286 = vector.broadcast %eq3A_285 : i32 to vector<16xi32>
      %eq3A_287 = arith.cmpi eq, %get3A_223, %eq3A_286 : vector<16xi32>
      %select_n3A_288 = arith.select %eq3A_287, %get3A_226, %broadcast_in_dim3A_3 : vector<16xi1>, vector<16xf32>
      %eq3A_289 = arith.constant 4 : i32
      %eq3A_290 = vector.broadcast %eq3A_289 : i32 to vector<16xi32>
      %eq3A_291 = arith.cmpi eq, %get3A_229, %eq3A_290 : vector<16xi32>
      %select_n3A_292 = arith.select %eq3A_291, %get3A_232, %broadcast_in_dim3A_3 : vector<16xi1>, vector<16xf32>
      %add3A_293 = arith.addf %select_n3A_288, %select_n3A_292 : vector<16xf32>
      %swap3A_294 = arith.constant 528 : index
      %swap3A_295 = tpu.vector_load %arg7[%swap3A_294] {strides = array<i32>} : memref<2048xf32, #tpu.memory_space<vmem>>, vector<16xf32>,
      %swap3A_296 = vector.shape_cast %swap3A_295 : vector<16xf32> to vector<16xf32>
      %swap3A_297 = vector.shape_cast %add3A_293 : vector<16xf32> to vector<16xf32>
      tpu.vector_store %arg7[%swap3A_294], %swap3A_297 {strides = array<i32>} : memref<2048xf32, #tpu.memory_space<vmem>>, vector<16xf32>,
      %eq3A_298 = arith.constant 5 : i32
      %eq3A_299 = vector.broadcast %eq3A_298 : i32 to vector<16xi32>
      %eq3A_300 = arith.cmpi eq, %get3A_223, %eq3A_299 : vector<16xi32>
      %select_n3A_301 = arith.select %eq3A_300, %get3A_226, %broadcast_in_dim3A_3 : vector<16xi1>, vector<16xf32>
      %eq3A_302 = arith.constant 5 : i32
      %eq3A_303 = vector.broadcast %eq3A_302 : i32 to vector<16xi32>
      %eq3A_304 = arith.cmpi eq, %get3A_229, %eq3A_303 : vector<16xi32>
      %select_n3A_305 = arith.select %eq3A_304, %get3A_232, %broadcast_in_dim3A_3 : vector<16xi1>, vector<16xf32>
      %add3A_306 = arith.addf %select_n3A_301, %select_n3A_305 : vector<16xf32>
      %swap3A_307 = arith.constant 656 : index
      %swap3A_308 = tpu.vector_load %arg7[%swap3A_307] {strides = array<i32>} : memref<2048xf32, #tpu.memory_space<vmem>>, vector<16xf32>,
      %swap3A_309 = vector.shape_cast %swap3A_308 : vector<16xf32> to vector<16xf32>
      %swap3A_310 = vector.shape_cast %add3A_306 : vector<16xf32> to vector<16xf32>
      tpu.vector_store %arg7[%swap3A_307], %swap3A_310 {strides = array<i32>} : memref<2048xf32, #tpu.memory_space<vmem>>, vector<16xf32>,
      %eq3A_311 = arith.constant 6 : i32
      %eq3A_312 = vector.broadcast %eq3A_311 : i32 to vector<16xi32>
      %eq3A_313 = arith.cmpi eq, %get3A_223, %eq3A_312 : vector<16xi32>
      %select_n3A_314 = arith.select %eq3A_313, %get3A_226, %broadcast_in_dim3A_3 : vector<16xi1>, vector<16xf32>
      %eq3A_315 = arith.constant 6 : i32
      %eq3A_316 = vector.broadcast %eq3A_315 : i32 to vector<16xi32>
      %eq3A_317 = arith.cmpi eq, %get3A_229, %eq3A_316 : vector<16xi32>
      %select_n3A_318 = arith.select %eq3A_317, %get3A_232, %broadcast_in_dim3A_3 : vector<16xi1>, vector<16xf32>
      %add3A_319 = arith.addf %select_n3A_314, %select_n3A_318 : vector<16xf32>
      %swap3A_320 = arith.constant 784 : index
      %swap3A_321 = tpu.vector_load %arg7[%swap3A_320] {strides = array<i32>} : memref<2048xf32, #tpu.memory_space<vmem>>, vector<16xf32>,
      %swap3A_322 = vector.shape_cast %swap3A_321 : vector<16xf32> to vector<16xf32>
      %swap3A_323 = vector.shape_cast %add3A_319 : vector<16xf32> to vector<16xf32>
      tpu.vector_store %arg7[%swap3A_320], %swap3A_323 {strides = array<i32>} : memref<2048xf32, #tpu.memory_space<vmem>>, vector<16xf32>,
      %eq3A_324 = arith.constant 7 : i32
      %eq3A_325 = vector.broadcast %eq3A_324 : i32 to vector<16xi32>
      %eq3A_326 = arith.cmpi eq, %get3A_223, %eq3A_325 : vector<16xi32>
      %select_n3A_327 = arith.select %eq3A_326, %get3A_226, %broadcast_in_dim3A_3 : vector<16xi1>, vector<16xf32>
      %eq3A_328 = arith.constant 7 : i32
      %eq3A_329 = vector.broadcast %eq3A_328 : i32 to vector<16xi32>
      %eq3A_330 = arith.cmpi eq, %get3A_229, %eq3A_329 : vector<16xi32>
      %select_n3A_331 = arith.select %eq3A_330, %get3A_232, %broadcast_in_dim3A_3 : vector<16xi1>, vector<16xf32>
      %add3A_332 = arith.addf %select_n3A_327, %select_n3A_331 : vector<16xf32>
      %swap3A_333 = arith.constant 912 : index
      %swap3A_334 = tpu.vector_load %arg7[%swap3A_333] {strides = array<i32>} : memref<2048xf32, #tpu.memory_space<vmem>>, vector<16xf32>,
      %swap3A_335 = vector.shape_cast %swap3A_334 : vector<16xf32> to vector<16xf32>
      %swap3A_336 = vector.shape_cast %add3A_332 : vector<16xf32> to vector<16xf32>
      tpu.vector_store %arg7[%swap3A_333], %swap3A_336 {strides = array<i32>} : memref<2048xf32, #tpu.memory_space<vmem>>, vector<16xf32>,
      %eq3A_337 = arith.constant 8 : i32
      %eq3A_338 = vector.broadcast %eq3A_337 : i32 to vector<16xi32>
      %eq3A_339 = arith.cmpi eq, %get3A_223, %eq3A_338 : vector<16xi32>
      %select_n3A_340 = arith.select %eq3A_339, %get3A_226, %broadcast_in_dim3A_3 : vector<16xi1>, vector<16xf32>
      %eq3A_341 = arith.constant 8 : i32
      %eq3A_342 = vector.broadcast %eq3A_341 : i32 to vector<16xi32>
      %eq3A_343 = arith.cmpi eq, %get3A_229, %eq3A_342 : vector<16xi32>
      %select_n3A_344 = arith.select %eq3A_343, %get3A_232, %broadcast_in_dim3A_3 : vector<16xi1>, vector<16xf32>
      %add3A_345 = arith.addf %select_n3A_340, %select_n3A_344 : vector<16xf32>
      %swap3A_346 = arith.constant 1040 : index
      %swap3A_347 = tpu.vector_load %arg7[%swap3A_346] {strides = array<i32>} : memref<2048xf32, #tpu.memory_space<vmem>>, vector<16xf32>,
      %swap3A_348 = vector.shape_cast %swap3A_347 : vector<16xf32> to vector<16xf32>
      %swap3A_349 = vector.shape_cast %add3A_345 : vector<16xf32> to vector<16xf32>
      tpu.vector_store %arg7[%swap3A_346], %swap3A_349 {strides = array<i32>} : memref<2048xf32, #tpu.memory_space<vmem>>, vector<16xf32>,
      %eq3A_350 = arith.constant 9 : i32
      %eq3A_351 = vector.broadcast %eq3A_350 : i32 to vector<16xi32>
      %eq3A_352 = arith.cmpi eq, %get3A_223, %eq3A_351 : vector<16xi32>
      %select_n3A_353 = arith.select %eq3A_352, %get3A_226, %broadcast_in_dim3A_3 : vector<16xi1>, vector<16xf32>
      %eq3A_354 = arith.constant 9 : i32
      %eq3A_355 = vector.broadcast %eq3A_354 : i32 to vector<16xi32>
      %eq3A_356 = arith.cmpi eq, %get3A_229, %eq3A_355 : vector<16xi32>
      %select_n3A_357 = arith.select %eq3A_356, %get3A_232, %broadcast_in_dim3A_3 : vector<16xi1>, vector<16xf32>
      %add3A_358 = arith.addf %select_n3A_353, %select_n3A_357 : vector<16xf32>
      %swap3A_359 = arith.constant 1168 : index
      %swap3A_360 = tpu.vector_load %arg7[%swap3A_359] {strides = array<i32>} : memref<2048xf32, #tpu.memory_space<vmem>>, vector<16xf32>,
      %swap3A_361 = vector.shape_cast %swap3A_360 : vector<16xf32> to vector<16xf32>
      %swap3A_362 = vector.shape_cast %add3A_358 : vector<16xf32> to vector<16xf32>
      tpu.vector_store %arg7[%swap3A_359], %swap3A_362 {strides = array<i32>} : memref<2048xf32, #tpu.memory_space<vmem>>, vector<16xf32>,
      %eq3A_363 = arith.constant 10 : i32
      %eq3A_364 = vector.broadcast %eq3A_363 : i32 to vector<16xi32>
      %eq3A_365 = arith.cmpi eq, %get3A_223, %eq3A_364 : vector<16xi32>
      %select_n3A_366 = arith.select %eq3A_365, %get3A_226, %broadcast_in_dim3A_3 : vector<16xi1>, vector<16xf32>
      %eq3A_367 = arith.constant 10 : i32
      %eq3A_368 = vector.broadcast %eq3A_367 : i32 to vector<16xi32>
      %eq3A_369 = arith.cmpi eq, %get3A_229, %eq3A_368 : vector<16xi32>
      %select_n3A_370 = arith.select %eq3A_369, %get3A_232, %broadcast_in_dim3A_3 : vector<16xi1>, vector<16xf32>
      %add3A_371 = arith.addf %select_n3A_366, %select_n3A_370 : vector<16xf32>
      %swap3A_372 = arith.constant 1296 : index
      %swap3A_373 = tpu.vector_load %arg7[%swap3A_372] {strides = array<i32>} : memref<2048xf32, #tpu.memory_space<vmem>>, vector<16xf32>,
      %swap3A_374 = vector.shape_cast %swap3A_373 : vector<16xf32> to vector<16xf32>
      %swap3A_375 = vector.shape_cast %add3A_371 : vector<16xf32> to vector<16xf32>
      tpu.vector_store %arg7[%swap3A_372], %swap3A_375 {strides = array<i32>} : memref<2048xf32, #tpu.memory_space<vmem>>, vector<16xf32>,
      %eq3A_376 = arith.constant 11 : i32
      %eq3A_377 = vector.broadcast %eq3A_376 : i32 to vector<16xi32>
      %eq3A_378 = arith.cmpi eq, %get3A_223, %eq3A_377 : vector<16xi32>
      %select_n3A_379 = arith.select %eq3A_378, %get3A_226, %broadcast_in_dim3A_3 : vector<16xi1>, vector<16xf32>
      %eq3A_380 = arith.constant 11 : i32
      %eq3A_381 = vector.broadcast %eq3A_380 : i32 to vector<16xi32>
      %eq3A_382 = arith.cmpi eq, %get3A_229, %eq3A_381 : vector<16xi32>
      %select_n3A_383 = arith.select %eq3A_382, %get3A_232, %broadcast_in_dim3A_3 : vector<16xi1>, vector<16xf32>
      %add3A_384 = arith.addf %select_n3A_379, %select_n3A_383 : vector<16xf32>
      %swap3A_385 = arith.constant 1424 : index
      %swap3A_386 = tpu.vector_load %arg7[%swap3A_385] {strides = array<i32>} : memref<2048xf32, #tpu.memory_space<vmem>>, vector<16xf32>,
      %swap3A_387 = vector.shape_cast %swap3A_386 : vector<16xf32> to vector<16xf32>
      %swap3A_388 = vector.shape_cast %add3A_384 : vector<16xf32> to vector<16xf32>
      tpu.vector_store %arg7[%swap3A_385], %swap3A_388 {strides = array<i32>} : memref<2048xf32, #tpu.memory_space<vmem>>, vector<16xf32>,
      %eq3A_389 = arith.constant 12 : i32
      %eq3A_390 = vector.broadcast %eq3A_389 : i32 to vector<16xi32>
      %eq3A_391 = arith.cmpi eq, %get3A_223, %eq3A_390 : vector<16xi32>
      %select_n3A_392 = arith.select %eq3A_391, %get3A_226, %broadcast_in_dim3A_3 : vector<16xi1>, vector<16xf32>
      %eq3A_393 = arith.constant 12 : i32
      %eq3A_394 = vector.broadcast %eq3A_393 : i32 to vector<16xi32>
      %eq3A_395 = arith.cmpi eq, %get3A_229, %eq3A_394 : vector<16xi32>
      %select_n3A_396 = arith.select %eq3A_395, %get3A_232, %broadcast_in_dim3A_3 : vector<16xi1>, vector<16xf32>
      %add3A_397 = arith.addf %select_n3A_392, %select_n3A_396 : vector<16xf32>
      %swap3A_398 = arith.constant 1552 : index
      %swap3A_399 = tpu.vector_load %arg7[%swap3A_398] {strides = array<i32>} : memref<2048xf32, #tpu.memory_space<vmem>>, vector<16xf32>,
      %swap3A_400 = vector.shape_cast %swap3A_399 : vector<16xf32> to vector<16xf32>
      %swap3A_401 = vector.shape_cast %add3A_397 : vector<16xf32> to vector<16xf32>
      tpu.vector_store %arg7[%swap3A_398], %swap3A_401 {strides = array<i32>} : memref<2048xf32, #tpu.memory_space<vmem>>, vector<16xf32>,
      %eq3A_402 = arith.constant 13 : i32
      %eq3A_403 = vector.broadcast %eq3A_402 : i32 to vector<16xi32>
      %eq3A_404 = arith.cmpi eq, %get3A_223, %eq3A_403 : vector<16xi32>
      %select_n3A_405 = arith.select %eq3A_404, %get3A_226, %broadcast_in_dim3A_3 : vector<16xi1>, vector<16xf32>
      %eq3A_406 = arith.constant 13 : i32
      %eq3A_407 = vector.broadcast %eq3A_406 : i32 to vector<16xi32>
      %eq3A_408 = arith.cmpi eq, %get3A_229, %eq3A_407 : vector<16xi32>
      %select_n3A_409 = arith.select %eq3A_408, %get3A_232, %broadcast_in_dim3A_3 : vector<16xi1>, vector<16xf32>
      %add3A_410 = arith.addf %select_n3A_405, %select_n3A_409 : vector<16xf32>
      %swap3A_411 = arith.constant 1680 : index
      %swap3A_412 = tpu.vector_load %arg7[%swap3A_411] {strides = array<i32>} : memref<2048xf32, #tpu.memory_space<vmem>>, vector<16xf32>,
      %swap3A_413 = vector.shape_cast %swap3A_412 : vector<16xf32> to vector<16xf32>
      %swap3A_414 = vector.shape_cast %add3A_410 : vector<16xf32> to vector<16xf32>
      tpu.vector_store %arg7[%swap3A_411], %swap3A_414 {strides = array<i32>} : memref<2048xf32, #tpu.memory_space<vmem>>, vector<16xf32>,
      %eq3A_415 = arith.constant 14 : i32
      %eq3A_416 = vector.broadcast %eq3A_415 : i32 to vector<16xi32>
      %eq3A_417 = arith.cmpi eq, %get3A_223, %eq3A_416 : vector<16xi32>
      %select_n3A_418 = arith.select %eq3A_417, %get3A_226, %broadcast_in_dim3A_3 : vector<16xi1>, vector<16xf32>
      %eq3A_419 = arith.constant 14 : i32
      %eq3A_420 = vector.broadcast %eq3A_419 : i32 to vector<16xi32>
      %eq3A_421 = arith.cmpi eq, %get3A_229, %eq3A_420 : vector<16xi32>
      %select_n3A_422 = arith.select %eq3A_421, %get3A_232, %broadcast_in_dim3A_3 : vector<16xi1>, vector<16xf32>
      %add3A_423 = arith.addf %select_n3A_418, %select_n3A_422 : vector<16xf32>
      %swap3A_424 = arith.constant 1808 : index
      %swap3A_425 = tpu.vector_load %arg7[%swap3A_424] {strides = array<i32>} : memref<2048xf32, #tpu.memory_space<vmem>>, vector<16xf32>,
      %swap3A_426 = vector.shape_cast %swap3A_425 : vector<16xf32> to vector<16xf32>
      %swap3A_427 = vector.shape_cast %add3A_423 : vector<16xf32> to vector<16xf32>
      tpu.vector_store %arg7[%swap3A_424], %swap3A_427 {strides = array<i32>} : memref<2048xf32, #tpu.memory_space<vmem>>, vector<16xf32>,
      %eq3A_428 = arith.constant 15 : i32
      %eq3A_429 = vector.broadcast %eq3A_428 : i32 to vector<16xi32>
      %eq3A_430 = arith.cmpi eq, %get3A_223, %eq3A_429 : vector<16xi32>
      %select_n3A_431 = arith.select %eq3A_430, %get3A_226, %broadcast_in_dim3A_3 : vector<16xi1>, vector<16xf32>
      %eq3A_432 = arith.constant 15 : i32
      %eq3A_433 = vector.broadcast %eq3A_432 : i32 to vector<16xi32>
      %eq3A_434 = arith.cmpi eq, %get3A_229, %eq3A_433 : vector<16xi32>
      %select_n3A_435 = arith.select %eq3A_434, %get3A_232, %broadcast_in_dim3A_3 : vector<16xi1>, vector<16xf32>
      %add3A_436 = arith.addf %select_n3A_431, %select_n3A_435 : vector<16xf32>
      %swap3A_437 = arith.constant 1936 : index
      %swap3A_438 = tpu.vector_load %arg7[%swap3A_437] {strides = array<i32>} : memref<2048xf32, #tpu.memory_space<vmem>>, vector<16xf32>,
      %swap3A_439 = vector.shape_cast %swap3A_438 : vector<16xf32> to vector<16xf32>
      %swap3A_440 = vector.shape_cast %add3A_436 : vector<16xf32> to vector<16xf32>
      tpu.vector_store %arg7[%swap3A_437], %swap3A_440 {strides = array<i32>} : memref<2048xf32, #tpu.memory_space<vmem>>, vector<16xf32>,
      %get3A_441 = arith.constant 32 : index
      %get3A_442 = tpu.vector_load %arg5[%get3A_441] {strides = array<i32>} : memref<256xi32, #tpu.memory_space<vmem>>, vector<16xi32>,
      %get3A_443 = vector.shape_cast %get3A_442 : vector<16xi32> to vector<16xi32>
      %get3A_444 = arith.constant 32 : index
      %get3A_445 = tpu.vector_load %arg6[%get3A_444] {strides = array<i32>} : memref<256xf32, #tpu.memory_space<vmem>>, vector<16xf32>,
      %get3A_446 = vector.shape_cast %get3A_445 : vector<16xf32> to vector<16xf32>
      %get3A_447 = arith.constant 160 : index
      %get3A_448 = tpu.vector_load %arg5[%get3A_447] {strides = array<i32>} : memref<256xi32, #tpu.memory_space<vmem>>, vector<16xi32>,
      %get3A_449 = vector.shape_cast %get3A_448 : vector<16xi32> to vector<16xi32>
      %get3A_450 = arith.constant 160 : index
      %get3A_451 = tpu.vector_load %arg6[%get3A_450] {strides = array<i32>} : memref<256xf32, #tpu.memory_space<vmem>>, vector<16xf32>,
      %get3A_452 = vector.shape_cast %get3A_451 : vector<16xf32> to vector<16xf32>
      %eq3A_453 = arith.constant 0 : i32
      %eq3A_454 = vector.broadcast %eq3A_453 : i32 to vector<16xi32>
      %eq3A_455 = arith.cmpi eq, %get3A_443, %eq3A_454 : vector<16xi32>
      %select_n3A_456 = arith.select %eq3A_455, %get3A_446, %broadcast_in_dim3A_3 : vector<16xi1>, vector<16xf32>
      %eq3A_457 = arith.constant 0 : i32
      %eq3A_458 = vector.broadcast %eq3A_457 : i32 to vector<16xi32>
      %eq3A_459 = arith.cmpi eq, %get3A_449, %eq3A_458 : vector<16xi32>
      %select_n3A_460 = arith.select %eq3A_459, %get3A_452, %broadcast_in_dim3A_3 : vector<16xi1>, vector<16xf32>
      %add3A_461 = arith.addf %select_n3A_456, %select_n3A_460 : vector<16xf32>
      %swap3A_462 = arith.constant 32 : index
      %swap3A_463 = tpu.vector_load %arg7[%swap3A_462] {strides = array<i32>} : memref<2048xf32, #tpu.memory_space<vmem>>, vector<16xf32>,
      %swap3A_464 = vector.shape_cast %swap3A_463 : vector<16xf32> to vector<16xf32>
      %swap3A_465 = vector.shape_cast %add3A_461 : vector<16xf32> to vector<16xf32>
      tpu.vector_store %arg7[%swap3A_462], %swap3A_465 {strides = array<i32>} : memref<2048xf32, #tpu.memory_space<vmem>>, vector<16xf32>,
      %eq3A_466 = arith.constant 1 : i32
      %eq3A_467 = vector.broadcast %eq3A_466 : i32 to vector<16xi32>
      %eq3A_468 = arith.cmpi eq, %get3A_443, %eq3A_467 : vector<16xi32>
      %select_n3A_469 = arith.select %eq3A_468, %get3A_446, %broadcast_in_dim3A_3 : vector<16xi1>, vector<16xf32>
      %eq3A_470 = arith.constant 1 : i32
      %eq3A_471 = vector.broadcast %eq3A_470 : i32 to vector<16xi32>
      %eq3A_472 = arith.cmpi eq, %get3A_449, %eq3A_471 : vector<16xi32>
      %select_n3A_473 = arith.select %eq3A_472, %get3A_452, %broadcast_in_dim3A_3 : vector<16xi1>, vector<16xf32>
      %add3A_474 = arith.addf %select_n3A_469, %select_n3A_473 : vector<16xf32>
      %swap3A_475 = arith.constant 160 : index
      %swap3A_476 = tpu.vector_load %arg7[%swap3A_475] {strides = array<i32>} : memref<2048xf32, #tpu.memory_space<vmem>>, vector<16xf32>,
      %swap3A_477 = vector.shape_cast %swap3A_476 : vector<16xf32> to vector<16xf32>
      %swap3A_478 = vector.shape_cast %add3A_474 : vector<16xf32> to vector<16xf32>
      tpu.vector_store %arg7[%swap3A_475], %swap3A_478 {strides = array<i32>} : memref<2048xf32, #tpu.memory_space<vmem>>, vector<16xf32>,
      %eq3A_479 = arith.constant 2 : i32
      %eq3A_480 = vector.broadcast %eq3A_479 : i32 to vector<16xi32>
      %eq3A_481 = arith.cmpi eq, %get3A_443, %eq3A_480 : vector<16xi32>
      %select_n3A_482 = arith.select %eq3A_481, %get3A_446, %broadcast_in_dim3A_3 : vector<16xi1>, vector<16xf32>
      %eq3A_483 = arith.constant 2 : i32
      %eq3A_484 = vector.broadcast %eq3A_483 : i32 to vector<16xi32>
      %eq3A_485 = arith.cmpi eq, %get3A_449, %eq3A_484 : vector<16xi32>
      %select_n3A_486 = arith.select %eq3A_485, %get3A_452, %broadcast_in_dim3A_3 : vector<16xi1>, vector<16xf32>
      %add3A_487 = arith.addf %select_n3A_482, %select_n3A_486 : vector<16xf32>
      %swap3A_488 = arith.constant 288 : index
      %swap3A_489 = tpu.vector_load %arg7[%swap3A_488] {strides = array<i32>} : memref<2048xf32, #tpu.memory_space<vmem>>, vector<16xf32>,
      %swap3A_490 = vector.shape_cast %swap3A_489 : vector<16xf32> to vector<16xf32>
      %swap3A_491 = vector.shape_cast %add3A_487 : vector<16xf32> to vector<16xf32>
      tpu.vector_store %arg7[%swap3A_488], %swap3A_491 {strides = array<i32>} : memref<2048xf32, #tpu.memory_space<vmem>>, vector<16xf32>,
      %eq3A_492 = arith.constant 3 : i32
      %eq3A_493 = vector.broadcast %eq3A_492 : i32 to vector<16xi32>
      %eq3A_494 = arith.cmpi eq, %get3A_443, %eq3A_493 : vector<16xi32>
      %select_n3A_495 = arith.select %eq3A_494, %get3A_446, %broadcast_in_dim3A_3 : vector<16xi1>, vector<16xf32>
      %eq3A_496 = arith.constant 3 : i32
      %eq3A_497 = vector.broadcast %eq3A_496 : i32 to vector<16xi32>
      %eq3A_498 = arith.cmpi eq, %get3A_449, %eq3A_497 : vector<16xi32>
      %select_n3A_499 = arith.select %eq3A_498, %get3A_452, %broadcast_in_dim3A_3 : vector<16xi1>, vector<16xf32>
      %add3A_500 = arith.addf %select_n3A_495, %select_n3A_499 : vector<16xf32>
      %swap3A_501 = arith.constant 416 : index
      %swap3A_502 = tpu.vector_load %arg7[%swap3A_501] {strides = array<i32>} : memref<2048xf32, #tpu.memory_space<vmem>>, vector<16xf32>,
      %swap3A_503 = vector.shape_cast %swap3A_502 : vector<16xf32> to vector<16xf32>
      %swap3A_504 = vector.shape_cast %add3A_500 : vector<16xf32> to vector<16xf32>
      tpu.vector_store %arg7[%swap3A_501], %swap3A_504 {strides = array<i32>} : memref<2048xf32, #tpu.memory_space<vmem>>, vector<16xf32>,
      %eq3A_505 = arith.constant 4 : i32
      %eq3A_506 = vector.broadcast %eq3A_505 : i32 to vector<16xi32>
      %eq3A_507 = arith.cmpi eq, %get3A_443, %eq3A_506 : vector<16xi32>
      %select_n3A_508 = arith.select %eq3A_507, %get3A_446, %broadcast_in_dim3A_3 : vector<16xi1>, vector<16xf32>
      %eq3A_509 = arith.constant 4 : i32
      %eq3A_510 = vector.broadcast %eq3A_509 : i32 to vector<16xi32>
      %eq3A_511 = arith.cmpi eq, %get3A_449, %eq3A_510 : vector<16xi32>
      %select_n3A_512 = arith.select %eq3A_511, %get3A_452, %broadcast_in_dim3A_3 : vector<16xi1>, vector<16xf32>
      %add3A_513 = arith.addf %select_n3A_508, %select_n3A_512 : vector<16xf32>
      %swap3A_514 = arith.constant 544 : index
      %swap3A_515 = tpu.vector_load %arg7[%swap3A_514] {strides = array<i32>} : memref<2048xf32, #tpu.memory_space<vmem>>, vector<16xf32>,
      %swap3A_516 = vector.shape_cast %swap3A_515 : vector<16xf32> to vector<16xf32>
      %swap3A_517 = vector.shape_cast %add3A_513 : vector<16xf32> to vector<16xf32>
      tpu.vector_store %arg7[%swap3A_514], %swap3A_517 {strides = array<i32>} : memref<2048xf32, #tpu.memory_space<vmem>>, vector<16xf32>,
      %eq3A_518 = arith.constant 5 : i32
      %eq3A_519 = vector.broadcast %eq3A_518 : i32 to vector<16xi32>
      %eq3A_520 = arith.cmpi eq, %get3A_443, %eq3A_519 : vector<16xi32>
      %select_n3A_521 = arith.select %eq3A_520, %get3A_446, %broadcast_in_dim3A_3 : vector<16xi1>, vector<16xf32>
      %eq3A_522 = arith.constant 5 : i32
      %eq3A_523 = vector.broadcast %eq3A_522 : i32 to vector<16xi32>
      %eq3A_524 = arith.cmpi eq, %get3A_449, %eq3A_523 : vector<16xi32>
      %select_n3A_525 = arith.select %eq3A_524, %get3A_452, %broadcast_in_dim3A_3 : vector<16xi1>, vector<16xf32>
      %add3A_526 = arith.addf %select_n3A_521, %select_n3A_525 : vector<16xf32>
      %swap3A_527 = arith.constant 672 : index
      %swap3A_528 = tpu.vector_load %arg7[%swap3A_527] {strides = array<i32>} : memref<2048xf32, #tpu.memory_space<vmem>>, vector<16xf32>,
      %swap3A_529 = vector.shape_cast %swap3A_528 : vector<16xf32> to vector<16xf32>
      %swap3A_530 = vector.shape_cast %add3A_526 : vector<16xf32> to vector<16xf32>
      tpu.vector_store %arg7[%swap3A_527], %swap3A_530 {strides = array<i32>} : memref<2048xf32, #tpu.memory_space<vmem>>, vector<16xf32>,
      %eq3A_531 = arith.constant 6 : i32
      %eq3A_532 = vector.broadcast %eq3A_531 : i32 to vector<16xi32>
      %eq3A_533 = arith.cmpi eq, %get3A_443, %eq3A_532 : vector<16xi32>
      %select_n3A_534 = arith.select %eq3A_533, %get3A_446, %broadcast_in_dim3A_3 : vector<16xi1>, vector<16xf32>
      %eq3A_535 = arith.constant 6 : i32
      %eq3A_536 = vector.broadcast %eq3A_535 : i32 to vector<16xi32>
      %eq3A_537 = arith.cmpi eq, %get3A_449, %eq3A_536 : vector<16xi32>
      %select_n3A_538 = arith.select %eq3A_537, %get3A_452, %broadcast_in_dim3A_3 : vector<16xi1>, vector<16xf32>
      %add3A_539 = arith.addf %select_n3A_534, %select_n3A_538 : vector<16xf32>
      %swap3A_540 = arith.constant 800 : index
      %swap3A_541 = tpu.vector_load %arg7[%swap3A_540] {strides = array<i32>} : memref<2048xf32, #tpu.memory_space<vmem>>, vector<16xf32>,
      %swap3A_542 = vector.shape_cast %swap3A_541 : vector<16xf32> to vector<16xf32>
      %swap3A_543 = vector.shape_cast %add3A_539 : vector<16xf32> to vector<16xf32>
      tpu.vector_store %arg7[%swap3A_540], %swap3A_543 {strides = array<i32>} : memref<2048xf32, #tpu.memory_space<vmem>>, vector<16xf32>,
      %eq3A_544 = arith.constant 7 : i32
      %eq3A_545 = vector.broadcast %eq3A_544 : i32 to vector<16xi32>
      %eq3A_546 = arith.cmpi eq, %get3A_443, %eq3A_545 : vector<16xi32>
      %select_n3A_547 = arith.select %eq3A_546, %get3A_446, %broadcast_in_dim3A_3 : vector<16xi1>, vector<16xf32>
      %eq3A_548 = arith.constant 7 : i32
      %eq3A_549 = vector.broadcast %eq3A_548 : i32 to vector<16xi32>
      %eq3A_550 = arith.cmpi eq, %get3A_449, %eq3A_549 : vector<16xi32>
      %select_n3A_551 = arith.select %eq3A_550, %get3A_452, %broadcast_in_dim3A_3 : vector<16xi1>, vector<16xf32>
      %add3A_552 = arith.addf %select_n3A_547, %select_n3A_551 : vector<16xf32>
      %swap3A_553 = arith.constant 928 : index
      %swap3A_554 = tpu.vector_load %arg7[%swap3A_553] {strides = array<i32>} : memref<2048xf32, #tpu.memory_space<vmem>>, vector<16xf32>,
      %swap3A_555 = vector.shape_cast %swap3A_554 : vector<16xf32> to vector<16xf32>
      %swap3A_556 = vector.shape_cast %add3A_552 : vector<16xf32> to vector<16xf32>
      tpu.vector_store %arg7[%swap3A_553], %swap3A_556 {strides = array<i32>} : memref<2048xf32, #tpu.memory_space<vmem>>, vector<16xf32>,
      %eq3A_557 = arith.constant 8 : i32
      %eq3A_558 = vector.broadcast %eq3A_557 : i32 to vector<16xi32>
      %eq3A_559 = arith.cmpi eq, %get3A_443, %eq3A_558 : vector<16xi32>
      %select_n3A_560 = arith.select %eq3A_559, %get3A_446, %broadcast_in_dim3A_3 : vector<16xi1>, vector<16xf32>
      %eq3A_561 = arith.constant 8 : i32
      %eq3A_562 = vector.broadcast %eq3A_561 : i32 to vector<16xi32>
      %eq3A_563 = arith.cmpi eq, %get3A_449, %eq3A_562 : vector<16xi32>
      %select_n3A_564 = arith.select %eq3A_563, %get3A_452, %broadcast_in_dim3A_3 : vector<16xi1>, vector<16xf32>
      %add3A_565 = arith.addf %select_n3A_560, %select_n3A_564 : vector<16xf32>
      %swap3A_566 = arith.constant 1056 : index
      %swap3A_567 = tpu.vector_load %arg7[%swap3A_566] {strides = array<i32>} : memref<2048xf32, #tpu.memory_space<vmem>>, vector<16xf32>,
      %swap3A_568 = vector.shape_cast %swap3A_567 : vector<16xf32> to vector<16xf32>
      %swap3A_569 = vector.shape_cast %add3A_565 : vector<16xf32> to vector<16xf32>
      tpu.vector_store %arg7[%swap3A_566], %swap3A_569 {strides = array<i32>} : memref<2048xf32, #tpu.memory_space<vmem>>, vector<16xf32>,
      %eq3A_570 = arith.constant 9 : i32
      %eq3A_571 = vector.broadcast %eq3A_570 : i32 to vector<16xi32>
      %eq3A_572 = arith.cmpi eq, %get3A_443, %eq3A_571 : vector<16xi32>
      %select_n3A_573 = arith.select %eq3A_572, %get3A_446, %broadcast_in_dim3A_3 : vector<16xi1>, vector<16xf32>
      %eq3A_574 = arith.constant 9 : i32
      %eq3A_575 = vector.broadcast %eq3A_574 : i32 to vector<16xi32>
      %eq3A_576 = arith.cmpi eq, %get3A_449, %eq3A_575 : vector<16xi32>
      %select_n3A_577 = arith.select %eq3A_576, %get3A_452, %broadcast_in_dim3A_3 : vector<16xi1>, vector<16xf32>
      %add3A_578 = arith.addf %select_n3A_573, %select_n3A_577 : vector<16xf32>
      %swap3A_579 = arith.constant 1184 : index
      %swap3A_580 = tpu.vector_load %arg7[%swap3A_579] {strides = array<i32>} : memref<2048xf32, #tpu.memory_space<vmem>>, vector<16xf32>,
      %swap3A_581 = vector.shape_cast %swap3A_580 : vector<16xf32> to vector<16xf32>
      %swap3A_582 = vector.shape_cast %add3A_578 : vector<16xf32> to vector<16xf32>
      tpu.vector_store %arg7[%swap3A_579], %swap3A_582 {strides = array<i32>} : memref<2048xf32, #tpu.memory_space<vmem>>, vector<16xf32>,
      %eq3A_583 = arith.constant 10 : i32
      %eq3A_584 = vector.broadcast %eq3A_583 : i32 to vector<16xi32>
      %eq3A_585 = arith.cmpi eq, %get3A_443, %eq3A_584 : vector<16xi32>
      %select_n3A_586 = arith.select %eq3A_585, %get3A_446, %broadcast_in_dim3A_3 : vector<16xi1>, vector<16xf32>
      %eq3A_587 = arith.constant 10 : i32
      %eq3A_588 = vector.broadcast %eq3A_587 : i32 to vector<16xi32>
      %eq3A_589 = arith.cmpi eq, %get3A_449, %eq3A_588 : vector<16xi32>
      %select_n3A_590 = arith.select %eq3A_589, %get3A_452, %broadcast_in_dim3A_3 : vector<16xi1>, vector<16xf32>
      %add3A_591 = arith.addf %select_n3A_586, %select_n3A_590 : vector<16xf32>
      %swap3A_592 = arith.constant 1312 : index
      %swap3A_593 = tpu.vector_load %arg7[%swap3A_592] {strides = array<i32>} : memref<2048xf32, #tpu.memory_space<vmem>>, vector<16xf32>,
      %swap3A_594 = vector.shape_cast %swap3A_593 : vector<16xf32> to vector<16xf32>
      %swap3A_595 = vector.shape_cast %add3A_591 : vector<16xf32> to vector<16xf32>
      tpu.vector_store %arg7[%swap3A_592], %swap3A_595 {strides = array<i32>} : memref<2048xf32, #tpu.memory_space<vmem>>, vector<16xf32>,
      %eq3A_596 = arith.constant 11 : i32
      %eq3A_597 = vector.broadcast %eq3A_596 : i32 to vector<16xi32>
      %eq3A_598 = arith.cmpi eq, %get3A_443, %eq3A_597 : vector<16xi32>
      %select_n3A_599 = arith.select %eq3A_598, %get3A_446, %broadcast_in_dim3A_3 : vector<16xi1>, vector<16xf32>
      %eq3A_600 = arith.constant 11 : i32
      %eq3A_601 = vector.broadcast %eq3A_600 : i32 to vector<16xi32>
      %eq3A_602 = arith.cmpi eq, %get3A_449, %eq3A_601 : vector<16xi32>
      %select_n3A_603 = arith.select %eq3A_602, %get3A_452, %broadcast_in_dim3A_3 : vector<16xi1>, vector<16xf32>
      %add3A_604 = arith.addf %select_n3A_599, %select_n3A_603 : vector<16xf32>
      %swap3A_605 = arith.constant 1440 : index
      %swap3A_606 = tpu.vector_load %arg7[%swap3A_605] {strides = array<i32>} : memref<2048xf32, #tpu.memory_space<vmem>>, vector<16xf32>,
      %swap3A_607 = vector.shape_cast %swap3A_606 : vector<16xf32> to vector<16xf32>
      %swap3A_608 = vector.shape_cast %add3A_604 : vector<16xf32> to vector<16xf32>
      tpu.vector_store %arg7[%swap3A_605], %swap3A_608 {strides = array<i32>} : memref<2048xf32, #tpu.memory_space<vmem>>, vector<16xf32>,
      %eq3A_609 = arith.constant 12 : i32
      %eq3A_610 = vector.broadcast %eq3A_609 : i32 to vector<16xi32>
      %eq3A_611 = arith.cmpi eq, %get3A_443, %eq3A_610 : vector<16xi32>
      %select_n3A_612 = arith.select %eq3A_611, %get3A_446, %broadcast_in_dim3A_3 : vector<16xi1>, vector<16xf32>
      %eq3A_613 = arith.constant 12 : i32
      %eq3A_614 = vector.broadcast %eq3A_613 : i32 to vector<16xi32>
      %eq3A_615 = arith.cmpi eq, %get3A_449, %eq3A_614 : vector<16xi32>
      %select_n3A_616 = arith.select %eq3A_615, %get3A_452, %broadcast_in_dim3A_3 : vector<16xi1>, vector<16xf32>
      %add3A_617 = arith.addf %select_n3A_612, %select_n3A_616 : vector<16xf32>
      %swap3A_618 = arith.constant 1568 : index
      %swap3A_619 = tpu.vector_load %arg7[%swap3A_618] {strides = array<i32>} : memref<2048xf32, #tpu.memory_space<vmem>>, vector<16xf32>,
      %swap3A_620 = vector.shape_cast %swap3A_619 : vector<16xf32> to vector<16xf32>
      %swap3A_621 = vector.shape_cast %add3A_617 : vector<16xf32> to vector<16xf32>
      tpu.vector_store %arg7[%swap3A_618], %swap3A_621 {strides = array<i32>} : memref<2048xf32, #tpu.memory_space<vmem>>, vector<16xf32>,
      %eq3A_622 = arith.constant 13 : i32
      %eq3A_623 = vector.broadcast %eq3A_622 : i32 to vector<16xi32>
      %eq3A_624 = arith.cmpi eq, %get3A_443, %eq3A_623 : vector<16xi32>
      %select_n3A_625 = arith.select %eq3A_624, %get3A_446, %broadcast_in_dim3A_3 : vector<16xi1>, vector<16xf32>
      %eq3A_626 = arith.constant 13 : i32
      %eq3A_627 = vector.broadcast %eq3A_626 : i32 to vector<16xi32>
      %eq3A_628 = arith.cmpi eq, %get3A_449, %eq3A_627 : vector<16xi32>
      %select_n3A_629 = arith.select %eq3A_628, %get3A_452, %broadcast_in_dim3A_3 : vector<16xi1>, vector<16xf32>
      %add3A_630 = arith.addf %select_n3A_625, %select_n3A_629 : vector<16xf32>
      %swap3A_631 = arith.constant 1696 : index
      %swap3A_632 = tpu.vector_load %arg7[%swap3A_631] {strides = array<i32>} : memref<2048xf32, #tpu.memory_space<vmem>>, vector<16xf32>,
      %swap3A_633 = vector.shape_cast %swap3A_632 : vector<16xf32> to vector<16xf32>
      %swap3A_634 = vector.shape_cast %add3A_630 : vector<16xf32> to vector<16xf32>
      tpu.vector_store %arg7[%swap3A_631], %swap3A_634 {strides = array<i32>} : memref<2048xf32, #tpu.memory_space<vmem>>, vector<16xf32>,
      %eq3A_635 = arith.constant 14 : i32
      %eq3A_636 = vector.broadcast %eq3A_635 : i32 to vector<16xi32>
      %eq3A_637 = arith.cmpi eq, %get3A_443, %eq3A_636 : vector<16xi32>
      %select_n3A_638 = arith.select %eq3A_637, %get3A_446, %broadcast_in_dim3A_3 : vector<16xi1>, vector<16xf32>
      %eq3A_639 = arith.constant 14 : i32
      %eq3A_640 = vector.broadcast %eq3A_639 : i32 to vector<16xi32>
      %eq3A_641 = arith.cmpi eq, %get3A_449, %eq3A_640 : vector<16xi32>
      %select_n3A_642 = arith.select %eq3A_641, %get3A_452, %broadcast_in_dim3A_3 : vector<16xi1>, vector<16xf32>
      %add3A_643 = arith.addf %select_n3A_638, %select_n3A_642 : vector<16xf32>
      %swap3A_644 = arith.constant 1824 : index
      %swap3A_645 = tpu.vector_load %arg7[%swap3A_644] {strides = array<i32>} : memref<2048xf32, #tpu.memory_space<vmem>>, vector<16xf32>,
      %swap3A_646 = vector.shape_cast %swap3A_645 : vector<16xf32> to vector<16xf32>
      %swap3A_647 = vector.shape_cast %add3A_643 : vector<16xf32> to vector<16xf32>
      tpu.vector_store %arg7[%swap3A_644], %swap3A_647 {strides = array<i32>} : memref<2048xf32, #tpu.memory_space<vmem>>, vector<16xf32>,
      %eq3A_648 = arith.constant 15 : i32
      %eq3A_649 = vector.broadcast %eq3A_648 : i32 to vector<16xi32>
      %eq3A_650 = arith.cmpi eq, %get3A_443, %eq3A_649 : vector<16xi32>
      %select_n3A_651 = arith.select %eq3A_650, %get3A_446, %broadcast_in_dim3A_3 : vector<16xi1>, vector<16xf32>
      %eq3A_652 = arith.constant 15 : i32
      %eq3A_653 = vector.broadcast %eq3A_652 : i32 to vector<16xi32>
      %eq3A_654 = arith.cmpi eq, %get3A_449, %eq3A_653 : vector<16xi32>
      %select_n3A_655 = arith.select %eq3A_654, %get3A_452, %broadcast_in_dim3A_3 : vector<16xi1>, vector<16xf32>
      %add3A_656 = arith.addf %select_n3A_651, %select_n3A_655 : vector<16xf32>
      %swap3A_657 = arith.constant 1952 : index
      %swap3A_658 = tpu.vector_load %arg7[%swap3A_657] {strides = array<i32>} : memref<2048xf32, #tpu.memory_space<vmem>>, vector<16xf32>,
      %swap3A_659 = vector.shape_cast %swap3A_658 : vector<16xf32> to vector<16xf32>
      %swap3A_660 = vector.shape_cast %add3A_656 : vector<16xf32> to vector<16xf32>
      tpu.vector_store %arg7[%swap3A_657], %swap3A_660 {strides = array<i32>} : memref<2048xf32, #tpu.memory_space<vmem>>, vector<16xf32>,
      %get3A_661 = arith.constant 48 : index
      %get3A_662 = tpu.vector_load %arg5[%get3A_661] {strides = array<i32>} : memref<256xi32, #tpu.memory_space<vmem>>, vector<16xi32>,
      %get3A_663 = vector.shape_cast %get3A_662 : vector<16xi32> to vector<16xi32>
      %get3A_664 = arith.constant 48 : index
      %get3A_665 = tpu.vector_load %arg6[%get3A_664] {strides = array<i32>} : memref<256xf32, #tpu.memory_space<vmem>>, vector<16xf32>,
      %get3A_666 = vector.shape_cast %get3A_665 : vector<16xf32> to vector<16xf32>
      %get3A_667 = arith.constant 176 : index
      %get3A_668 = tpu.vector_load %arg5[%get3A_667] {strides = array<i32>} : memref<256xi32, #tpu.memory_space<vmem>>, vector<16xi32>,
      %get3A_669 = vector.shape_cast %get3A_668 : vector<16xi32> to vector<16xi32>
      %get3A_670 = arith.constant 176 : index
      %get3A_671 = tpu.vector_load %arg6[%get3A_670] {strides = array<i32>} : memref<256xf32, #tpu.memory_space<vmem>>, vector<16xf32>,
      %get3A_672 = vector.shape_cast %get3A_671 : vector<16xf32> to vector<16xf32>
      %eq3A_673 = arith.constant 0 : i32
      %eq3A_674 = vector.broadcast %eq3A_673 : i32 to vector<16xi32>
      %eq3A_675 = arith.cmpi eq, %get3A_663, %eq3A_674 : vector<16xi32>
      %select_n3A_676 = arith.select %eq3A_675, %get3A_666, %broadcast_in_dim3A_3 : vector<16xi1>, vector<16xf32>
      %eq3A_677 = arith.constant 0 : i32
      %eq3A_678 = vector.broadcast %eq3A_677 : i32 to vector<16xi32>
      %eq3A_679 = arith.cmpi eq, %get3A_669, %eq3A_678 : vector<16xi32>
      %select_n3A_680 = arith.select %eq3A_679, %get3A_672, %broadcast_in_dim3A_3 : vector<16xi1>, vector<16xf32>
      %add3A_681 = arith.addf %select_n3A_676, %select_n3A_680 : vector<16xf32>
      %swap3A_682 = arith.constant 48 : index
      %swap3A_683 = tpu.vector_load %arg7[%swap3A_682] {strides = array<i32>} : memref<2048xf32, #tpu.memory_space<vmem>>, vector<16xf32>,
      %swap3A_684 = vector.shape_cast %swap3A_683 : vector<16xf32> to vector<16xf32>
      %swap3A_685 = vector.shape_cast %add3A_681 : vector<16xf32> to vector<16xf32>
      tpu.vector_store %arg7[%swap3A_682], %swap3A_685 {strides = array<i32>} : memref<2048xf32, #tpu.memory_space<vmem>>, vector<16xf32>,
      %eq3A_686 = arith.constant 1 : i32
      %eq3A_687 = vector.broadcast %eq3A_686 : i32 to vector<16xi32>
      %eq3A_688 = arith.cmpi eq, %get3A_663, %eq3A_687 : vector<16xi32>
      %select_n3A_689 = arith.select %eq3A_688, %get3A_666, %broadcast_in_dim3A_3 : vector<16xi1>, vector<16xf32>
      %eq3A_690 = arith.constant 1 : i32
      %eq3A_691 = vector.broadcast %eq3A_690 : i32 to vector<16xi32>
      %eq3A_692 = arith.cmpi eq, %get3A_669, %eq3A_691 : vector<16xi32>
      %select_n3A_693 = arith.select %eq3A_692, %get3A_672, %broadcast_in_dim3A_3 : vector<16xi1>, vector<16xf32>
      %add3A_694 = arith.addf %select_n3A_689, %select_n3A_693 : vector<16xf32>
      %swap3A_695 = arith.constant 176 : index
      %swap3A_696 = tpu.vector_load %arg7[%swap3A_695] {strides = array<i32>} : memref<2048xf32, #tpu.memory_space<vmem>>, vector<16xf32>,
      %swap3A_697 = vector.shape_cast %swap3A_696 : vector<16xf32> to vector<16xf32>
      %swap3A_698 = vector.shape_cast %add3A_694 : vector<16xf32> to vector<16xf32>
      tpu.vector_store %arg7[%swap3A_695], %swap3A_698 {strides = array<i32>} : memref<2048xf32, #tpu.memory_space<vmem>>, vector<16xf32>,
      %eq3A_699 = arith.constant 2 : i32
      %eq3A_700 = vector.broadcast %eq3A_699 : i32 to vector<16xi32>
      %eq3A_701 = arith.cmpi eq, %get3A_663, %eq3A_700 : vector<16xi32>
      %select_n3A_702 = arith.select %eq3A_701, %get3A_666, %broadcast_in_dim3A_3 : vector<16xi1>, vector<16xf32>
      %eq3A_703 = arith.constant 2 : i32
      %eq3A_704 = vector.broadcast %eq3A_703 : i32 to vector<16xi32>
      %eq3A_705 = arith.cmpi eq, %get3A_669, %eq3A_704 : vector<16xi32>
      %select_n3A_706 = arith.select %eq3A_705, %get3A_672, %broadcast_in_dim3A_3 : vector<16xi1>, vector<16xf32>
      %add3A_707 = arith.addf %select_n3A_702, %select_n3A_706 : vector<16xf32>
      %swap3A_708 = arith.constant 304 : index
      %swap3A_709 = tpu.vector_load %arg7[%swap3A_708] {strides = array<i32>} : memref<2048xf32, #tpu.memory_space<vmem>>, vector<16xf32>,
      %swap3A_710 = vector.shape_cast %swap3A_709 : vector<16xf32> to vector<16xf32>
      %swap3A_711 = vector.shape_cast %add3A_707 : vector<16xf32> to vector<16xf32>
      tpu.vector_store %arg7[%swap3A_708], %swap3A_711 {strides = array<i32>} : memref<2048xf32, #tpu.memory_space<vmem>>, vector<16xf32>,
      %eq3A_712 = arith.constant 3 : i32
      %eq3A_713 = vector.broadcast %eq3A_712 : i32 to vector<16xi32>
      %eq3A_714 = arith.cmpi eq, %get3A_663, %eq3A_713 : vector<16xi32>
      %select_n3A_715 = arith.select %eq3A_714, %get3A_666, %broadcast_in_dim3A_3 : vector<16xi1>, vector<16xf32>
      %eq3A_716 = arith.constant 3 : i32
      %eq3A_717 = vector.broadcast %eq3A_716 : i32 to vector<16xi32>
      %eq3A_718 = arith.cmpi eq, %get3A_669, %eq3A_717 : vector<16xi32>
      %select_n3A_719 = arith.select %eq3A_718, %get3A_672, %broadcast_in_dim3A_3 : vector<16xi1>, vector<16xf32>
      %add3A_720 = arith.addf %select_n3A_715, %select_n3A_719 : vector<16xf32>
      %swap3A_721 = arith.constant 432 : index
      %swap3A_722 = tpu.vector_load %arg7[%swap3A_721] {strides = array<i32>} : memref<2048xf32, #tpu.memory_space<vmem>>, vector<16xf32>,
      %swap3A_723 = vector.shape_cast %swap3A_722 : vector<16xf32> to vector<16xf32>
      %swap3A_724 = vector.shape_cast %add3A_720 : vector<16xf32> to vector<16xf32>
      tpu.vector_store %arg7[%swap3A_721], %swap3A_724 {strides = array<i32>} : memref<2048xf32, #tpu.memory_space<vmem>>, vector<16xf32>,
      %eq3A_725 = arith.constant 4 : i32
      %eq3A_726 = vector.broadcast %eq3A_725 : i32 to vector<16xi32>
      %eq3A_727 = arith.cmpi eq, %get3A_663, %eq3A_726 : vector<16xi32>
      %select_n3A_728 = arith.select %eq3A_727, %get3A_666, %broadcast_in_dim3A_3 : vector<16xi1>, vector<16xf32>
      %eq3A_729 = arith.constant 4 : i32
      %eq3A_730 = vector.broadcast %eq3A_729 : i32 to vector<16xi32>
      %eq3A_731 = arith.cmpi eq, %get3A_669, %eq3A_730 : vector<16xi32>
      %select_n3A_732 = arith.select %eq3A_731, %get3A_672, %broadcast_in_dim3A_3 : vector<16xi1>, vector<16xf32>
      %add3A_733 = arith.addf %select_n3A_728, %select_n3A_732 : vector<16xf32>
      %swap3A_734 = arith.constant 560 : index
      %swap3A_735 = tpu.vector_load %arg7[%swap3A_734] {strides = array<i32>} : memref<2048xf32, #tpu.memory_space<vmem>>, vector<16xf32>,
      %swap3A_736 = vector.shape_cast %swap3A_735 : vector<16xf32> to vector<16xf32>
      %swap3A_737 = vector.shape_cast %add3A_733 : vector<16xf32> to vector<16xf32>
      tpu.vector_store %arg7[%swap3A_734], %swap3A_737 {strides = array<i32>} : memref<2048xf32, #tpu.memory_space<vmem>>, vector<16xf32>,
      %eq3A_738 = arith.constant 5 : i32
      %eq3A_739 = vector.broadcast %eq3A_738 : i32 to vector<16xi32>
      %eq3A_740 = arith.cmpi eq, %get3A_663, %eq3A_739 : vector<16xi32>
      %select_n3A_741 = arith.select %eq3A_740, %get3A_666, %broadcast_in_dim3A_3 : vector<16xi1>, vector<16xf32>
      %eq3A_742 = arith.constant 5 : i32
      %eq3A_743 = vector.broadcast %eq3A_742 : i32 to vector<16xi32>
      %eq3A_744 = arith.cmpi eq, %get3A_669, %eq3A_743 : vector<16xi32>
      %select_n3A_745 = arith.select %eq3A_744, %get3A_672, %broadcast_in_dim3A_3 : vector<16xi1>, vector<16xf32>
      %add3A_746 = arith.addf %select_n3A_741, %select_n3A_745 : vector<16xf32>
      %swap3A_747 = arith.constant 688 : index
      %swap3A_748 = tpu.vector_load %arg7[%swap3A_747] {strides = array<i32>} : memref<2048xf32, #tpu.memory_space<vmem>>, vector<16xf32>,
      %swap3A_749 = vector.shape_cast %swap3A_748 : vector<16xf32> to vector<16xf32>
      %swap3A_750 = vector.shape_cast %add3A_746 : vector<16xf32> to vector<16xf32>
      tpu.vector_store %arg7[%swap3A_747], %swap3A_750 {strides = array<i32>} : memref<2048xf32, #tpu.memory_space<vmem>>, vector<16xf32>,
      %eq3A_751 = arith.constant 6 : i32
      %eq3A_752 = vector.broadcast %eq3A_751 : i32 to vector<16xi32>
      %eq3A_753 = arith.cmpi eq, %get3A_663, %eq3A_752 : vector<16xi32>
      %select_n3A_754 = arith.select %eq3A_753, %get3A_666, %broadcast_in_dim3A_3 : vector<16xi1>, vector<16xf32>
      %eq3A_755 = arith.constant 6 : i32
      %eq3A_756 = vector.broadcast %eq3A_755 : i32 to vector<16xi32>
      %eq3A_757 = arith.cmpi eq, %get3A_669, %eq3A_756 : vector<16xi32>
      %select_n3A_758 = arith.select %eq3A_757, %get3A_672, %broadcast_in_dim3A_3 : vector<16xi1>, vector<16xf32>
      %add3A_759 = arith.addf %select_n3A_754, %select_n3A_758 : vector<16xf32>
      %swap3A_760 = arith.constant 816 : index
      %swap3A_761 = tpu.vector_load %arg7[%swap3A_760] {strides = array<i32>} : memref<2048xf32, #tpu.memory_space<vmem>>, vector<16xf32>,
      %swap3A_762 = vector.shape_cast %swap3A_761 : vector<16xf32> to vector<16xf32>
      %swap3A_763 = vector.shape_cast %add3A_759 : vector<16xf32> to vector<16xf32>
      tpu.vector_store %arg7[%swap3A_760], %swap3A_763 {strides = array<i32>} : memref<2048xf32, #tpu.memory_space<vmem>>, vector<16xf32>,
      %eq3A_764 = arith.constant 7 : i32
      %eq3A_765 = vector.broadcast %eq3A_764 : i32 to vector<16xi32>
      %eq3A_766 = arith.cmpi eq, %get3A_663, %eq3A_765 : vector<16xi32>
      %select_n3A_767 = arith.select %eq3A_766, %get3A_666, %broadcast_in_dim3A_3 : vector<16xi1>, vector<16xf32>
      %eq3A_768 = arith.constant 7 : i32
      %eq3A_769 = vector.broadcast %eq3A_768 : i32 to vector<16xi32>
      %eq3A_770 = arith.cmpi eq, %get3A_669, %eq3A_769 : vector<16xi32>
      %select_n3A_771 = arith.select %eq3A_770, %get3A_672, %broadcast_in_dim3A_3 : vector<16xi1>, vector<16xf32>
      %add3A_772 = arith.addf %select_n3A_767, %select_n3A_771 : vector<16xf32>
      %swap3A_773 = arith.constant 944 : index
      %swap3A_774 = tpu.vector_load %arg7[%swap3A_773] {strides = array<i32>} : memref<2048xf32, #tpu.memory_space<vmem>>, vector<16xf32>,
      %swap3A_775 = vector.shape_cast %swap3A_774 : vector<16xf32> to vector<16xf32>
      %swap3A_776 = vector.shape_cast %add3A_772 : vector<16xf32> to vector<16xf32>
      tpu.vector_store %arg7[%swap3A_773], %swap3A_776 {strides = array<i32>} : memref<2048xf32, #tpu.memory_space<vmem>>, vector<16xf32>,
      %eq3A_777 = arith.constant 8 : i32
      %eq3A_778 = vector.broadcast %eq3A_777 : i32 to vector<16xi32>
      %eq3A_779 = arith.cmpi eq, %get3A_663, %eq3A_778 : vector<16xi32>
      %select_n3A_780 = arith.select %eq3A_779, %get3A_666, %broadcast_in_dim3A_3 : vector<16xi1>, vector<16xf32>
      %eq3A_781 = arith.constant 8 : i32
      %eq3A_782 = vector.broadcast %eq3A_781 : i32 to vector<16xi32>
      %eq3A_783 = arith.cmpi eq, %get3A_669, %eq3A_782 : vector<16xi32>
      %select_n3A_784 = arith.select %eq3A_783, %get3A_672, %broadcast_in_dim3A_3 : vector<16xi1>, vector<16xf32>
      %add3A_785 = arith.addf %select_n3A_780, %select_n3A_784 : vector<16xf32>
      %swap3A_786 = arith.constant 1072 : index
      %swap3A_787 = tpu.vector_load %arg7[%swap3A_786] {strides = array<i32>} : memref<2048xf32, #tpu.memory_space<vmem>>, vector<16xf32>,
      %swap3A_788 = vector.shape_cast %swap3A_787 : vector<16xf32> to vector<16xf32>
      %swap3A_789 = vector.shape_cast %add3A_785 : vector<16xf32> to vector<16xf32>
      tpu.vector_store %arg7[%swap3A_786], %swap3A_789 {strides = array<i32>} : memref<2048xf32, #tpu.memory_space<vmem>>, vector<16xf32>,
      %eq3A_790 = arith.constant 9 : i32
      %eq3A_791 = vector.broadcast %eq3A_790 : i32 to vector<16xi32>
      %eq3A_792 = arith.cmpi eq, %get3A_663, %eq3A_791 : vector<16xi32>
      %select_n3A_793 = arith.select %eq3A_792, %get3A_666, %broadcast_in_dim3A_3 : vector<16xi1>, vector<16xf32>
      %eq3A_794 = arith.constant 9 : i32
      %eq3A_795 = vector.broadcast %eq3A_794 : i32 to vector<16xi32>
      %eq3A_796 = arith.cmpi eq, %get3A_669, %eq3A_795 : vector<16xi32>
      %select_n3A_797 = arith.select %eq3A_796, %get3A_672, %broadcast_in_dim3A_3 : vector<16xi1>, vector<16xf32>
      %add3A_798 = arith.addf %select_n3A_793, %select_n3A_797 : vector<16xf32>
      %swap3A_799 = arith.constant 1200 : index
      %swap3A_800 = tpu.vector_load %arg7[%swap3A_799] {strides = array<i32>} : memref<2048xf32, #tpu.memory_space<vmem>>, vector<16xf32>,
      %swap3A_801 = vector.shape_cast %swap3A_800 : vector<16xf32> to vector<16xf32>
      %swap3A_802 = vector.shape_cast %add3A_798 : vector<16xf32> to vector<16xf32>
      tpu.vector_store %arg7[%swap3A_799], %swap3A_802 {strides = array<i32>} : memref<2048xf32, #tpu.memory_space<vmem>>, vector<16xf32>,
      %eq3A_803 = arith.constant 10 : i32
      %eq3A_804 = vector.broadcast %eq3A_803 : i32 to vector<16xi32>
      %eq3A_805 = arith.cmpi eq, %get3A_663, %eq3A_804 : vector<16xi32>
      %select_n3A_806 = arith.select %eq3A_805, %get3A_666, %broadcast_in_dim3A_3 : vector<16xi1>, vector<16xf32>
      %eq3A_807 = arith.constant 10 : i32
      %eq3A_808 = vector.broadcast %eq3A_807 : i32 to vector<16xi32>
      %eq3A_809 = arith.cmpi eq, %get3A_669, %eq3A_808 : vector<16xi32>
      %select_n3A_810 = arith.select %eq3A_809, %get3A_672, %broadcast_in_dim3A_3 : vector<16xi1>, vector<16xf32>
      %add3A_811 = arith.addf %select_n3A_806, %select_n3A_810 : vector<16xf32>
      %swap3A_812 = arith.constant 1328 : index
      %swap3A_813 = tpu.vector_load %arg7[%swap3A_812] {strides = array<i32>} : memref<2048xf32, #tpu.memory_space<vmem>>, vector<16xf32>,
      %swap3A_814 = vector.shape_cast %swap3A_813 : vector<16xf32> to vector<16xf32>
      %swap3A_815 = vector.shape_cast %add3A_811 : vector<16xf32> to vector<16xf32>
      tpu.vector_store %arg7[%swap3A_812], %swap3A_815 {strides = array<i32>} : memref<2048xf32, #tpu.memory_space<vmem>>, vector<16xf32>,
      %eq3A_816 = arith.constant 11 : i32
      %eq3A_817 = vector.broadcast %eq3A_816 : i32 to vector<16xi32>
      %eq3A_818 = arith.cmpi eq, %get3A_663, %eq3A_817 : vector<16xi32>
      %select_n3A_819 = arith.select %eq3A_818, %get3A_666, %broadcast_in_dim3A_3 : vector<16xi1>, vector<16xf32>
      %eq3A_820 = arith.constant 11 : i32
      %eq3A_821 = vector.broadcast %eq3A_820 : i32 to vector<16xi32>
      %eq3A_822 = arith.cmpi eq, %get3A_669, %eq3A_821 : vector<16xi32>
      %select_n3A_823 = arith.select %eq3A_822, %get3A_672, %broadcast_in_dim3A_3 : vector<16xi1>, vector<16xf32>
      %add3A_824 = arith.addf %select_n3A_819, %select_n3A_823 : vector<16xf32>
      %swap3A_825 = arith.constant 1456 : index
      %swap3A_826 = tpu.vector_load %arg7[%swap3A_825] {strides = array<i32>} : memref<2048xf32, #tpu.memory_space<vmem>>, vector<16xf32>,
      %swap3A_827 = vector.shape_cast %swap3A_826 : vector<16xf32> to vector<16xf32>
      %swap3A_828 = vector.shape_cast %add3A_824 : vector<16xf32> to vector<16xf32>
      tpu.vector_store %arg7[%swap3A_825], %swap3A_828 {strides = array<i32>} : memref<2048xf32, #tpu.memory_space<vmem>>, vector<16xf32>,
      %eq3A_829 = arith.constant 12 : i32
      %eq3A_830 = vector.broadcast %eq3A_829 : i32 to vector<16xi32>
      %eq3A_831 = arith.cmpi eq, %get3A_663, %eq3A_830 : vector<16xi32>
      %select_n3A_832 = arith.select %eq3A_831, %get3A_666, %broadcast_in_dim3A_3 : vector<16xi1>, vector<16xf32>
      %eq3A_833 = arith.constant 12 : i32
      %eq3A_834 = vector.broadcast %eq3A_833 : i32 to vector<16xi32>
      %eq3A_835 = arith.cmpi eq, %get3A_669, %eq3A_834 : vector<16xi32>
      %select_n3A_836 = arith.select %eq3A_835, %get3A_672, %broadcast_in_dim3A_3 : vector<16xi1>, vector<16xf32>
      %add3A_837 = arith.addf %select_n3A_832, %select_n3A_836 : vector<16xf32>
      %swap3A_838 = arith.constant 1584 : index
      %swap3A_839 = tpu.vector_load %arg7[%swap3A_838] {strides = array<i32>} : memref<2048xf32, #tpu.memory_space<vmem>>, vector<16xf32>,
      %swap3A_840 = vector.shape_cast %swap3A_839 : vector<16xf32> to vector<16xf32>
      %swap3A_841 = vector.shape_cast %add3A_837 : vector<16xf32> to vector<16xf32>
      tpu.vector_store %arg7[%swap3A_838], %swap3A_841 {strides = array<i32>} : memref<2048xf32, #tpu.memory_space<vmem>>, vector<16xf32>,
      %eq3A_842 = arith.constant 13 : i32
      %eq3A_843 = vector.broadcast %eq3A_842 : i32 to vector<16xi32>
      %eq3A_844 = arith.cmpi eq, %get3A_663, %eq3A_843 : vector<16xi32>
      %select_n3A_845 = arith.select %eq3A_844, %get3A_666, %broadcast_in_dim3A_3 : vector<16xi1>, vector<16xf32>
      %eq3A_846 = arith.constant 13 : i32
      %eq3A_847 = vector.broadcast %eq3A_846 : i32 to vector<16xi32>
      %eq3A_848 = arith.cmpi eq, %get3A_669, %eq3A_847 : vector<16xi32>
      %select_n3A_849 = arith.select %eq3A_848, %get3A_672, %broadcast_in_dim3A_3 : vector<16xi1>, vector<16xf32>
      %add3A_850 = arith.addf %select_n3A_845, %select_n3A_849 : vector<16xf32>
      %swap3A_851 = arith.constant 1712 : index
      %swap3A_852 = tpu.vector_load %arg7[%swap3A_851] {strides = array<i32>} : memref<2048xf32, #tpu.memory_space<vmem>>, vector<16xf32>,
      %swap3A_853 = vector.shape_cast %swap3A_852 : vector<16xf32> to vector<16xf32>
      %swap3A_854 = vector.shape_cast %add3A_850 : vector<16xf32> to vector<16xf32>
      tpu.vector_store %arg7[%swap3A_851], %swap3A_854 {strides = array<i32>} : memref<2048xf32, #tpu.memory_space<vmem>>, vector<16xf32>,
      %eq3A_855 = arith.constant 14 : i32
      %eq3A_856 = vector.broadcast %eq3A_855 : i32 to vector<16xi32>
      %eq3A_857 = arith.cmpi eq, %get3A_663, %eq3A_856 : vector<16xi32>
      %select_n3A_858 = arith.select %eq3A_857, %get3A_666, %broadcast_in_dim3A_3 : vector<16xi1>, vector<16xf32>
      %eq3A_859 = arith.constant 14 : i32
      %eq3A_860 = vector.broadcast %eq3A_859 : i32 to vector<16xi32>
      %eq3A_861 = arith.cmpi eq, %get3A_669, %eq3A_860 : vector<16xi32>
      %select_n3A_862 = arith.select %eq3A_861, %get3A_672, %broadcast_in_dim3A_3 : vector<16xi1>, vector<16xf32>
      %add3A_863 = arith.addf %select_n3A_858, %select_n3A_862 : vector<16xf32>
      %swap3A_864 = arith.constant 1840 : index
      %swap3A_865 = tpu.vector_load %arg7[%swap3A_864] {strides = array<i32>} : memref<2048xf32, #tpu.memory_space<vmem>>, vector<16xf32>,
      %swap3A_866 = vector.shape_cast %swap3A_865 : vector<16xf32> to vector<16xf32>
      %swap3A_867 = vector.shape_cast %add3A_863 : vector<16xf32> to vector<16xf32>
      tpu.vector_store %arg7[%swap3A_864], %swap3A_867 {strides = array<i32>} : memref<2048xf32, #tpu.memory_space<vmem>>, vector<16xf32>,
      %eq3A_868 = arith.constant 15 : i32
      %eq3A_869 = vector.broadcast %eq3A_868 : i32 to vector<16xi32>
      %eq3A_870 = arith.cmpi eq, %get3A_663, %eq3A_869 : vector<16xi32>
      %select_n3A_871 = arith.select %eq3A_870, %get3A_666, %broadcast_in_dim3A_3 : vector<16xi1>, vector<16xf32>
      %eq3A_872 = arith.constant 15 : i32
      %eq3A_873 = vector.broadcast %eq3A_872 : i32 to vector<16xi32>
      %eq3A_874 = arith.cmpi eq, %get3A_669, %eq3A_873 : vector<16xi32>
      %select_n3A_875 = arith.select %eq3A_874, %get3A_672, %broadcast_in_dim3A_3 : vector<16xi1>, vector<16xf32>
      %add3A_876 = arith.addf %select_n3A_871, %select_n3A_875 : vector<16xf32>
      %swap3A_877 = arith.constant 1968 : index
      %swap3A_878 = tpu.vector_load %arg7[%swap3A_877] {strides = array<i32>} : memref<2048xf32, #tpu.memory_space<vmem>>, vector<16xf32>,
      %swap3A_879 = vector.shape_cast %swap3A_878 : vector<16xf32> to vector<16xf32>
      %swap3A_880 = vector.shape_cast %add3A_876 : vector<16xf32> to vector<16xf32>
      tpu.vector_store %arg7[%swap3A_877], %swap3A_880 {strides = array<i32>} : memref<2048xf32, #tpu.memory_space<vmem>>, vector<16xf32>,
      %get3A_881 = arith.constant 64 : index
      %get3A_882 = tpu.vector_load %arg5[%get3A_881] {strides = array<i32>} : memref<256xi32, #tpu.memory_space<vmem>>, vector<16xi32>,
      %get3A_883 = vector.shape_cast %get3A_882 : vector<16xi32> to vector<16xi32>
      %get3A_884 = arith.constant 64 : index
      %get3A_885 = tpu.vector_load %arg6[%get3A_884] {strides = array<i32>} : memref<256xf32, #tpu.memory_space<vmem>>, vector<16xf32>,
      %get3A_886 = vector.shape_cast %get3A_885 : vector<16xf32> to vector<16xf32>
      %get3A_887 = arith.constant 192 : index
      %get3A_888 = tpu.vector_load %arg5[%get3A_887] {strides = array<i32>} : memref<256xi32, #tpu.memory_space<vmem>>, vector<16xi32>,
      %get3A_889 = vector.shape_cast %get3A_888 : vector<16xi32> to vector<16xi32>
      %get3A_890 = arith.constant 192 : index
      %get3A_891 = tpu.vector_load %arg6[%get3A_890] {strides = array<i32>} : memref<256xf32, #tpu.memory_space<vmem>>, vector<16xf32>,
      %get3A_892 = vector.shape_cast %get3A_891 : vector<16xf32> to vector<16xf32>
      %eq3A_893 = arith.constant 0 : i32
      %eq3A_894 = vector.broadcast %eq3A_893 : i32 to vector<16xi32>
      %eq3A_895 = arith.cmpi eq, %get3A_883, %eq3A_894 : vector<16xi32>
      %select_n3A_896 = arith.select %eq3A_895, %get3A_886, %broadcast_in_dim3A_3 : vector<16xi1>, vector<16xf32>
      %eq3A_897 = arith.constant 0 : i32
      %eq3A_898 = vector.broadcast %eq3A_897 : i32 to vector<16xi32>
      %eq3A_899 = arith.cmpi eq, %get3A_889, %eq3A_898 : vector<16xi32>
      %select_n3A_900 = arith.select %eq3A_899, %get3A_892, %broadcast_in_dim3A_3 : vector<16xi1>, vector<16xf32>
      %add3A_901 = arith.addf %select_n3A_896, %select_n3A_900 : vector<16xf32>
      %swap3A_902 = arith.constant 64 : index
      %swap3A_903 = tpu.vector_load %arg7[%swap3A_902] {strides = array<i32>} : memref<2048xf32, #tpu.memory_space<vmem>>, vector<16xf32>,
      %swap3A_904 = vector.shape_cast %swap3A_903 : vector<16xf32> to vector<16xf32>
      %swap3A_905 = vector.shape_cast %add3A_901 : vector<16xf32> to vector<16xf32>
      tpu.vector_store %arg7[%swap3A_902], %swap3A_905 {strides = array<i32>} : memref<2048xf32, #tpu.memory_space<vmem>>, vector<16xf32>,
      %eq3A_906 = arith.constant 1 : i32
      %eq3A_907 = vector.broadcast %eq3A_906 : i32 to vector<16xi32>
      %eq3A_908 = arith.cmpi eq, %get3A_883, %eq3A_907 : vector<16xi32>
      %select_n3A_909 = arith.select %eq3A_908, %get3A_886, %broadcast_in_dim3A_3 : vector<16xi1>, vector<16xf32>
      %eq3A_910 = arith.constant 1 : i32
      %eq3A_911 = vector.broadcast %eq3A_910 : i32 to vector<16xi32>
      %eq3A_912 = arith.cmpi eq, %get3A_889, %eq3A_911 : vector<16xi32>
      %select_n3A_913 = arith.select %eq3A_912, %get3A_892, %broadcast_in_dim3A_3 : vector<16xi1>, vector<16xf32>
      %add3A_914 = arith.addf %select_n3A_909, %select_n3A_913 : vector<16xf32>
      %swap3A_915 = arith.constant 192 : index
      %swap3A_916 = tpu.vector_load %arg7[%swap3A_915] {strides = array<i32>} : memref<2048xf32, #tpu.memory_space<vmem>>, vector<16xf32>,
      %swap3A_917 = vector.shape_cast %swap3A_916 : vector<16xf32> to vector<16xf32>
      %swap3A_918 = vector.shape_cast %add3A_914 : vector<16xf32> to vector<16xf32>
      tpu.vector_store %arg7[%swap3A_915], %swap3A_918 {strides = array<i32>} : memref<2048xf32, #tpu.memory_space<vmem>>, vector<16xf32>,
      %eq3A_919 = arith.constant 2 : i32
      %eq3A_920 = vector.broadcast %eq3A_919 : i32 to vector<16xi32>
      %eq3A_921 = arith.cmpi eq, %get3A_883, %eq3A_920 : vector<16xi32>
      %select_n3A_922 = arith.select %eq3A_921, %get3A_886, %broadcast_in_dim3A_3 : vector<16xi1>, vector<16xf32>
      %eq3A_923 = arith.constant 2 : i32
      %eq3A_924 = vector.broadcast %eq3A_923 : i32 to vector<16xi32>
      %eq3A_925 = arith.cmpi eq, %get3A_889, %eq3A_924 : vector<16xi32>
      %select_n3A_926 = arith.select %eq3A_925, %get3A_892, %broadcast_in_dim3A_3 : vector<16xi1>, vector<16xf32>
      %add3A_927 = arith.addf %select_n3A_922, %select_n3A_926 : vector<16xf32>
      %swap3A_928 = arith.constant 320 : index
      %swap3A_929 = tpu.vector_load %arg7[%swap3A_928] {strides = array<i32>} : memref<2048xf32, #tpu.memory_space<vmem>>, vector<16xf32>,
      %swap3A_930 = vector.shape_cast %swap3A_929 : vector<16xf32> to vector<16xf32>
      %swap3A_931 = vector.shape_cast %add3A_927 : vector<16xf32> to vector<16xf32>
      tpu.vector_store %arg7[%swap3A_928], %swap3A_931 {strides = array<i32>} : memref<2048xf32, #tpu.memory_space<vmem>>, vector<16xf32>,
      %eq3A_932 = arith.constant 3 : i32
      %eq3A_933 = vector.broadcast %eq3A_932 : i32 to vector<16xi32>
      %eq3A_934 = arith.cmpi eq, %get3A_883, %eq3A_933 : vector<16xi32>
      %select_n3A_935 = arith.select %eq3A_934, %get3A_886, %broadcast_in_dim3A_3 : vector<16xi1>, vector<16xf32>
      %eq3A_936 = arith.constant 3 : i32
      %eq3A_937 = vector.broadcast %eq3A_936 : i32 to vector<16xi32>
      %eq3A_938 = arith.cmpi eq, %get3A_889, %eq3A_937 : vector<16xi32>
      %select_n3A_939 = arith.select %eq3A_938, %get3A_892, %broadcast_in_dim3A_3 : vector<16xi1>, vector<16xf32>
      %add3A_940 = arith.addf %select_n3A_935, %select_n3A_939 : vector<16xf32>
      %swap3A_941 = arith.constant 448 : index
      %swap3A_942 = tpu.vector_load %arg7[%swap3A_941] {strides = array<i32>} : memref<2048xf32, #tpu.memory_space<vmem>>, vector<16xf32>,
      %swap3A_943 = vector.shape_cast %swap3A_942 : vector<16xf32> to vector<16xf32>
      %swap3A_944 = vector.shape_cast %add3A_940 : vector<16xf32> to vector<16xf32>
      tpu.vector_store %arg7[%swap3A_941], %swap3A_944 {strides = array<i32>} : memref<2048xf32, #tpu.memory_space<vmem>>, vector<16xf32>,
      %eq3A_945 = arith.constant 4 : i32
      %eq3A_946 = vector.broadcast %eq3A_945 : i32 to vector<16xi32>
      %eq3A_947 = arith.cmpi eq, %get3A_883, %eq3A_946 : vector<16xi32>
      %select_n3A_948 = arith.select %eq3A_947, %get3A_886, %broadcast_in_dim3A_3 : vector<16xi1>, vector<16xf32>
      %eq3A_949 = arith.constant 4 : i32
      %eq3A_950 = vector.broadcast %eq3A_949 : i32 to vector<16xi32>
      %eq3A_951 = arith.cmpi eq, %get3A_889, %eq3A_950 : vector<16xi32>
      %select_n3A_952 = arith.select %eq3A_951, %get3A_892, %broadcast_in_dim3A_3 : vector<16xi1>, vector<16xf32>
      %add3A_953 = arith.addf %select_n3A_948, %select_n3A_952 : vector<16xf32>
      %swap3A_954 = arith.constant 576 : index
      %swap3A_955 = tpu.vector_load %arg7[%swap3A_954] {strides = array<i32>} : memref<2048xf32, #tpu.memory_space<vmem>>, vector<16xf32>,
      %swap3A_956 = vector.shape_cast %swap3A_955 : vector<16xf32> to vector<16xf32>
      %swap3A_957 = vector.shape_cast %add3A_953 : vector<16xf32> to vector<16xf32>
      tpu.vector_store %arg7[%swap3A_954], %swap3A_957 {strides = array<i32>} : memref<2048xf32, #tpu.memory_space<vmem>>, vector<16xf32>,
      %eq3A_958 = arith.constant 5 : i32
      %eq3A_959 = vector.broadcast %eq3A_958 : i32 to vector<16xi32>
      %eq3A_960 = arith.cmpi eq, %get3A_883, %eq3A_959 : vector<16xi32>
      %select_n3A_961 = arith.select %eq3A_960, %get3A_886, %broadcast_in_dim3A_3 : vector<16xi1>, vector<16xf32>
      %eq3A_962 = arith.constant 5 : i32
      %eq3A_963 = vector.broadcast %eq3A_962 : i32 to vector<16xi32>
      %eq3A_964 = arith.cmpi eq, %get3A_889, %eq3A_963 : vector<16xi32>
      %select_n3A_965 = arith.select %eq3A_964, %get3A_892, %broadcast_in_dim3A_3 : vector<16xi1>, vector<16xf32>
      %add3A_966 = arith.addf %select_n3A_961, %select_n3A_965 : vector<16xf32>
      %swap3A_967 = arith.constant 704 : index
      %swap3A_968 = tpu.vector_load %arg7[%swap3A_967] {strides = array<i32>} : memref<2048xf32, #tpu.memory_space<vmem>>, vector<16xf32>,
      %swap3A_969 = vector.shape_cast %swap3A_968 : vector<16xf32> to vector<16xf32>
      %swap3A_970 = vector.shape_cast %add3A_966 : vector<16xf32> to vector<16xf32>
      tpu.vector_store %arg7[%swap3A_967], %swap3A_970 {strides = array<i32>} : memref<2048xf32, #tpu.memory_space<vmem>>, vector<16xf32>,
      %eq3A_971 = arith.constant 6 : i32
      %eq3A_972 = vector.broadcast %eq3A_971 : i32 to vector<16xi32>
      %eq3A_973 = arith.cmpi eq, %get3A_883, %eq3A_972 : vector<16xi32>
      %select_n3A_974 = arith.select %eq3A_973, %get3A_886, %broadcast_in_dim3A_3 : vector<16xi1>, vector<16xf32>
      %eq3A_975 = arith.constant 6 : i32
      %eq3A_976 = vector.broadcast %eq3A_975 : i32 to vector<16xi32>
      %eq3A_977 = arith.cmpi eq, %get3A_889, %eq3A_976 : vector<16xi32>
      %select_n3A_978 = arith.select %eq3A_977, %get3A_892, %broadcast_in_dim3A_3 : vector<16xi1>, vector<16xf32>
      %add3A_979 = arith.addf %select_n3A_974, %select_n3A_978 : vector<16xf32>
      %swap3A_980 = arith.constant 832 : index
      %swap3A_981 = tpu.vector_load %arg7[%swap3A_980] {strides = array<i32>} : memref<2048xf32, #tpu.memory_space<vmem>>, vector<16xf32>,
      %swap3A_982 = vector.shape_cast %swap3A_981 : vector<16xf32> to vector<16xf32>
      %swap3A_983 = vector.shape_cast %add3A_979 : vector<16xf32> to vector<16xf32>
      tpu.vector_store %arg7[%swap3A_980], %swap3A_983 {strides = array<i32>} : memref<2048xf32, #tpu.memory_space<vmem>>, vector<16xf32>,
      %eq3A_984 = arith.constant 7 : i32
      %eq3A_985 = vector.broadcast %eq3A_984 : i32 to vector<16xi32>
      %eq3A_986 = arith.cmpi eq, %get3A_883, %eq3A_985 : vector<16xi32>
      %select_n3A_987 = arith.select %eq3A_986, %get3A_886, %broadcast_in_dim3A_3 : vector<16xi1>, vector<16xf32>
      %eq3A_988 = arith.constant 7 : i32
      %eq3A_989 = vector.broadcast %eq3A_988 : i32 to vector<16xi32>
      %eq3A_990 = arith.cmpi eq, %get3A_889, %eq3A_989 : vector<16xi32>
      %select_n3A_991 = arith.select %eq3A_990, %get3A_892, %broadcast_in_dim3A_3 : vector<16xi1>, vector<16xf32>
      %add3A_992 = arith.addf %select_n3A_987, %select_n3A_991 : vector<16xf32>
      %swap3A_993 = arith.constant 960 : index
      %swap3A_994 = tpu.vector_load %arg7[%swap3A_993] {strides = array<i32>} : memref<2048xf32, #tpu.memory_space<vmem>>, vector<16xf32>,
      %swap3A_995 = vector.shape_cast %swap3A_994 : vector<16xf32> to vector<16xf32>
      %swap3A_996 = vector.shape_cast %add3A_992 : vector<16xf32> to vector<16xf32>
      tpu.vector_store %arg7[%swap3A_993], %swap3A_996 {strides = array<i32>} : memref<2048xf32, #tpu.memory_space<vmem>>, vector<16xf32>,
      %eq3A_997 = arith.constant 8 : i32
      %eq3A_998 = vector.broadcast %eq3A_997 : i32 to vector<16xi32>
      %eq3A_999 = arith.cmpi eq, %get3A_883, %eq3A_998 : vector<16xi32>
      %select_n3A_1000 = arith.select %eq3A_999, %get3A_886, %broadcast_in_dim3A_3 : vector<16xi1>, vector<16xf32>
      %eq3A_1001 = arith.constant 8 : i32
      %eq3A_1002 = vector.broadcast %eq3A_1001 : i32 to vector<16xi32>
      %eq3A_1003 = arith.cmpi eq, %get3A_889, %eq3A_1002 : vector<16xi32>
      %select_n3A_1004 = arith.select %eq3A_1003, %get3A_892, %broadcast_in_dim3A_3 : vector<16xi1>, vector<16xf32>
      %add3A_1005 = arith.addf %select_n3A_1000, %select_n3A_1004 : vector<16xf32>
      %swap3A_1006 = arith.constant 1088 : index
      %swap3A_1007 = tpu.vector_load %arg7[%swap3A_1006] {strides = array<i32>} : memref<2048xf32, #tpu.memory_space<vmem>>, vector<16xf32>,
      %swap3A_1008 = vector.shape_cast %swap3A_1007 : vector<16xf32> to vector<16xf32>
      %swap3A_1009 = vector.shape_cast %add3A_1005 : vector<16xf32> to vector<16xf32>
      tpu.vector_store %arg7[%swap3A_1006], %swap3A_1009 {strides = array<i32>} : memref<2048xf32, #tpu.memory_space<vmem>>, vector<16xf32>,
      %eq3A_1010 = arith.constant 9 : i32
      %eq3A_1011 = vector.broadcast %eq3A_1010 : i32 to vector<16xi32>
      %eq3A_1012 = arith.cmpi eq, %get3A_883, %eq3A_1011 : vector<16xi32>
      %select_n3A_1013 = arith.select %eq3A_1012, %get3A_886, %broadcast_in_dim3A_3 : vector<16xi1>, vector<16xf32>
      %eq3A_1014 = arith.constant 9 : i32
      %eq3A_1015 = vector.broadcast %eq3A_1014 : i32 to vector<16xi32>
      %eq3A_1016 = arith.cmpi eq, %get3A_889, %eq3A_1015 : vector<16xi32>
      %select_n3A_1017 = arith.select %eq3A_1016, %get3A_892, %broadcast_in_dim3A_3 : vector<16xi1>, vector<16xf32>
      %add3A_1018 = arith.addf %select_n3A_1013, %select_n3A_1017 : vector<16xf32>
      %swap3A_1019 = arith.constant 1216 : index
      %swap3A_1020 = tpu.vector_load %arg7[%swap3A_1019] {strides = array<i32>} : memref<2048xf32, #tpu.memory_space<vmem>>, vector<16xf32>,
      %swap3A_1021 = vector.shape_cast %swap3A_1020 : vector<16xf32> to vector<16xf32>
      %swap3A_1022 = vector.shape_cast %add3A_1018 : vector<16xf32> to vector<16xf32>
      tpu.vector_store %arg7[%swap3A_1019], %swap3A_1022 {strides = array<i32>} : memref<2048xf32, #tpu.memory_space<vmem>>, vector<16xf32>,
      %eq3A_1023 = arith.constant 10 : i32
      %eq3A_1024 = vector.broadcast %eq3A_1023 : i32 to vector<16xi32>
      %eq3A_1025 = arith.cmpi eq, %get3A_883, %eq3A_1024 : vector<16xi32>
      %select_n3A_1026 = arith.select %eq3A_1025, %get3A_886, %broadcast_in_dim3A_3 : vector<16xi1>, vector<16xf32>
      %eq3A_1027 = arith.constant 10 : i32
      %eq3A_1028 = vector.broadcast %eq3A_1027 : i32 to vector<16xi32>
      %eq3A_1029 = arith.cmpi eq, %get3A_889, %eq3A_1028 : vector<16xi32>
      %select_n3A_1030 = arith.select %eq3A_1029, %get3A_892, %broadcast_in_dim3A_3 : vector<16xi1>, vector<16xf32>
      %add3A_1031 = arith.addf %select_n3A_1026, %select_n3A_1030 : vector<16xf32>
      %swap3A_1032 = arith.constant 1344 : index
      %swap3A_1033 = tpu.vector_load %arg7[%swap3A_1032] {strides = array<i32>} : memref<2048xf32, #tpu.memory_space<vmem>>, vector<16xf32>,
      %swap3A_1034 = vector.shape_cast %swap3A_1033 : vector<16xf32> to vector<16xf32>
      %swap3A_1035 = vector.shape_cast %add3A_1031 : vector<16xf32> to vector<16xf32>
      tpu.vector_store %arg7[%swap3A_1032], %swap3A_1035 {strides = array<i32>} : memref<2048xf32, #tpu.memory_space<vmem>>, vector<16xf32>,
      %eq3A_1036 = arith.constant 11 : i32
      %eq3A_1037 = vector.broadcast %eq3A_1036 : i32 to vector<16xi32>
      %eq3A_1038 = arith.cmpi eq, %get3A_883, %eq3A_1037 : vector<16xi32>
      %select_n3A_1039 = arith.select %eq3A_1038, %get3A_886, %broadcast_in_dim3A_3 : vector<16xi1>, vector<16xf32>
      %eq3A_1040 = arith.constant 11 : i32
      %eq3A_1041 = vector.broadcast %eq3A_1040 : i32 to vector<16xi32>
      %eq3A_1042 = arith.cmpi eq, %get3A_889, %eq3A_1041 : vector<16xi32>
      %select_n3A_1043 = arith.select %eq3A_1042, %get3A_892, %broadcast_in_dim3A_3 : vector<16xi1>, vector<16xf32>
      %add3A_1044 = arith.addf %select_n3A_1039, %select_n3A_1043 : vector<16xf32>
      %swap3A_1045 = arith.constant 1472 : index
      %swap3A_1046 = tpu.vector_load %arg7[%swap3A_1045] {strides = array<i32>} : memref<2048xf32, #tpu.memory_space<vmem>>, vector<16xf32>,
      %swap3A_1047 = vector.shape_cast %swap3A_1046 : vector<16xf32> to vector<16xf32>
      %swap3A_1048 = vector.shape_cast %add3A_1044 : vector<16xf32> to vector<16xf32>
      tpu.vector_store %arg7[%swap3A_1045], %swap3A_1048 {strides = array<i32>} : memref<2048xf32, #tpu.memory_space<vmem>>, vector<16xf32>,
      %eq3A_1049 = arith.constant 12 : i32
      %eq3A_1050 = vector.broadcast %eq3A_1049 : i32 to vector<16xi32>
      %eq3A_1051 = arith.cmpi eq, %get3A_883, %eq3A_1050 : vector<16xi32>
      %select_n3A_1052 = arith.select %eq3A_1051, %get3A_886, %broadcast_in_dim3A_3 : vector<16xi1>, vector<16xf32>
      %eq3A_1053 = arith.constant 12 : i32
      %eq3A_1054 = vector.broadcast %eq3A_1053 : i32 to vector<16xi32>
      %eq3A_1055 = arith.cmpi eq, %get3A_889, %eq3A_1054 : vector<16xi32>
      %select_n3A_1056 = arith.select %eq3A_1055, %get3A_892, %broadcast_in_dim3A_3 : vector<16xi1>, vector<16xf32>
      %add3A_1057 = arith.addf %select_n3A_1052, %select_n3A_1056 : vector<16xf32>
      %swap3A_1058 = arith.constant 1600 : index
      %swap3A_1059 = tpu.vector_load %arg7[%swap3A_1058] {strides = array<i32>} : memref<2048xf32, #tpu.memory_space<vmem>>, vector<16xf32>,
      %swap3A_1060 = vector.shape_cast %swap3A_1059 : vector<16xf32> to vector<16xf32>
      %swap3A_1061 = vector.shape_cast %add3A_1057 : vector<16xf32> to vector<16xf32>
      tpu.vector_store %arg7[%swap3A_1058], %swap3A_1061 {strides = array<i32>} : memref<2048xf32, #tpu.memory_space<vmem>>, vector<16xf32>,
      %eq3A_1062 = arith.constant 13 : i32
      %eq3A_1063 = vector.broadcast %eq3A_1062 : i32 to vector<16xi32>
      %eq3A_1064 = arith.cmpi eq, %get3A_883, %eq3A_1063 : vector<16xi32>
      %select_n3A_1065 = arith.select %eq3A_1064, %get3A_886, %broadcast_in_dim3A_3 : vector<16xi1>, vector<16xf32>
      %eq3A_1066 = arith.constant 13 : i32
      %eq3A_1067 = vector.broadcast %eq3A_1066 : i32 to vector<16xi32>
      %eq3A_1068 = arith.cmpi eq, %get3A_889, %eq3A_1067 : vector<16xi32>
      %select_n3A_1069 = arith.select %eq3A_1068, %get3A_892, %broadcast_in_dim3A_3 : vector<16xi1>, vector<16xf32>
      %add3A_1070 = arith.addf %select_n3A_1065, %select_n3A_1069 : vector<16xf32>
      %swap3A_1071 = arith.constant 1728 : index
      %swap3A_1072 = tpu.vector_load %arg7[%swap3A_1071] {strides = array<i32>} : memref<2048xf32, #tpu.memory_space<vmem>>, vector<16xf32>,
      %swap3A_1073 = vector.shape_cast %swap3A_1072 : vector<16xf32> to vector<16xf32>
      %swap3A_1074 = vector.shape_cast %add3A_1070 : vector<16xf32> to vector<16xf32>
      tpu.vector_store %arg7[%swap3A_1071], %swap3A_1074 {strides = array<i32>} : memref<2048xf32, #tpu.memory_space<vmem>>, vector<16xf32>,
      %eq3A_1075 = arith.constant 14 : i32
      %eq3A_1076 = vector.broadcast %eq3A_1075 : i32 to vector<16xi32>
      %eq3A_1077 = arith.cmpi eq, %get3A_883, %eq3A_1076 : vector<16xi32>
      %select_n3A_1078 = arith.select %eq3A_1077, %get3A_886, %broadcast_in_dim3A_3 : vector<16xi1>, vector<16xf32>
      %eq3A_1079 = arith.constant 14 : i32
      %eq3A_1080 = vector.broadcast %eq3A_1079 : i32 to vector<16xi32>
      %eq3A_1081 = arith.cmpi eq, %get3A_889, %eq3A_1080 : vector<16xi32>
      %select_n3A_1082 = arith.select %eq3A_1081, %get3A_892, %broadcast_in_dim3A_3 : vector<16xi1>, vector<16xf32>
      %add3A_1083 = arith.addf %select_n3A_1078, %select_n3A_1082 : vector<16xf32>
      %swap3A_1084 = arith.constant 1856 : index
      %swap3A_1085 = tpu.vector_load %arg7[%swap3A_1084] {strides = array<i32>} : memref<2048xf32, #tpu.memory_space<vmem>>, vector<16xf32>,
      %swap3A_1086 = vector.shape_cast %swap3A_1085 : vector<16xf32> to vector<16xf32>
      %swap3A_1087 = vector.shape_cast %add3A_1083 : vector<16xf32> to vector<16xf32>
      tpu.vector_store %arg7[%swap3A_1084], %swap3A_1087 {strides = array<i32>} : memref<2048xf32, #tpu.memory_space<vmem>>, vector<16xf32>,
      %eq3A_1088 = arith.constant 15 : i32
      %eq3A_1089 = vector.broadcast %eq3A_1088 : i32 to vector<16xi32>
      %eq3A_1090 = arith.cmpi eq, %get3A_883, %eq3A_1089 : vector<16xi32>
      %select_n3A_1091 = arith.select %eq3A_1090, %get3A_886, %broadcast_in_dim3A_3 : vector<16xi1>, vector<16xf32>
      %eq3A_1092 = arith.constant 15 : i32
      %eq3A_1093 = vector.broadcast %eq3A_1092 : i32 to vector<16xi32>
      %eq3A_1094 = arith.cmpi eq, %get3A_889, %eq3A_1093 : vector<16xi32>
      %select_n3A_1095 = arith.select %eq3A_1094, %get3A_892, %broadcast_in_dim3A_3 : vector<16xi1>, vector<16xf32>
      %add3A_1096 = arith.addf %select_n3A_1091, %select_n3A_1095 : vector<16xf32>
      %swap3A_1097 = arith.constant 1984 : index
      %swap3A_1098 = tpu.vector_load %arg7[%swap3A_1097] {strides = array<i32>} : memref<2048xf32, #tpu.memory_space<vmem>>, vector<16xf32>,
      %swap3A_1099 = vector.shape_cast %swap3A_1098 : vector<16xf32> to vector<16xf32>
      %swap3A_1100 = vector.shape_cast %add3A_1096 : vector<16xf32> to vector<16xf32>
      tpu.vector_store %arg7[%swap3A_1097], %swap3A_1100 {strides = array<i32>} : memref<2048xf32, #tpu.memory_space<vmem>>, vector<16xf32>,
      %get3A_1101 = arith.constant 80 : index
      %get3A_1102 = tpu.vector_load %arg5[%get3A_1101] {strides = array<i32>} : memref<256xi32, #tpu.memory_space<vmem>>, vector<16xi32>,
      %get3A_1103 = vector.shape_cast %get3A_1102 : vector<16xi32> to vector<16xi32>
      %get3A_1104 = arith.constant 80 : index
      %get3A_1105 = tpu.vector_load %arg6[%get3A_1104] {strides = array<i32>} : memref<256xf32, #tpu.memory_space<vmem>>, vector<16xf32>,
      %get3A_1106 = vector.shape_cast %get3A_1105 : vector<16xf32> to vector<16xf32>
      %get3A_1107 = arith.constant 208 : index
      %get3A_1108 = tpu.vector_load %arg5[%get3A_1107] {strides = array<i32>} : memref<256xi32, #tpu.memory_space<vmem>>, vector<16xi32>,
      %get3A_1109 = vector.shape_cast %get3A_1108 : vector<16xi32> to vector<16xi32>
      %get3A_1110 = arith.constant 208 : index
      %get3A_1111 = tpu.vector_load %arg6[%get3A_1110] {strides = array<i32>} : memref<256xf32, #tpu.memory_space<vmem>>, vector<16xf32>,
      %get3A_1112 = vector.shape_cast %get3A_1111 : vector<16xf32> to vector<16xf32>
      %eq3A_1113 = arith.constant 0 : i32
      %eq3A_1114 = vector.broadcast %eq3A_1113 : i32 to vector<16xi32>
      %eq3A_1115 = arith.cmpi eq, %get3A_1103, %eq3A_1114 : vector<16xi32>
      %select_n3A_1116 = arith.select %eq3A_1115, %get3A_1106, %broadcast_in_dim3A_3 : vector<16xi1>, vector<16xf32>
      %eq3A_1117 = arith.constant 0 : i32
      %eq3A_1118 = vector.broadcast %eq3A_1117 : i32 to vector<16xi32>
      %eq3A_1119 = arith.cmpi eq, %get3A_1109, %eq3A_1118 : vector<16xi32>
      %select_n3A_1120 = arith.select %eq3A_1119, %get3A_1112, %broadcast_in_dim3A_3 : vector<16xi1>, vector<16xf32>
      %add3A_1121 = arith.addf %select_n3A_1116, %select_n3A_1120 : vector<16xf32>
      %swap3A_1122 = arith.constant 80 : index
      %swap3A_1123 = tpu.vector_load %arg7[%swap3A_1122] {strides = array<i32>} : memref<2048xf32, #tpu.memory_space<vmem>>, vector<16xf32>,
      %swap3A_1124 = vector.shape_cast %swap3A_1123 : vector<16xf32> to vector<16xf32>
      %swap3A_1125 = vector.shape_cast %add3A_1121 : vector<16xf32> to vector<16xf32>
      tpu.vector_store %arg7[%swap3A_1122], %swap3A_1125 {strides = array<i32>} : memref<2048xf32, #tpu.memory_space<vmem>>, vector<16xf32>,
      %eq3A_1126 = arith.constant 1 : i32
      %eq3A_1127 = vector.broadcast %eq3A_1126 : i32 to vector<16xi32>
      %eq3A_1128 = arith.cmpi eq, %get3A_1103, %eq3A_1127 : vector<16xi32>
      %select_n3A_1129 = arith.select %eq3A_1128, %get3A_1106, %broadcast_in_dim3A_3 : vector<16xi1>, vector<16xf32>
      %eq3A_1130 = arith.constant 1 : i32
      %eq3A_1131 = vector.broadcast %eq3A_1130 : i32 to vector<16xi32>
      %eq3A_1132 = arith.cmpi eq, %get3A_1109, %eq3A_1131 : vector<16xi32>
      %select_n3A_1133 = arith.select %eq3A_1132, %get3A_1112, %broadcast_in_dim3A_3 : vector<16xi1>, vector<16xf32>
      %add3A_1134 = arith.addf %select_n3A_1129, %select_n3A_1133 : vector<16xf32>
      %swap3A_1135 = arith.constant 208 : index
      %swap3A_1136 = tpu.vector_load %arg7[%swap3A_1135] {strides = array<i32>} : memref<2048xf32, #tpu.memory_space<vmem>>, vector<16xf32>,
      %swap3A_1137 = vector.shape_cast %swap3A_1136 : vector<16xf32> to vector<16xf32>
      %swap3A_1138 = vector.shape_cast %add3A_1134 : vector<16xf32> to vector<16xf32>
      tpu.vector_store %arg7[%swap3A_1135], %swap3A_1138 {strides = array<i32>} : memref<2048xf32, #tpu.memory_space<vmem>>, vector<16xf32>,
      %eq3A_1139 = arith.constant 2 : i32
      %eq3A_1140 = vector.broadcast %eq3A_1139 : i32 to vector<16xi32>
      %eq3A_1141 = arith.cmpi eq, %get3A_1103, %eq3A_1140 : vector<16xi32>
      %select_n3A_1142 = arith.select %eq3A_1141, %get3A_1106, %broadcast_in_dim3A_3 : vector<16xi1>, vector<16xf32>
      %eq3A_1143 = arith.constant 2 : i32
      %eq3A_1144 = vector.broadcast %eq3A_1143 : i32 to vector<16xi32>
      %eq3A_1145 = arith.cmpi eq, %get3A_1109, %eq3A_1144 : vector<16xi32>
      %select_n3A_1146 = arith.select %eq3A_1145, %get3A_1112, %broadcast_in_dim3A_3 : vector<16xi1>, vector<16xf32>
      %add3A_1147 = arith.addf %select_n3A_1142, %select_n3A_1146 : vector<16xf32>
      %swap3A_1148 = arith.constant 336 : index
      %swap3A_1149 = tpu.vector_load %arg7[%swap3A_1148] {strides = array<i32>} : memref<2048xf32, #tpu.memory_space<vmem>>, vector<16xf32>,
      %swap3A_1150 = vector.shape_cast %swap3A_1149 : vector<16xf32> to vector<16xf32>
      %swap3A_1151 = vector.shape_cast %add3A_1147 : vector<16xf32> to vector<16xf32>
      tpu.vector_store %arg7[%swap3A_1148], %swap3A_1151 {strides = array<i32>} : memref<2048xf32, #tpu.memory_space<vmem>>, vector<16xf32>,
      %eq3A_1152 = arith.constant 3 : i32
      %eq3A_1153 = vector.broadcast %eq3A_1152 : i32 to vector<16xi32>
      %eq3A_1154 = arith.cmpi eq, %get3A_1103, %eq3A_1153 : vector<16xi32>
      %select_n3A_1155 = arith.select %eq3A_1154, %get3A_1106, %broadcast_in_dim3A_3 : vector<16xi1>, vector<16xf32>
      %eq3A_1156 = arith.constant 3 : i32
      %eq3A_1157 = vector.broadcast %eq3A_1156 : i32 to vector<16xi32>
      %eq3A_1158 = arith.cmpi eq, %get3A_1109, %eq3A_1157 : vector<16xi32>
      %select_n3A_1159 = arith.select %eq3A_1158, %get3A_1112, %broadcast_in_dim3A_3 : vector<16xi1>, vector<16xf32>
      %add3A_1160 = arith.addf %select_n3A_1155, %select_n3A_1159 : vector<16xf32>
      %swap3A_1161 = arith.constant 464 : index
      %swap3A_1162 = tpu.vector_load %arg7[%swap3A_1161] {strides = array<i32>} : memref<2048xf32, #tpu.memory_space<vmem>>, vector<16xf32>,
      %swap3A_1163 = vector.shape_cast %swap3A_1162 : vector<16xf32> to vector<16xf32>
      %swap3A_1164 = vector.shape_cast %add3A_1160 : vector<16xf32> to vector<16xf32>
      tpu.vector_store %arg7[%swap3A_1161], %swap3A_1164 {strides = array<i32>} : memref<2048xf32, #tpu.memory_space<vmem>>, vector<16xf32>,
      %eq3A_1165 = arith.constant 4 : i32
      %eq3A_1166 = vector.broadcast %eq3A_1165 : i32 to vector<16xi32>
      %eq3A_1167 = arith.cmpi eq, %get3A_1103, %eq3A_1166 : vector<16xi32>
      %select_n3A_1168 = arith.select %eq3A_1167, %get3A_1106, %broadcast_in_dim3A_3 : vector<16xi1>, vector<16xf32>
      %eq3A_1169 = arith.constant 4 : i32
      %eq3A_1170 = vector.broadcast %eq3A_1169 : i32 to vector<16xi32>
      %eq3A_1171 = arith.cmpi eq, %get3A_1109, %eq3A_1170 : vector<16xi32>
      %select_n3A_1172 = arith.select %eq3A_1171, %get3A_1112, %broadcast_in_dim3A_3 : vector<16xi1>, vector<16xf32>
      %add3A_1173 = arith.addf %select_n3A_1168, %select_n3A_1172 : vector<16xf32>
      %swap3A_1174 = arith.constant 592 : index
      %swap3A_1175 = tpu.vector_load %arg7[%swap3A_1174] {strides = array<i32>} : memref<2048xf32, #tpu.memory_space<vmem>>, vector<16xf32>,
      %swap3A_1176 = vector.shape_cast %swap3A_1175 : vector<16xf32> to vector<16xf32>
      %swap3A_1177 = vector.shape_cast %add3A_1173 : vector<16xf32> to vector<16xf32>
      tpu.vector_store %arg7[%swap3A_1174], %swap3A_1177 {strides = array<i32>} : memref<2048xf32, #tpu.memory_space<vmem>>, vector<16xf32>,
      %eq3A_1178 = arith.constant 5 : i32
      %eq3A_1179 = vector.broadcast %eq3A_1178 : i32 to vector<16xi32>
      %eq3A_1180 = arith.cmpi eq, %get3A_1103, %eq3A_1179 : vector<16xi32>
      %select_n3A_1181 = arith.select %eq3A_1180, %get3A_1106, %broadcast_in_dim3A_3 : vector<16xi1>, vector<16xf32>
      %eq3A_1182 = arith.constant 5 : i32
      %eq3A_1183 = vector.broadcast %eq3A_1182 : i32 to vector<16xi32>
      %eq3A_1184 = arith.cmpi eq, %get3A_1109, %eq3A_1183 : vector<16xi32>
      %select_n3A_1185 = arith.select %eq3A_1184, %get3A_1112, %broadcast_in_dim3A_3 : vector<16xi1>, vector<16xf32>
      %add3A_1186 = arith.addf %select_n3A_1181, %select_n3A_1185 : vector<16xf32>
      %swap3A_1187 = arith.constant 720 : index
      %swap3A_1188 = tpu.vector_load %arg7[%swap3A_1187] {strides = array<i32>} : memref<2048xf32, #tpu.memory_space<vmem>>, vector<16xf32>,
      %swap3A_1189 = vector.shape_cast %swap3A_1188 : vector<16xf32> to vector<16xf32>
      %swap3A_1190 = vector.shape_cast %add3A_1186 : vector<16xf32> to vector<16xf32>
      tpu.vector_store %arg7[%swap3A_1187], %swap3A_1190 {strides = array<i32>} : memref<2048xf32, #tpu.memory_space<vmem>>, vector<16xf32>,
      %eq3A_1191 = arith.constant 6 : i32
      %eq3A_1192 = vector.broadcast %eq3A_1191 : i32 to vector<16xi32>
      %eq3A_1193 = arith.cmpi eq, %get3A_1103, %eq3A_1192 : vector<16xi32>
      %select_n3A_1194 = arith.select %eq3A_1193, %get3A_1106, %broadcast_in_dim3A_3 : vector<16xi1>, vector<16xf32>
      %eq3A_1195 = arith.constant 6 : i32
      %eq3A_1196 = vector.broadcast %eq3A_1195 : i32 to vector<16xi32>
      %eq3A_1197 = arith.cmpi eq, %get3A_1109, %eq3A_1196 : vector<16xi32>
      %select_n3A_1198 = arith.select %eq3A_1197, %get3A_1112, %broadcast_in_dim3A_3 : vector<16xi1>, vector<16xf32>
      %add3A_1199 = arith.addf %select_n3A_1194, %select_n3A_1198 : vector<16xf32>
      %swap3A_1200 = arith.constant 848 : index
      %swap3A_1201 = tpu.vector_load %arg7[%swap3A_1200] {strides = array<i32>} : memref<2048xf32, #tpu.memory_space<vmem>>, vector<16xf32>,
      %swap3A_1202 = vector.shape_cast %swap3A_1201 : vector<16xf32> to vector<16xf32>
      %swap3A_1203 = vector.shape_cast %add3A_1199 : vector<16xf32> to vector<16xf32>
      tpu.vector_store %arg7[%swap3A_1200], %swap3A_1203 {strides = array<i32>} : memref<2048xf32, #tpu.memory_space<vmem>>, vector<16xf32>,
      %eq3A_1204 = arith.constant 7 : i32
      %eq3A_1205 = vector.broadcast %eq3A_1204 : i32 to vector<16xi32>
      %eq3A_1206 = arith.cmpi eq, %get3A_1103, %eq3A_1205 : vector<16xi32>
      %select_n3A_1207 = arith.select %eq3A_1206, %get3A_1106, %broadcast_in_dim3A_3 : vector<16xi1>, vector<16xf32>
      %eq3A_1208 = arith.constant 7 : i32
      %eq3A_1209 = vector.broadcast %eq3A_1208 : i32 to vector<16xi32>
      %eq3A_1210 = arith.cmpi eq, %get3A_1109, %eq3A_1209 : vector<16xi32>
      %select_n3A_1211 = arith.select %eq3A_1210, %get3A_1112, %broadcast_in_dim3A_3 : vector<16xi1>, vector<16xf32>
      %add3A_1212 = arith.addf %select_n3A_1207, %select_n3A_1211 : vector<16xf32>
      %swap3A_1213 = arith.constant 976 : index
      %swap3A_1214 = tpu.vector_load %arg7[%swap3A_1213] {strides = array<i32>} : memref<2048xf32, #tpu.memory_space<vmem>>, vector<16xf32>,
      %swap3A_1215 = vector.shape_cast %swap3A_1214 : vector<16xf32> to vector<16xf32>
      %swap3A_1216 = vector.shape_cast %add3A_1212 : vector<16xf32> to vector<16xf32>
      tpu.vector_store %arg7[%swap3A_1213], %swap3A_1216 {strides = array<i32>} : memref<2048xf32, #tpu.memory_space<vmem>>, vector<16xf32>,
      %eq3A_1217 = arith.constant 8 : i32
      %eq3A_1218 = vector.broadcast %eq3A_1217 : i32 to vector<16xi32>
      %eq3A_1219 = arith.cmpi eq, %get3A_1103, %eq3A_1218 : vector<16xi32>
      %select_n3A_1220 = arith.select %eq3A_1219, %get3A_1106, %broadcast_in_dim3A_3 : vector<16xi1>, vector<16xf32>
      %eq3A_1221 = arith.constant 8 : i32
      %eq3A_1222 = vector.broadcast %eq3A_1221 : i32 to vector<16xi32>
      %eq3A_1223 = arith.cmpi eq, %get3A_1109, %eq3A_1222 : vector<16xi32>
      %select_n3A_1224 = arith.select %eq3A_1223, %get3A_1112, %broadcast_in_dim3A_3 : vector<16xi1>, vector<16xf32>
      %add3A_1225 = arith.addf %select_n3A_1220, %select_n3A_1224 : vector<16xf32>
      %swap3A_1226 = arith.constant 1104 : index
      %swap3A_1227 = tpu.vector_load %arg7[%swap3A_1226] {strides = array<i32>} : memref<2048xf32, #tpu.memory_space<vmem>>, vector<16xf32>,
      %swap3A_1228 = vector.shape_cast %swap3A_1227 : vector<16xf32> to vector<16xf32>
      %swap3A_1229 = vector.shape_cast %add3A_1225 : vector<16xf32> to vector<16xf32>
      tpu.vector_store %arg7[%swap3A_1226], %swap3A_1229 {strides = array<i32>} : memref<2048xf32, #tpu.memory_space<vmem>>, vector<16xf32>,
      %eq3A_1230 = arith.constant 9 : i32
      %eq3A_1231 = vector.broadcast %eq3A_1230 : i32 to vector<16xi32>
      %eq3A_1232 = arith.cmpi eq, %get3A_1103, %eq3A_1231 : vector<16xi32>
      %select_n3A_1233 = arith.select %eq3A_1232, %get3A_1106, %broadcast_in_dim3A_3 : vector<16xi1>, vector<16xf32>
      %eq3A_1234 = arith.constant 9 : i32
      %eq3A_1235 = vector.broadcast %eq3A_1234 : i32 to vector<16xi32>
      %eq3A_1236 = arith.cmpi eq, %get3A_1109, %eq3A_1235 : vector<16xi32>
      %select_n3A_1237 = arith.select %eq3A_1236, %get3A_1112, %broadcast_in_dim3A_3 : vector<16xi1>, vector<16xf32>
      %add3A_1238 = arith.addf %select_n3A_1233, %select_n3A_1237 : vector<16xf32>
      %swap3A_1239 = arith.constant 1232 : index
      %swap3A_1240 = tpu.vector_load %arg7[%swap3A_1239] {strides = array<i32>} : memref<2048xf32, #tpu.memory_space<vmem>>, vector<16xf32>,
      %swap3A_1241 = vector.shape_cast %swap3A_1240 : vector<16xf32> to vector<16xf32>
      %swap3A_1242 = vector.shape_cast %add3A_1238 : vector<16xf32> to vector<16xf32>
      tpu.vector_store %arg7[%swap3A_1239], %swap3A_1242 {strides = array<i32>} : memref<2048xf32, #tpu.memory_space<vmem>>, vector<16xf32>,
      %eq3A_1243 = arith.constant 10 : i32
      %eq3A_1244 = vector.broadcast %eq3A_1243 : i32 to vector<16xi32>
      %eq3A_1245 = arith.cmpi eq, %get3A_1103, %eq3A_1244 : vector<16xi32>
      %select_n3A_1246 = arith.select %eq3A_1245, %get3A_1106, %broadcast_in_dim3A_3 : vector<16xi1>, vector<16xf32>
      %eq3A_1247 = arith.constant 10 : i32
      %eq3A_1248 = vector.broadcast %eq3A_1247 : i32 to vector<16xi32>
      %eq3A_1249 = arith.cmpi eq, %get3A_1109, %eq3A_1248 : vector<16xi32>
      %select_n3A_1250 = arith.select %eq3A_1249, %get3A_1112, %broadcast_in_dim3A_3 : vector<16xi1>, vector<16xf32>
      %add3A_1251 = arith.addf %select_n3A_1246, %select_n3A_1250 : vector<16xf32>
      %swap3A_1252 = arith.constant 1360 : index
      %swap3A_1253 = tpu.vector_load %arg7[%swap3A_1252] {strides = array<i32>} : memref<2048xf32, #tpu.memory_space<vmem>>, vector<16xf32>,
      %swap3A_1254 = vector.shape_cast %swap3A_1253 : vector<16xf32> to vector<16xf32>
      %swap3A_1255 = vector.shape_cast %add3A_1251 : vector<16xf32> to vector<16xf32>
      tpu.vector_store %arg7[%swap3A_1252], %swap3A_1255 {strides = array<i32>} : memref<2048xf32, #tpu.memory_space<vmem>>, vector<16xf32>,
      %eq3A_1256 = arith.constant 11 : i32
      %eq3A_1257 = vector.broadcast %eq3A_1256 : i32 to vector<16xi32>
      %eq3A_1258 = arith.cmpi eq, %get3A_1103, %eq3A_1257 : vector<16xi32>
      %select_n3A_1259 = arith.select %eq3A_1258, %get3A_1106, %broadcast_in_dim3A_3 : vector<16xi1>, vector<16xf32>
      %eq3A_1260 = arith.constant 11 : i32
      %eq3A_1261 = vector.broadcast %eq3A_1260 : i32 to vector<16xi32>
      %eq3A_1262 = arith.cmpi eq, %get3A_1109, %eq3A_1261 : vector<16xi32>
      %select_n3A_1263 = arith.select %eq3A_1262, %get3A_1112, %broadcast_in_dim3A_3 : vector<16xi1>, vector<16xf32>
      %add3A_1264 = arith.addf %select_n3A_1259, %select_n3A_1263 : vector<16xf32>
      %swap3A_1265 = arith.constant 1488 : index
      %swap3A_1266 = tpu.vector_load %arg7[%swap3A_1265] {strides = array<i32>} : memref<2048xf32, #tpu.memory_space<vmem>>, vector<16xf32>,
      %swap3A_1267 = vector.shape_cast %swap3A_1266 : vector<16xf32> to vector<16xf32>
      %swap3A_1268 = vector.shape_cast %add3A_1264 : vector<16xf32> to vector<16xf32>
      tpu.vector_store %arg7[%swap3A_1265], %swap3A_1268 {strides = array<i32>} : memref<2048xf32, #tpu.memory_space<vmem>>, vector<16xf32>,
      %eq3A_1269 = arith.constant 12 : i32
      %eq3A_1270 = vector.broadcast %eq3A_1269 : i32 to vector<16xi32>
      %eq3A_1271 = arith.cmpi eq, %get3A_1103, %eq3A_1270 : vector<16xi32>
      %select_n3A_1272 = arith.select %eq3A_1271, %get3A_1106, %broadcast_in_dim3A_3 : vector<16xi1>, vector<16xf32>
      %eq3A_1273 = arith.constant 12 : i32
      %eq3A_1274 = vector.broadcast %eq3A_1273 : i32 to vector<16xi32>
      %eq3A_1275 = arith.cmpi eq, %get3A_1109, %eq3A_1274 : vector<16xi32>
      %select_n3A_1276 = arith.select %eq3A_1275, %get3A_1112, %broadcast_in_dim3A_3 : vector<16xi1>, vector<16xf32>
      %add3A_1277 = arith.addf %select_n3A_1272, %select_n3A_1276 : vector<16xf32>
      %swap3A_1278 = arith.constant 1616 : index
      %swap3A_1279 = tpu.vector_load %arg7[%swap3A_1278] {strides = array<i32>} : memref<2048xf32, #tpu.memory_space<vmem>>, vector<16xf32>,
      %swap3A_1280 = vector.shape_cast %swap3A_1279 : vector<16xf32> to vector<16xf32>
      %swap3A_1281 = vector.shape_cast %add3A_1277 : vector<16xf32> to vector<16xf32>
      tpu.vector_store %arg7[%swap3A_1278], %swap3A_1281 {strides = array<i32>} : memref<2048xf32, #tpu.memory_space<vmem>>, vector<16xf32>,
      %eq3A_1282 = arith.constant 13 : i32
      %eq3A_1283 = vector.broadcast %eq3A_1282 : i32 to vector<16xi32>
      %eq3A_1284 = arith.cmpi eq, %get3A_1103, %eq3A_1283 : vector<16xi32>
      %select_n3A_1285 = arith.select %eq3A_1284, %get3A_1106, %broadcast_in_dim3A_3 : vector<16xi1>, vector<16xf32>
      %eq3A_1286 = arith.constant 13 : i32
      %eq3A_1287 = vector.broadcast %eq3A_1286 : i32 to vector<16xi32>
      %eq3A_1288 = arith.cmpi eq, %get3A_1109, %eq3A_1287 : vector<16xi32>
      %select_n3A_1289 = arith.select %eq3A_1288, %get3A_1112, %broadcast_in_dim3A_3 : vector<16xi1>, vector<16xf32>
      %add3A_1290 = arith.addf %select_n3A_1285, %select_n3A_1289 : vector<16xf32>
      %swap3A_1291 = arith.constant 1744 : index
      %swap3A_1292 = tpu.vector_load %arg7[%swap3A_1291] {strides = array<i32>} : memref<2048xf32, #tpu.memory_space<vmem>>, vector<16xf32>,
      %swap3A_1293 = vector.shape_cast %swap3A_1292 : vector<16xf32> to vector<16xf32>
      %swap3A_1294 = vector.shape_cast %add3A_1290 : vector<16xf32> to vector<16xf32>
      tpu.vector_store %arg7[%swap3A_1291], %swap3A_1294 {strides = array<i32>} : memref<2048xf32, #tpu.memory_space<vmem>>, vector<16xf32>,
      %eq3A_1295 = arith.constant 14 : i32
      %eq3A_1296 = vector.broadcast %eq3A_1295 : i32 to vector<16xi32>
      %eq3A_1297 = arith.cmpi eq, %get3A_1103, %eq3A_1296 : vector<16xi32>
      %select_n3A_1298 = arith.select %eq3A_1297, %get3A_1106, %broadcast_in_dim3A_3 : vector<16xi1>, vector<16xf32>
      %eq3A_1299 = arith.constant 14 : i32
      %eq3A_1300 = vector.broadcast %eq3A_1299 : i32 to vector<16xi32>
      %eq3A_1301 = arith.cmpi eq, %get3A_1109, %eq3A_1300 : vector<16xi32>
      %select_n3A_1302 = arith.select %eq3A_1301, %get3A_1112, %broadcast_in_dim3A_3 : vector<16xi1>, vector<16xf32>
      %add3A_1303 = arith.addf %select_n3A_1298, %select_n3A_1302 : vector<16xf32>
      %swap3A_1304 = arith.constant 1872 : index
      %swap3A_1305 = tpu.vector_load %arg7[%swap3A_1304] {strides = array<i32>} : memref<2048xf32, #tpu.memory_space<vmem>>, vector<16xf32>,
      %swap3A_1306 = vector.shape_cast %swap3A_1305 : vector<16xf32> to vector<16xf32>
      %swap3A_1307 = vector.shape_cast %add3A_1303 : vector<16xf32> to vector<16xf32>
      tpu.vector_store %arg7[%swap3A_1304], %swap3A_1307 {strides = array<i32>} : memref<2048xf32, #tpu.memory_space<vmem>>, vector<16xf32>,
      %eq3A_1308 = arith.constant 15 : i32
      %eq3A_1309 = vector.broadcast %eq3A_1308 : i32 to vector<16xi32>
      %eq3A_1310 = arith.cmpi eq, %get3A_1103, %eq3A_1309 : vector<16xi32>
      %select_n3A_1311 = arith.select %eq3A_1310, %get3A_1106, %broadcast_in_dim3A_3 : vector<16xi1>, vector<16xf32>
      %eq3A_1312 = arith.constant 15 : i32
      %eq3A_1313 = vector.broadcast %eq3A_1312 : i32 to vector<16xi32>
      %eq3A_1314 = arith.cmpi eq, %get3A_1109, %eq3A_1313 : vector<16xi32>
      %select_n3A_1315 = arith.select %eq3A_1314, %get3A_1112, %broadcast_in_dim3A_3 : vector<16xi1>, vector<16xf32>
      %add3A_1316 = arith.addf %select_n3A_1311, %select_n3A_1315 : vector<16xf32>
      %swap3A_1317 = arith.constant 2000 : index
      %swap3A_1318 = tpu.vector_load %arg7[%swap3A_1317] {strides = array<i32>} : memref<2048xf32, #tpu.memory_space<vmem>>, vector<16xf32>,
      %swap3A_1319 = vector.shape_cast %swap3A_1318 : vector<16xf32> to vector<16xf32>
      %swap3A_1320 = vector.shape_cast %add3A_1316 : vector<16xf32> to vector<16xf32>
      tpu.vector_store %arg7[%swap3A_1317], %swap3A_1320 {strides = array<i32>} : memref<2048xf32, #tpu.memory_space<vmem>>, vector<16xf32>,
      %get3A_1321 = arith.constant 96 : index
      %get3A_1322 = tpu.vector_load %arg5[%get3A_1321] {strides = array<i32>} : memref<256xi32, #tpu.memory_space<vmem>>, vector<16xi32>,
      %get3A_1323 = vector.shape_cast %get3A_1322 : vector<16xi32> to vector<16xi32>
      %get3A_1324 = arith.constant 96 : index
      %get3A_1325 = tpu.vector_load %arg6[%get3A_1324] {strides = array<i32>} : memref<256xf32, #tpu.memory_space<vmem>>, vector<16xf32>,
      %get3A_1326 = vector.shape_cast %get3A_1325 : vector<16xf32> to vector<16xf32>
      %get3A_1327 = arith.constant 224 : index
      %get3A_1328 = tpu.vector_load %arg5[%get3A_1327] {strides = array<i32>} : memref<256xi32, #tpu.memory_space<vmem>>, vector<16xi32>,
      %get3A_1329 = vector.shape_cast %get3A_1328 : vector<16xi32> to vector<16xi32>
      %get3A_1330 = arith.constant 224 : index
      %get3A_1331 = tpu.vector_load %arg6[%get3A_1330] {strides = array<i32>} : memref<256xf32, #tpu.memory_space<vmem>>, vector<16xf32>,
      %get3A_1332 = vector.shape_cast %get3A_1331 : vector<16xf32> to vector<16xf32>
      %eq3A_1333 = arith.constant 0 : i32
      %eq3A_1334 = vector.broadcast %eq3A_1333 : i32 to vector<16xi32>
      %eq3A_1335 = arith.cmpi eq, %get3A_1323, %eq3A_1334 : vector<16xi32>
      %select_n3A_1336 = arith.select %eq3A_1335, %get3A_1326, %broadcast_in_dim3A_3 : vector<16xi1>, vector<16xf32>
      %eq3A_1337 = arith.constant 0 : i32
      %eq3A_1338 = vector.broadcast %eq3A_1337 : i32 to vector<16xi32>
      %eq3A_1339 = arith.cmpi eq, %get3A_1329, %eq3A_1338 : vector<16xi32>
      %select_n3A_1340 = arith.select %eq3A_1339, %get3A_1332, %broadcast_in_dim3A_3 : vector<16xi1>, vector<16xf32>
      %add3A_1341 = arith.addf %select_n3A_1336, %select_n3A_1340 : vector<16xf32>
      %swap3A_1342 = arith.constant 96 : index
      %swap3A_1343 = tpu.vector_load %arg7[%swap3A_1342] {strides = array<i32>} : memref<2048xf32, #tpu.memory_space<vmem>>, vector<16xf32>,
      %swap3A_1344 = vector.shape_cast %swap3A_1343 : vector<16xf32> to vector<16xf32>
      %swap3A_1345 = vector.shape_cast %add3A_1341 : vector<16xf32> to vector<16xf32>
      tpu.vector_store %arg7[%swap3A_1342], %swap3A_1345 {strides = array<i32>} : memref<2048xf32, #tpu.memory_space<vmem>>, vector<16xf32>,
      %eq3A_1346 = arith.constant 1 : i32
      %eq3A_1347 = vector.broadcast %eq3A_1346 : i32 to vector<16xi32>
      %eq3A_1348 = arith.cmpi eq, %get3A_1323, %eq3A_1347 : vector<16xi32>
      %select_n3A_1349 = arith.select %eq3A_1348, %get3A_1326, %broadcast_in_dim3A_3 : vector<16xi1>, vector<16xf32>
      %eq3A_1350 = arith.constant 1 : i32
      %eq3A_1351 = vector.broadcast %eq3A_1350 : i32 to vector<16xi32>
      %eq3A_1352 = arith.cmpi eq, %get3A_1329, %eq3A_1351 : vector<16xi32>
      %select_n3A_1353 = arith.select %eq3A_1352, %get3A_1332, %broadcast_in_dim3A_3 : vector<16xi1>, vector<16xf32>
      %add3A_1354 = arith.addf %select_n3A_1349, %select_n3A_1353 : vector<16xf32>
      %swap3A_1355 = arith.constant 224 : index
      %swap3A_1356 = tpu.vector_load %arg7[%swap3A_1355] {strides = array<i32>} : memref<2048xf32, #tpu.memory_space<vmem>>, vector<16xf32>,
      %swap3A_1357 = vector.shape_cast %swap3A_1356 : vector<16xf32> to vector<16xf32>
      %swap3A_1358 = vector.shape_cast %add3A_1354 : vector<16xf32> to vector<16xf32>
      tpu.vector_store %arg7[%swap3A_1355], %swap3A_1358 {strides = array<i32>} : memref<2048xf32, #tpu.memory_space<vmem>>, vector<16xf32>,
      %eq3A_1359 = arith.constant 2 : i32
      %eq3A_1360 = vector.broadcast %eq3A_1359 : i32 to vector<16xi32>
      %eq3A_1361 = arith.cmpi eq, %get3A_1323, %eq3A_1360 : vector<16xi32>
      %select_n3A_1362 = arith.select %eq3A_1361, %get3A_1326, %broadcast_in_dim3A_3 : vector<16xi1>, vector<16xf32>
      %eq3A_1363 = arith.constant 2 : i32
      %eq3A_1364 = vector.broadcast %eq3A_1363 : i32 to vector<16xi32>
      %eq3A_1365 = arith.cmpi eq, %get3A_1329, %eq3A_1364 : vector<16xi32>
      %select_n3A_1366 = arith.select %eq3A_1365, %get3A_1332, %broadcast_in_dim3A_3 : vector<16xi1>, vector<16xf32>
      %add3A_1367 = arith.addf %select_n3A_1362, %select_n3A_1366 : vector<16xf32>
      %swap3A_1368 = arith.constant 352 : index
      %swap3A_1369 = tpu.vector_load %arg7[%swap3A_1368] {strides = array<i32>} : memref<2048xf32, #tpu.memory_space<vmem>>, vector<16xf32>,
      %swap3A_1370 = vector.shape_cast %swap3A_1369 : vector<16xf32> to vector<16xf32>
      %swap3A_1371 = vector.shape_cast %add3A_1367 : vector<16xf32> to vector<16xf32>
      tpu.vector_store %arg7[%swap3A_1368], %swap3A_1371 {strides = array<i32>} : memref<2048xf32, #tpu.memory_space<vmem>>, vector<16xf32>,
      %eq3A_1372 = arith.constant 3 : i32
      %eq3A_1373 = vector.broadcast %eq3A_1372 : i32 to vector<16xi32>
      %eq3A_1374 = arith.cmpi eq, %get3A_1323, %eq3A_1373 : vector<16xi32>
      %select_n3A_1375 = arith.select %eq3A_1374, %get3A_1326, %broadcast_in_dim3A_3 : vector<16xi1>, vector<16xf32>
      %eq3A_1376 = arith.constant 3 : i32
      %eq3A_1377 = vector.broadcast %eq3A_1376 : i32 to vector<16xi32>
      %eq3A_1378 = arith.cmpi eq, %get3A_1329, %eq3A_1377 : vector<16xi32>
      %select_n3A_1379 = arith.select %eq3A_1378, %get3A_1332, %broadcast_in_dim3A_3 : vector<16xi1>, vector<16xf32>
      %add3A_1380 = arith.addf %select_n3A_1375, %select_n3A_1379 : vector<16xf32>
      %swap3A_1381 = arith.constant 480 : index
      %swap3A_1382 = tpu.vector_load %arg7[%swap3A_1381] {strides = array<i32>} : memref<2048xf32, #tpu.memory_space<vmem>>, vector<16xf32>,
      %swap3A_1383 = vector.shape_cast %swap3A_1382 : vector<16xf32> to vector<16xf32>
      %swap3A_1384 = vector.shape_cast %add3A_1380 : vector<16xf32> to vector<16xf32>
      tpu.vector_store %arg7[%swap3A_1381], %swap3A_1384 {strides = array<i32>} : memref<2048xf32, #tpu.memory_space<vmem>>, vector<16xf32>,
      %eq3A_1385 = arith.constant 4 : i32
      %eq3A_1386 = vector.broadcast %eq3A_1385 : i32 to vector<16xi32>
      %eq3A_1387 = arith.cmpi eq, %get3A_1323, %eq3A_1386 : vector<16xi32>
      %select_n3A_1388 = arith.select %eq3A_1387, %get3A_1326, %broadcast_in_dim3A_3 : vector<16xi1>, vector<16xf32>
      %eq3A_1389 = arith.constant 4 : i32
      %eq3A_1390 = vector.broadcast %eq3A_1389 : i32 to vector<16xi32>
      %eq3A_1391 = arith.cmpi eq, %get3A_1329, %eq3A_1390 : vector<16xi32>
      %select_n3A_1392 = arith.select %eq3A_1391, %get3A_1332, %broadcast_in_dim3A_3 : vector<16xi1>, vector<16xf32>
      %add3A_1393 = arith.addf %select_n3A_1388, %select_n3A_1392 : vector<16xf32>
      %swap3A_1394 = arith.constant 608 : index
      %swap3A_1395 = tpu.vector_load %arg7[%swap3A_1394] {strides = array<i32>} : memref<2048xf32, #tpu.memory_space<vmem>>, vector<16xf32>,
      %swap3A_1396 = vector.shape_cast %swap3A_1395 : vector<16xf32> to vector<16xf32>
      %swap3A_1397 = vector.shape_cast %add3A_1393 : vector<16xf32> to vector<16xf32>
      tpu.vector_store %arg7[%swap3A_1394], %swap3A_1397 {strides = array<i32>} : memref<2048xf32, #tpu.memory_space<vmem>>, vector<16xf32>,
      %eq3A_1398 = arith.constant 5 : i32
      %eq3A_1399 = vector.broadcast %eq3A_1398 : i32 to vector<16xi32>
      %eq3A_1400 = arith.cmpi eq, %get3A_1323, %eq3A_1399 : vector<16xi32>
      %select_n3A_1401 = arith.select %eq3A_1400, %get3A_1326, %broadcast_in_dim3A_3 : vector<16xi1>, vector<16xf32>
      %eq3A_1402 = arith.constant 5 : i32
      %eq3A_1403 = vector.broadcast %eq3A_1402 : i32 to vector<16xi32>
      %eq3A_1404 = arith.cmpi eq, %get3A_1329, %eq3A_1403 : vector<16xi32>
      %select_n3A_1405 = arith.select %eq3A_1404, %get3A_1332, %broadcast_in_dim3A_3 : vector<16xi1>, vector<16xf32>
      %add3A_1406 = arith.addf %select_n3A_1401, %select_n3A_1405 : vector<16xf32>
      %swap3A_1407 = arith.constant 736 : index
      %swap3A_1408 = tpu.vector_load %arg7[%swap3A_1407] {strides = array<i32>} : memref<2048xf32, #tpu.memory_space<vmem>>, vector<16xf32>,
      %swap3A_1409 = vector.shape_cast %swap3A_1408 : vector<16xf32> to vector<16xf32>
      %swap3A_1410 = vector.shape_cast %add3A_1406 : vector<16xf32> to vector<16xf32>
      tpu.vector_store %arg7[%swap3A_1407], %swap3A_1410 {strides = array<i32>} : memref<2048xf32, #tpu.memory_space<vmem>>, vector<16xf32>,
      %eq3A_1411 = arith.constant 6 : i32
      %eq3A_1412 = vector.broadcast %eq3A_1411 : i32 to vector<16xi32>
      %eq3A_1413 = arith.cmpi eq, %get3A_1323, %eq3A_1412 : vector<16xi32>
      %select_n3A_1414 = arith.select %eq3A_1413, %get3A_1326, %broadcast_in_dim3A_3 : vector<16xi1>, vector<16xf32>
      %eq3A_1415 = arith.constant 6 : i32
      %eq3A_1416 = vector.broadcast %eq3A_1415 : i32 to vector<16xi32>
      %eq3A_1417 = arith.cmpi eq, %get3A_1329, %eq3A_1416 : vector<16xi32>
      %select_n3A_1418 = arith.select %eq3A_1417, %get3A_1332, %broadcast_in_dim3A_3 : vector<16xi1>, vector<16xf32>
      %add3A_1419 = arith.addf %select_n3A_1414, %select_n3A_1418 : vector<16xf32>
      %swap3A_1420 = arith.constant 864 : index
      %swap3A_1421 = tpu.vector_load %arg7[%swap3A_1420] {strides = array<i32>} : memref<2048xf32, #tpu.memory_space<vmem>>, vector<16xf32>,
      %swap3A_1422 = vector.shape_cast %swap3A_1421 : vector<16xf32> to vector<16xf32>
      %swap3A_1423 = vector.shape_cast %add3A_1419 : vector<16xf32> to vector<16xf32>
      tpu.vector_store %arg7[%swap3A_1420], %swap3A_1423 {strides = array<i32>} : memref<2048xf32, #tpu.memory_space<vmem>>, vector<16xf32>,
      %eq3A_1424 = arith.constant 7 : i32
      %eq3A_1425 = vector.broadcast %eq3A_1424 : i32 to vector<16xi32>
      %eq3A_1426 = arith.cmpi eq, %get3A_1323, %eq3A_1425 : vector<16xi32>
      %select_n3A_1427 = arith.select %eq3A_1426, %get3A_1326, %broadcast_in_dim3A_3 : vector<16xi1>, vector<16xf32>
      %eq3A_1428 = arith.constant 7 : i32
      %eq3A_1429 = vector.broadcast %eq3A_1428 : i32 to vector<16xi32>
      %eq3A_1430 = arith.cmpi eq, %get3A_1329, %eq3A_1429 : vector<16xi32>
      %select_n3A_1431 = arith.select %eq3A_1430, %get3A_1332, %broadcast_in_dim3A_3 : vector<16xi1>, vector<16xf32>
      %add3A_1432 = arith.addf %select_n3A_1427, %select_n3A_1431 : vector<16xf32>
      %swap3A_1433 = arith.constant 992 : index
      %swap3A_1434 = tpu.vector_load %arg7[%swap3A_1433] {strides = array<i32>} : memref<2048xf32, #tpu.memory_space<vmem>>, vector<16xf32>,
      %swap3A_1435 = vector.shape_cast %swap3A_1434 : vector<16xf32> to vector<16xf32>
      %swap3A_1436 = vector.shape_cast %add3A_1432 : vector<16xf32> to vector<16xf32>
      tpu.vector_store %arg7[%swap3A_1433], %swap3A_1436 {strides = array<i32>} : memref<2048xf32, #tpu.memory_space<vmem>>, vector<16xf32>,
      %eq3A_1437 = arith.constant 8 : i32
      %eq3A_1438 = vector.broadcast %eq3A_1437 : i32 to vector<16xi32>
      %eq3A_1439 = arith.cmpi eq, %get3A_1323, %eq3A_1438 : vector<16xi32>
      %select_n3A_1440 = arith.select %eq3A_1439, %get3A_1326, %broadcast_in_dim3A_3 : vector<16xi1>, vector<16xf32>
      %eq3A_1441 = arith.constant 8 : i32
      %eq3A_1442 = vector.broadcast %eq3A_1441 : i32 to vector<16xi32>
      %eq3A_1443 = arith.cmpi eq, %get3A_1329, %eq3A_1442 : vector<16xi32>
      %select_n3A_1444 = arith.select %eq3A_1443, %get3A_1332, %broadcast_in_dim3A_3 : vector<16xi1>, vector<16xf32>
      %add3A_1445 = arith.addf %select_n3A_1440, %select_n3A_1444 : vector<16xf32>
      %swap3A_1446 = arith.constant 1120 : index
      %swap3A_1447 = tpu.vector_load %arg7[%swap3A_1446] {strides = array<i32>} : memref<2048xf32, #tpu.memory_space<vmem>>, vector<16xf32>,
      %swap3A_1448 = vector.shape_cast %swap3A_1447 : vector<16xf32> to vector<16xf32>
      %swap3A_1449 = vector.shape_cast %add3A_1445 : vector<16xf32> to vector<16xf32>
      tpu.vector_store %arg7[%swap3A_1446], %swap3A_1449 {strides = array<i32>} : memref<2048xf32, #tpu.memory_space<vmem>>, vector<16xf32>,
      %eq3A_1450 = arith.constant 9 : i32
      %eq3A_1451 = vector.broadcast %eq3A_1450 : i32 to vector<16xi32>
      %eq3A_1452 = arith.cmpi eq, %get3A_1323, %eq3A_1451 : vector<16xi32>
      %select_n3A_1453 = arith.select %eq3A_1452, %get3A_1326, %broadcast_in_dim3A_3 : vector<16xi1>, vector<16xf32>
      %eq3A_1454 = arith.constant 9 : i32
      %eq3A_1455 = vector.broadcast %eq3A_1454 : i32 to vector<16xi32>
      %eq3A_1456 = arith.cmpi eq, %get3A_1329, %eq3A_1455 : vector<16xi32>
      %select_n3A_1457 = arith.select %eq3A_1456, %get3A_1332, %broadcast_in_dim3A_3 : vector<16xi1>, vector<16xf32>
      %add3A_1458 = arith.addf %select_n3A_1453, %select_n3A_1457 : vector<16xf32>
      %swap3A_1459 = arith.constant 1248 : index
      %swap3A_1460 = tpu.vector_load %arg7[%swap3A_1459] {strides = array<i32>} : memref<2048xf32, #tpu.memory_space<vmem>>, vector<16xf32>,
      %swap3A_1461 = vector.shape_cast %swap3A_1460 : vector<16xf32> to vector<16xf32>
      %swap3A_1462 = vector.shape_cast %add3A_1458 : vector<16xf32> to vector<16xf32>
      tpu.vector_store %arg7[%swap3A_1459], %swap3A_1462 {strides = array<i32>} : memref<2048xf32, #tpu.memory_space<vmem>>, vector<16xf32>,
      %eq3A_1463 = arith.constant 10 : i32
      %eq3A_1464 = vector.broadcast %eq3A_1463 : i32 to vector<16xi32>
      %eq3A_1465 = arith.cmpi eq, %get3A_1323, %eq3A_1464 : vector<16xi32>
      %select_n3A_1466 = arith.select %eq3A_1465, %get3A_1326, %broadcast_in_dim3A_3 : vector<16xi1>, vector<16xf32>
      %eq3A_1467 = arith.constant 10 : i32
      %eq3A_1468 = vector.broadcast %eq3A_1467 : i32 to vector<16xi32>
      %eq3A_1469 = arith.cmpi eq, %get3A_1329, %eq3A_1468 : vector<16xi32>
      %select_n3A_1470 = arith.select %eq3A_1469, %get3A_1332, %broadcast_in_dim3A_3 : vector<16xi1>, vector<16xf32>
      %add3A_1471 = arith.addf %select_n3A_1466, %select_n3A_1470 : vector<16xf32>
      %swap3A_1472 = arith.constant 1376 : index
      %swap3A_1473 = tpu.vector_load %arg7[%swap3A_1472] {strides = array<i32>} : memref<2048xf32, #tpu.memory_space<vmem>>, vector<16xf32>,
      %swap3A_1474 = vector.shape_cast %swap3A_1473 : vector<16xf32> to vector<16xf32>
      %swap3A_1475 = vector.shape_cast %add3A_1471 : vector<16xf32> to vector<16xf32>
      tpu.vector_store %arg7[%swap3A_1472], %swap3A_1475 {strides = array<i32>} : memref<2048xf32, #tpu.memory_space<vmem>>, vector<16xf32>,
      %eq3A_1476 = arith.constant 11 : i32
      %eq3A_1477 = vector.broadcast %eq3A_1476 : i32 to vector<16xi32>
      %eq3A_1478 = arith.cmpi eq, %get3A_1323, %eq3A_1477 : vector<16xi32>
      %select_n3A_1479 = arith.select %eq3A_1478, %get3A_1326, %broadcast_in_dim3A_3 : vector<16xi1>, vector<16xf32>
      %eq3A_1480 = arith.constant 11 : i32
      %eq3A_1481 = vector.broadcast %eq3A_1480 : i32 to vector<16xi32>
      %eq3A_1482 = arith.cmpi eq, %get3A_1329, %eq3A_1481 : vector<16xi32>
      %select_n3A_1483 = arith.select %eq3A_1482, %get3A_1332, %broadcast_in_dim3A_3 : vector<16xi1>, vector<16xf32>
      %add3A_1484 = arith.addf %select_n3A_1479, %select_n3A_1483 : vector<16xf32>
      %swap3A_1485 = arith.constant 1504 : index
      %swap3A_1486 = tpu.vector_load %arg7[%swap3A_1485] {strides = array<i32>} : memref<2048xf32, #tpu.memory_space<vmem>>, vector<16xf32>,
      %swap3A_1487 = vector.shape_cast %swap3A_1486 : vector<16xf32> to vector<16xf32>
      %swap3A_1488 = vector.shape_cast %add3A_1484 : vector<16xf32> to vector<16xf32>
      tpu.vector_store %arg7[%swap3A_1485], %swap3A_1488 {strides = array<i32>} : memref<2048xf32, #tpu.memory_space<vmem>>, vector<16xf32>,
      %eq3A_1489 = arith.constant 12 : i32
      %eq3A_1490 = vector.broadcast %eq3A_1489 : i32 to vector<16xi32>
      %eq3A_1491 = arith.cmpi eq, %get3A_1323, %eq3A_1490 : vector<16xi32>
      %select_n3A_1492 = arith.select %eq3A_1491, %get3A_1326, %broadcast_in_dim3A_3 : vector<16xi1>, vector<16xf32>
      %eq3A_1493 = arith.constant 12 : i32
      %eq3A_1494 = vector.broadcast %eq3A_1493 : i32 to vector<16xi32>
      %eq3A_1495 = arith.cmpi eq, %get3A_1329, %eq3A_1494 : vector<16xi32>
      %select_n3A_1496 = arith.select %eq3A_1495, %get3A_1332, %broadcast_in_dim3A_3 : vector<16xi1>, vector<16xf32>
      %add3A_1497 = arith.addf %select_n3A_1492, %select_n3A_1496 : vector<16xf32>
      %swap3A_1498 = arith.constant 1632 : index
      %swap3A_1499 = tpu.vector_load %arg7[%swap3A_1498] {strides = array<i32>} : memref<2048xf32, #tpu.memory_space<vmem>>, vector<16xf32>,
      %swap3A_1500 = vector.shape_cast %swap3A_1499 : vector<16xf32> to vector<16xf32>
      %swap3A_1501 = vector.shape_cast %add3A_1497 : vector<16xf32> to vector<16xf32>
      tpu.vector_store %arg7[%swap3A_1498], %swap3A_1501 {strides = array<i32>} : memref<2048xf32, #tpu.memory_space<vmem>>, vector<16xf32>,
      %eq3A_1502 = arith.constant 13 : i32
      %eq3A_1503 = vector.broadcast %eq3A_1502 : i32 to vector<16xi32>
      %eq3A_1504 = arith.cmpi eq, %get3A_1323, %eq3A_1503 : vector<16xi32>
      %select_n3A_1505 = arith.select %eq3A_1504, %get3A_1326, %broadcast_in_dim3A_3 : vector<16xi1>, vector<16xf32>
      %eq3A_1506 = arith.constant 13 : i32
      %eq3A_1507 = vector.broadcast %eq3A_1506 : i32 to vector<16xi32>
      %eq3A_1508 = arith.cmpi eq, %get3A_1329, %eq3A_1507 : vector<16xi32>
      %select_n3A_1509 = arith.select %eq3A_1508, %get3A_1332, %broadcast_in_dim3A_3 : vector<16xi1>, vector<16xf32>
      %add3A_1510 = arith.addf %select_n3A_1505, %select_n3A_1509 : vector<16xf32>
      %swap3A_1511 = arith.constant 1760 : index
      %swap3A_1512 = tpu.vector_load %arg7[%swap3A_1511] {strides = array<i32>} : memref<2048xf32, #tpu.memory_space<vmem>>, vector<16xf32>,
      %swap3A_1513 = vector.shape_cast %swap3A_1512 : vector<16xf32> to vector<16xf32>
      %swap3A_1514 = vector.shape_cast %add3A_1510 : vector<16xf32> to vector<16xf32>
      tpu.vector_store %arg7[%swap3A_1511], %swap3A_1514 {strides = array<i32>} : memref<2048xf32, #tpu.memory_space<vmem>>, vector<16xf32>,
      %eq3A_1515 = arith.constant 14 : i32
      %eq3A_1516 = vector.broadcast %eq3A_1515 : i32 to vector<16xi32>
      %eq3A_1517 = arith.cmpi eq, %get3A_1323, %eq3A_1516 : vector<16xi32>
      %select_n3A_1518 = arith.select %eq3A_1517, %get3A_1326, %broadcast_in_dim3A_3 : vector<16xi1>, vector<16xf32>
      %eq3A_1519 = arith.constant 14 : i32
      %eq3A_1520 = vector.broadcast %eq3A_1519 : i32 to vector<16xi32>
      %eq3A_1521 = arith.cmpi eq, %get3A_1329, %eq3A_1520 : vector<16xi32>
      %select_n3A_1522 = arith.select %eq3A_1521, %get3A_1332, %broadcast_in_dim3A_3 : vector<16xi1>, vector<16xf32>
      %add3A_1523 = arith.addf %select_n3A_1518, %select_n3A_1522 : vector<16xf32>
      %swap3A_1524 = arith.constant 1888 : index
      %swap3A_1525 = tpu.vector_load %arg7[%swap3A_1524] {strides = array<i32>} : memref<2048xf32, #tpu.memory_space<vmem>>, vector<16xf32>,
      %swap3A_1526 = vector.shape_cast %swap3A_1525 : vector<16xf32> to vector<16xf32>
      %swap3A_1527 = vector.shape_cast %add3A_1523 : vector<16xf32> to vector<16xf32>
      tpu.vector_store %arg7[%swap3A_1524], %swap3A_1527 {strides = array<i32>} : memref<2048xf32, #tpu.memory_space<vmem>>, vector<16xf32>,
      %eq3A_1528 = arith.constant 15 : i32
      %eq3A_1529 = vector.broadcast %eq3A_1528 : i32 to vector<16xi32>
      %eq3A_1530 = arith.cmpi eq, %get3A_1323, %eq3A_1529 : vector<16xi32>
      %select_n3A_1531 = arith.select %eq3A_1530, %get3A_1326, %broadcast_in_dim3A_3 : vector<16xi1>, vector<16xf32>
      %eq3A_1532 = arith.constant 15 : i32
      %eq3A_1533 = vector.broadcast %eq3A_1532 : i32 to vector<16xi32>
      %eq3A_1534 = arith.cmpi eq, %get3A_1329, %eq3A_1533 : vector<16xi32>
      %select_n3A_1535 = arith.select %eq3A_1534, %get3A_1332, %broadcast_in_dim3A_3 : vector<16xi1>, vector<16xf32>
      %add3A_1536 = arith.addf %select_n3A_1531, %select_n3A_1535 : vector<16xf32>
      %swap3A_1537 = arith.constant 2016 : index
      %swap3A_1538 = tpu.vector_load %arg7[%swap3A_1537] {strides = array<i32>} : memref<2048xf32, #tpu.memory_space<vmem>>, vector<16xf32>,
      %swap3A_1539 = vector.shape_cast %swap3A_1538 : vector<16xf32> to vector<16xf32>
      %swap3A_1540 = vector.shape_cast %add3A_1536 : vector<16xf32> to vector<16xf32>
      tpu.vector_store %arg7[%swap3A_1537], %swap3A_1540 {strides = array<i32>} : memref<2048xf32, #tpu.memory_space<vmem>>, vector<16xf32>,
      %get3A_1541 = arith.constant 112 : index
      %get3A_1542 = tpu.vector_load %arg5[%get3A_1541] {strides = array<i32>} : memref<256xi32, #tpu.memory_space<vmem>>, vector<16xi32>,
      %get3A_1543 = vector.shape_cast %get3A_1542 : vector<16xi32> to vector<16xi32>
      %get3A_1544 = arith.constant 112 : index
      %get3A_1545 = tpu.vector_load %arg6[%get3A_1544] {strides = array<i32>} : memref<256xf32, #tpu.memory_space<vmem>>, vector<16xf32>,
      %get3A_1546 = vector.shape_cast %get3A_1545 : vector<16xf32> to vector<16xf32>
      %get3A_1547 = arith.constant 240 : index
      %get3A_1548 = tpu.vector_load %arg5[%get3A_1547] {strides = array<i32>} : memref<256xi32, #tpu.memory_space<vmem>>, vector<16xi32>,
      %get3A_1549 = vector.shape_cast %get3A_1548 : vector<16xi32> to vector<16xi32>
      %get3A_1550 = arith.constant 240 : index
      %get3A_1551 = tpu.vector_load %arg6[%get3A_1550] {strides = array<i32>} : memref<256xf32, #tpu.memory_space<vmem>>, vector<16xf32>,
      %get3A_1552 = vector.shape_cast %get3A_1551 : vector<16xf32> to vector<16xf32>
      %eq3A_1553 = arith.constant 0 : i32
      %eq3A_1554 = vector.broadcast %eq3A_1553 : i32 to vector<16xi32>
      %eq3A_1555 = arith.cmpi eq, %get3A_1543, %eq3A_1554 : vector<16xi32>
      %select_n3A_1556 = arith.select %eq3A_1555, %get3A_1546, %broadcast_in_dim3A_3 : vector<16xi1>, vector<16xf32>
      %eq3A_1557 = arith.constant 0 : i32
      %eq3A_1558 = vector.broadcast %eq3A_1557 : i32 to vector<16xi32>
      %eq3A_1559 = arith.cmpi eq, %get3A_1549, %eq3A_1558 : vector<16xi32>
      %select_n3A_1560 = arith.select %eq3A_1559, %get3A_1552, %broadcast_in_dim3A_3 : vector<16xi1>, vector<16xf32>
      %add3A_1561 = arith.addf %select_n3A_1556, %select_n3A_1560 : vector<16xf32>
      %swap3A_1562 = arith.constant 112 : index
      %swap3A_1563 = tpu.vector_load %arg7[%swap3A_1562] {strides = array<i32>} : memref<2048xf32, #tpu.memory_space<vmem>>, vector<16xf32>,
      %swap3A_1564 = vector.shape_cast %swap3A_1563 : vector<16xf32> to vector<16xf32>
      %swap3A_1565 = vector.shape_cast %add3A_1561 : vector<16xf32> to vector<16xf32>
      tpu.vector_store %arg7[%swap3A_1562], %swap3A_1565 {strides = array<i32>} : memref<2048xf32, #tpu.memory_space<vmem>>, vector<16xf32>,
      %eq3A_1566 = arith.constant 1 : i32
      %eq3A_1567 = vector.broadcast %eq3A_1566 : i32 to vector<16xi32>
      %eq3A_1568 = arith.cmpi eq, %get3A_1543, %eq3A_1567 : vector<16xi32>
      %select_n3A_1569 = arith.select %eq3A_1568, %get3A_1546, %broadcast_in_dim3A_3 : vector<16xi1>, vector<16xf32>
      %eq3A_1570 = arith.constant 1 : i32
      %eq3A_1571 = vector.broadcast %eq3A_1570 : i32 to vector<16xi32>
      %eq3A_1572 = arith.cmpi eq, %get3A_1549, %eq3A_1571 : vector<16xi32>
      %select_n3A_1573 = arith.select %eq3A_1572, %get3A_1552, %broadcast_in_dim3A_3 : vector<16xi1>, vector<16xf32>
      %add3A_1574 = arith.addf %select_n3A_1569, %select_n3A_1573 : vector<16xf32>
      %swap3A_1575 = arith.constant 240 : index
      %swap3A_1576 = tpu.vector_load %arg7[%swap3A_1575] {strides = array<i32>} : memref<2048xf32, #tpu.memory_space<vmem>>, vector<16xf32>,
      %swap3A_1577 = vector.shape_cast %swap3A_1576 : vector<16xf32> to vector<16xf32>
      %swap3A_1578 = vector.shape_cast %add3A_1574 : vector<16xf32> to vector<16xf32>
      tpu.vector_store %arg7[%swap3A_1575], %swap3A_1578 {strides = array<i32>} : memref<2048xf32, #tpu.memory_space<vmem>>, vector<16xf32>,
      %eq3A_1579 = arith.constant 2 : i32
      %eq3A_1580 = vector.broadcast %eq3A_1579 : i32 to vector<16xi32>
      %eq3A_1581 = arith.cmpi eq, %get3A_1543, %eq3A_1580 : vector<16xi32>
      %select_n3A_1582 = arith.select %eq3A_1581, %get3A_1546, %broadcast_in_dim3A_3 : vector<16xi1>, vector<16xf32>
      %eq3A_1583 = arith.constant 2 : i32
      %eq3A_1584 = vector.broadcast %eq3A_1583 : i32 to vector<16xi32>
      %eq3A_1585 = arith.cmpi eq, %get3A_1549, %eq3A_1584 : vector<16xi32>
      %select_n3A_1586 = arith.select %eq3A_1585, %get3A_1552, %broadcast_in_dim3A_3 : vector<16xi1>, vector<16xf32>
      %add3A_1587 = arith.addf %select_n3A_1582, %select_n3A_1586 : vector<16xf32>
      %swap3A_1588 = arith.constant 368 : index
      %swap3A_1589 = tpu.vector_load %arg7[%swap3A_1588] {strides = array<i32>} : memref<2048xf32, #tpu.memory_space<vmem>>, vector<16xf32>,
      %swap3A_1590 = vector.shape_cast %swap3A_1589 : vector<16xf32> to vector<16xf32>
      %swap3A_1591 = vector.shape_cast %add3A_1587 : vector<16xf32> to vector<16xf32>
      tpu.vector_store %arg7[%swap3A_1588], %swap3A_1591 {strides = array<i32>} : memref<2048xf32, #tpu.memory_space<vmem>>, vector<16xf32>,
      %eq3A_1592 = arith.constant 3 : i32
      %eq3A_1593 = vector.broadcast %eq3A_1592 : i32 to vector<16xi32>
      %eq3A_1594 = arith.cmpi eq, %get3A_1543, %eq3A_1593 : vector<16xi32>
      %select_n3A_1595 = arith.select %eq3A_1594, %get3A_1546, %broadcast_in_dim3A_3 : vector<16xi1>, vector<16xf32>
      %eq3A_1596 = arith.constant 3 : i32
      %eq3A_1597 = vector.broadcast %eq3A_1596 : i32 to vector<16xi32>
      %eq3A_1598 = arith.cmpi eq, %get3A_1549, %eq3A_1597 : vector<16xi32>
      %select_n3A_1599 = arith.select %eq3A_1598, %get3A_1552, %broadcast_in_dim3A_3 : vector<16xi1>, vector<16xf32>
      %add3A_1600 = arith.addf %select_n3A_1595, %select_n3A_1599 : vector<16xf32>
      %swap3A_1601 = arith.constant 496 : index
      %swap3A_1602 = tpu.vector_load %arg7[%swap3A_1601] {strides = array<i32>} : memref<2048xf32, #tpu.memory_space<vmem>>, vector<16xf32>,
      %swap3A_1603 = vector.shape_cast %swap3A_1602 : vector<16xf32> to vector<16xf32>
      %swap3A_1604 = vector.shape_cast %add3A_1600 : vector<16xf32> to vector<16xf32>
      tpu.vector_store %arg7[%swap3A_1601], %swap3A_1604 {strides = array<i32>} : memref<2048xf32, #tpu.memory_space<vmem>>, vector<16xf32>,
      %eq3A_1605 = arith.constant 4 : i32
      %eq3A_1606 = vector.broadcast %eq3A_1605 : i32 to vector<16xi32>
      %eq3A_1607 = arith.cmpi eq, %get3A_1543, %eq3A_1606 : vector<16xi32>
      %select_n3A_1608 = arith.select %eq3A_1607, %get3A_1546, %broadcast_in_dim3A_3 : vector<16xi1>, vector<16xf32>
      %eq3A_1609 = arith.constant 4 : i32
      %eq3A_1610 = vector.broadcast %eq3A_1609 : i32 to vector<16xi32>
      %eq3A_1611 = arith.cmpi eq, %get3A_1549, %eq3A_1610 : vector<16xi32>
      %select_n3A_1612 = arith.select %eq3A_1611, %get3A_1552, %broadcast_in_dim3A_3 : vector<16xi1>, vector<16xf32>
      %add3A_1613 = arith.addf %select_n3A_1608, %select_n3A_1612 : vector<16xf32>
      %swap3A_1614 = arith.constant 624 : index
      %swap3A_1615 = tpu.vector_load %arg7[%swap3A_1614] {strides = array<i32>} : memref<2048xf32, #tpu.memory_space<vmem>>, vector<16xf32>,
      %swap3A_1616 = vector.shape_cast %swap3A_1615 : vector<16xf32> to vector<16xf32>
      %swap3A_1617 = vector.shape_cast %add3A_1613 : vector<16xf32> to vector<16xf32>
      tpu.vector_store %arg7[%swap3A_1614], %swap3A_1617 {strides = array<i32>} : memref<2048xf32, #tpu.memory_space<vmem>>, vector<16xf32>,
      %eq3A_1618 = arith.constant 5 : i32
      %eq3A_1619 = vector.broadcast %eq3A_1618 : i32 to vector<16xi32>
      %eq3A_1620 = arith.cmpi eq, %get3A_1543, %eq3A_1619 : vector<16xi32>
      %select_n3A_1621 = arith.select %eq3A_1620, %get3A_1546, %broadcast_in_dim3A_3 : vector<16xi1>, vector<16xf32>
      %eq3A_1622 = arith.constant 5 : i32
      %eq3A_1623 = vector.broadcast %eq3A_1622 : i32 to vector<16xi32>
      %eq3A_1624 = arith.cmpi eq, %get3A_1549, %eq3A_1623 : vector<16xi32>
      %select_n3A_1625 = arith.select %eq3A_1624, %get3A_1552, %broadcast_in_dim3A_3 : vector<16xi1>, vector<16xf32>
      %add3A_1626 = arith.addf %select_n3A_1621, %select_n3A_1625 : vector<16xf32>
      %swap3A_1627 = arith.constant 752 : index
      %swap3A_1628 = tpu.vector_load %arg7[%swap3A_1627] {strides = array<i32>} : memref<2048xf32, #tpu.memory_space<vmem>>, vector<16xf32>,
      %swap3A_1629 = vector.shape_cast %swap3A_1628 : vector<16xf32> to vector<16xf32>
      %swap3A_1630 = vector.shape_cast %add3A_1626 : vector<16xf32> to vector<16xf32>
      tpu.vector_store %arg7[%swap3A_1627], %swap3A_1630 {strides = array<i32>} : memref<2048xf32, #tpu.memory_space<vmem>>, vector<16xf32>,
      %eq3A_1631 = arith.constant 6 : i32
      %eq3A_1632 = vector.broadcast %eq3A_1631 : i32 to vector<16xi32>
      %eq3A_1633 = arith.cmpi eq, %get3A_1543, %eq3A_1632 : vector<16xi32>
      %select_n3A_1634 = arith.select %eq3A_1633, %get3A_1546, %broadcast_in_dim3A_3 : vector<16xi1>, vector<16xf32>
      %eq3A_1635 = arith.constant 6 : i32
      %eq3A_1636 = vector.broadcast %eq3A_1635 : i32 to vector<16xi32>
      %eq3A_1637 = arith.cmpi eq, %get3A_1549, %eq3A_1636 : vector<16xi32>
      %select_n3A_1638 = arith.select %eq3A_1637, %get3A_1552, %broadcast_in_dim3A_3 : vector<16xi1>, vector<16xf32>
      %add3A_1639 = arith.addf %select_n3A_1634, %select_n3A_1638 : vector<16xf32>
      %swap3A_1640 = arith.constant 880 : index
      %swap3A_1641 = tpu.vector_load %arg7[%swap3A_1640] {strides = array<i32>} : memref<2048xf32, #tpu.memory_space<vmem>>, vector<16xf32>,
      %swap3A_1642 = vector.shape_cast %swap3A_1641 : vector<16xf32> to vector<16xf32>
      %swap3A_1643 = vector.shape_cast %add3A_1639 : vector<16xf32> to vector<16xf32>
      tpu.vector_store %arg7[%swap3A_1640], %swap3A_1643 {strides = array<i32>} : memref<2048xf32, #tpu.memory_space<vmem>>, vector<16xf32>,
      %eq3A_1644 = arith.constant 7 : i32
      %eq3A_1645 = vector.broadcast %eq3A_1644 : i32 to vector<16xi32>
      %eq3A_1646 = arith.cmpi eq, %get3A_1543, %eq3A_1645 : vector<16xi32>
      %select_n3A_1647 = arith.select %eq3A_1646, %get3A_1546, %broadcast_in_dim3A_3 : vector<16xi1>, vector<16xf32>
      %eq3A_1648 = arith.constant 7 : i32
      %eq3A_1649 = vector.broadcast %eq3A_1648 : i32 to vector<16xi32>
      %eq3A_1650 = arith.cmpi eq, %get3A_1549, %eq3A_1649 : vector<16xi32>
      %select_n3A_1651 = arith.select %eq3A_1650, %get3A_1552, %broadcast_in_dim3A_3 : vector<16xi1>, vector<16xf32>
      %add3A_1652 = arith.addf %select_n3A_1647, %select_n3A_1651 : vector<16xf32>
      %swap3A_1653 = arith.constant 1008 : index
      %swap3A_1654 = tpu.vector_load %arg7[%swap3A_1653] {strides = array<i32>} : memref<2048xf32, #tpu.memory_space<vmem>>, vector<16xf32>,
      %swap3A_1655 = vector.shape_cast %swap3A_1654 : vector<16xf32> to vector<16xf32>
      %swap3A_1656 = vector.shape_cast %add3A_1652 : vector<16xf32> to vector<16xf32>
      tpu.vector_store %arg7[%swap3A_1653], %swap3A_1656 {strides = array<i32>} : memref<2048xf32, #tpu.memory_space<vmem>>, vector<16xf32>,
      %eq3A_1657 = arith.constant 8 : i32
      %eq3A_1658 = vector.broadcast %eq3A_1657 : i32 to vector<16xi32>
      %eq3A_1659 = arith.cmpi eq, %get3A_1543, %eq3A_1658 : vector<16xi32>
      %select_n3A_1660 = arith.select %eq3A_1659, %get3A_1546, %broadcast_in_dim3A_3 : vector<16xi1>, vector<16xf32>
      %eq3A_1661 = arith.constant 8 : i32
      %eq3A_1662 = vector.broadcast %eq3A_1661 : i32 to vector<16xi32>
      %eq3A_1663 = arith.cmpi eq, %get3A_1549, %eq3A_1662 : vector<16xi32>
      %select_n3A_1664 = arith.select %eq3A_1663, %get3A_1552, %broadcast_in_dim3A_3 : vector<16xi1>, vector<16xf32>
      %add3A_1665 = arith.addf %select_n3A_1660, %select_n3A_1664 : vector<16xf32>
      %swap3A_1666 = arith.constant 1136 : index
      %swap3A_1667 = tpu.vector_load %arg7[%swap3A_1666] {strides = array<i32>} : memref<2048xf32, #tpu.memory_space<vmem>>, vector<16xf32>,
      %swap3A_1668 = vector.shape_cast %swap3A_1667 : vector<16xf32> to vector<16xf32>
      %swap3A_1669 = vector.shape_cast %add3A_1665 : vector<16xf32> to vector<16xf32>
      tpu.vector_store %arg7[%swap3A_1666], %swap3A_1669 {strides = array<i32>} : memref<2048xf32, #tpu.memory_space<vmem>>, vector<16xf32>,
      %eq3A_1670 = arith.constant 9 : i32
      %eq3A_1671 = vector.broadcast %eq3A_1670 : i32 to vector<16xi32>
      %eq3A_1672 = arith.cmpi eq, %get3A_1543, %eq3A_1671 : vector<16xi32>
      %select_n3A_1673 = arith.select %eq3A_1672, %get3A_1546, %broadcast_in_dim3A_3 : vector<16xi1>, vector<16xf32>
      %eq3A_1674 = arith.constant 9 : i32
      %eq3A_1675 = vector.broadcast %eq3A_1674 : i32 to vector<16xi32>
      %eq3A_1676 = arith.cmpi eq, %get3A_1549, %eq3A_1675 : vector<16xi32>
      %select_n3A_1677 = arith.select %eq3A_1676, %get3A_1552, %broadcast_in_dim3A_3 : vector<16xi1>, vector<16xf32>
      %add3A_1678 = arith.addf %select_n3A_1673, %select_n3A_1677 : vector<16xf32>
      %swap3A_1679 = arith.constant 1264 : index
      %swap3A_1680 = tpu.vector_load %arg7[%swap3A_1679] {strides = array<i32>} : memref<2048xf32, #tpu.memory_space<vmem>>, vector<16xf32>,
      %swap3A_1681 = vector.shape_cast %swap3A_1680 : vector<16xf32> to vector<16xf32>
      %swap3A_1682 = vector.shape_cast %add3A_1678 : vector<16xf32> to vector<16xf32>
      tpu.vector_store %arg7[%swap3A_1679], %swap3A_1682 {strides = array<i32>} : memref<2048xf32, #tpu.memory_space<vmem>>, vector<16xf32>,
      %eq3A_1683 = arith.constant 10 : i32
      %eq3A_1684 = vector.broadcast %eq3A_1683 : i32 to vector<16xi32>
      %eq3A_1685 = arith.cmpi eq, %get3A_1543, %eq3A_1684 : vector<16xi32>
      %select_n3A_1686 = arith.select %eq3A_1685, %get3A_1546, %broadcast_in_dim3A_3 : vector<16xi1>, vector<16xf32>
      %eq3A_1687 = arith.constant 10 : i32
      %eq3A_1688 = vector.broadcast %eq3A_1687 : i32 to vector<16xi32>
      %eq3A_1689 = arith.cmpi eq, %get3A_1549, %eq3A_1688 : vector<16xi32>
      %select_n3A_1690 = arith.select %eq3A_1689, %get3A_1552, %broadcast_in_dim3A_3 : vector<16xi1>, vector<16xf32>
      %add3A_1691 = arith.addf %select_n3A_1686, %select_n3A_1690 : vector<16xf32>
      %swap3A_1692 = arith.constant 1392 : index
      %swap3A_1693 = tpu.vector_load %arg7[%swap3A_1692] {strides = array<i32>} : memref<2048xf32, #tpu.memory_space<vmem>>, vector<16xf32>,
      %swap3A_1694 = vector.shape_cast %swap3A_1693 : vector<16xf32> to vector<16xf32>
      %swap3A_1695 = vector.shape_cast %add3A_1691 : vector<16xf32> to vector<16xf32>
      tpu.vector_store %arg7[%swap3A_1692], %swap3A_1695 {strides = array<i32>} : memref<2048xf32, #tpu.memory_space<vmem>>, vector<16xf32>,
      %eq3A_1696 = arith.constant 11 : i32
      %eq3A_1697 = vector.broadcast %eq3A_1696 : i32 to vector<16xi32>
      %eq3A_1698 = arith.cmpi eq, %get3A_1543, %eq3A_1697 : vector<16xi32>
      %select_n3A_1699 = arith.select %eq3A_1698, %get3A_1546, %broadcast_in_dim3A_3 : vector<16xi1>, vector<16xf32>
      %eq3A_1700 = arith.constant 11 : i32
      %eq3A_1701 = vector.broadcast %eq3A_1700 : i32 to vector<16xi32>
      %eq3A_1702 = arith.cmpi eq, %get3A_1549, %eq3A_1701 : vector<16xi32>
      %select_n3A_1703 = arith.select %eq3A_1702, %get3A_1552, %broadcast_in_dim3A_3 : vector<16xi1>, vector<16xf32>
      %add3A_1704 = arith.addf %select_n3A_1699, %select_n3A_1703 : vector<16xf32>
      %swap3A_1705 = arith.constant 1520 : index
      %swap3A_1706 = tpu.vector_load %arg7[%swap3A_1705] {strides = array<i32>} : memref<2048xf32, #tpu.memory_space<vmem>>, vector<16xf32>,
      %swap3A_1707 = vector.shape_cast %swap3A_1706 : vector<16xf32> to vector<16xf32>
      %swap3A_1708 = vector.shape_cast %add3A_1704 : vector<16xf32> to vector<16xf32>
      tpu.vector_store %arg7[%swap3A_1705], %swap3A_1708 {strides = array<i32>} : memref<2048xf32, #tpu.memory_space<vmem>>, vector<16xf32>,
      %eq3A_1709 = arith.constant 12 : i32
      %eq3A_1710 = vector.broadcast %eq3A_1709 : i32 to vector<16xi32>
      %eq3A_1711 = arith.cmpi eq, %get3A_1543, %eq3A_1710 : vector<16xi32>
      %select_n3A_1712 = arith.select %eq3A_1711, %get3A_1546, %broadcast_in_dim3A_3 : vector<16xi1>, vector<16xf32>
      %eq3A_1713 = arith.constant 12 : i32
      %eq3A_1714 = vector.broadcast %eq3A_1713 : i32 to vector<16xi32>
      %eq3A_1715 = arith.cmpi eq, %get3A_1549, %eq3A_1714 : vector<16xi32>
      %select_n3A_1716 = arith.select %eq3A_1715, %get3A_1552, %broadcast_in_dim3A_3 : vector<16xi1>, vector<16xf32>
      %add3A_1717 = arith.addf %select_n3A_1712, %select_n3A_1716 : vector<16xf32>
      %swap3A_1718 = arith.constant 1648 : index
      %swap3A_1719 = tpu.vector_load %arg7[%swap3A_1718] {strides = array<i32>} : memref<2048xf32, #tpu.memory_space<vmem>>, vector<16xf32>,
      %swap3A_1720 = vector.shape_cast %swap3A_1719 : vector<16xf32> to vector<16xf32>
      %swap3A_1721 = vector.shape_cast %add3A_1717 : vector<16xf32> to vector<16xf32>
      tpu.vector_store %arg7[%swap3A_1718], %swap3A_1721 {strides = array<i32>} : memref<2048xf32, #tpu.memory_space<vmem>>, vector<16xf32>,
      %eq3A_1722 = arith.constant 13 : i32
      %eq3A_1723 = vector.broadcast %eq3A_1722 : i32 to vector<16xi32>
      %eq3A_1724 = arith.cmpi eq, %get3A_1543, %eq3A_1723 : vector<16xi32>
      %select_n3A_1725 = arith.select %eq3A_1724, %get3A_1546, %broadcast_in_dim3A_3 : vector<16xi1>, vector<16xf32>
      %eq3A_1726 = arith.constant 13 : i32
      %eq3A_1727 = vector.broadcast %eq3A_1726 : i32 to vector<16xi32>
      %eq3A_1728 = arith.cmpi eq, %get3A_1549, %eq3A_1727 : vector<16xi32>
      %select_n3A_1729 = arith.select %eq3A_1728, %get3A_1552, %broadcast_in_dim3A_3 : vector<16xi1>, vector<16xf32>
      %add3A_1730 = arith.addf %select_n3A_1725, %select_n3A_1729 : vector<16xf32>
      %swap3A_1731 = arith.constant 1776 : index
      %swap3A_1732 = tpu.vector_load %arg7[%swap3A_1731] {strides = array<i32>} : memref<2048xf32, #tpu.memory_space<vmem>>, vector<16xf32>,
      %swap3A_1733 = vector.shape_cast %swap3A_1732 : vector<16xf32> to vector<16xf32>
      %swap3A_1734 = vector.shape_cast %add3A_1730 : vector<16xf32> to vector<16xf32>
      tpu.vector_store %arg7[%swap3A_1731], %swap3A_1734 {strides = array<i32>} : memref<2048xf32, #tpu.memory_space<vmem>>, vector<16xf32>,
      %eq3A_1735 = arith.constant 14 : i32
      %eq3A_1736 = vector.broadcast %eq3A_1735 : i32 to vector<16xi32>
      %eq3A_1737 = arith.cmpi eq, %get3A_1543, %eq3A_1736 : vector<16xi32>
      %select_n3A_1738 = arith.select %eq3A_1737, %get3A_1546, %broadcast_in_dim3A_3 : vector<16xi1>, vector<16xf32>
      %eq3A_1739 = arith.constant 14 : i32
      %eq3A_1740 = vector.broadcast %eq3A_1739 : i32 to vector<16xi32>
      %eq3A_1741 = arith.cmpi eq, %get3A_1549, %eq3A_1740 : vector<16xi32>
      %select_n3A_1742 = arith.select %eq3A_1741, %get3A_1552, %broadcast_in_dim3A_3 : vector<16xi1>, vector<16xf32>
      %add3A_1743 = arith.addf %select_n3A_1738, %select_n3A_1742 : vector<16xf32>
      %swap3A_1744 = arith.constant 1904 : index
      %swap3A_1745 = tpu.vector_load %arg7[%swap3A_1744] {strides = array<i32>} : memref<2048xf32, #tpu.memory_space<vmem>>, vector<16xf32>,
      %swap3A_1746 = vector.shape_cast %swap3A_1745 : vector<16xf32> to vector<16xf32>
      %swap3A_1747 = vector.shape_cast %add3A_1743 : vector<16xf32> to vector<16xf32>
      tpu.vector_store %arg7[%swap3A_1744], %swap3A_1747 {strides = array<i32>} : memref<2048xf32, #tpu.memory_space<vmem>>, vector<16xf32>,
      %eq3A_1748 = arith.constant 15 : i32
      %eq3A_1749 = vector.broadcast %eq3A_1748 : i32 to vector<16xi32>
      %eq3A_1750 = arith.cmpi eq, %get3A_1543, %eq3A_1749 : vector<16xi32>
      %select_n3A_1751 = arith.select %eq3A_1750, %get3A_1546, %broadcast_in_dim3A_3 : vector<16xi1>, vector<16xf32>
      %eq3A_1752 = arith.constant 15 : i32
      %eq3A_1753 = vector.broadcast %eq3A_1752 : i32 to vector<16xi32>
      %eq3A_1754 = arith.cmpi eq, %get3A_1549, %eq3A_1753 : vector<16xi32>
      %select_n3A_1755 = arith.select %eq3A_1754, %get3A_1552, %broadcast_in_dim3A_3 : vector<16xi1>, vector<16xf32>
      %add3A_1756 = arith.addf %select_n3A_1751, %select_n3A_1755 : vector<16xf32>
      %swap3A_1757 = arith.constant 2032 : index
      %swap3A_1758 = tpu.vector_load %arg7[%swap3A_1757] {strides = array<i32>} : memref<2048xf32, #tpu.memory_space<vmem>>, vector<16xf32>,
      %swap3A_1759 = vector.shape_cast %swap3A_1758 : vector<16xf32> to vector<16xf32>
      %swap3A_1760 = vector.shape_cast %add3A_1756 : vector<16xf32> to vector<16xf32>
      tpu.vector_store %arg7[%swap3A_1757], %swap3A_1760 {strides = array<i32>} : memref<2048xf32, #tpu.memory_space<vmem>>, vector<16xf32>,
      "tpu.region"() ({
        %run_scoped3A = tpu.sem_alloc : memref<!tpu.dma_semaphore, #tpu.memory_space<semaphore_mem>>
        tpu.enqueue_dma source(%arg7 : memref<2048xf32, #tpu.memory_space<vmem>>) target(%arg4 : memref<2048xf32, #tpu.memory_space<hbm>>) target_semaphore(%run_scoped3A : memref<!tpu.dma_semaphore, #tpu.memory_space<semaphore_mem>>)
        tpu.wait_dma2 semaphore(%run_scoped3A : memref<!tpu.dma_semaphore, #tpu.memory_space<semaphore_mem>>) src(%arg7 : memref<2048xf32, #tpu.memory_space<vmem>>) dst(%arg4 : memref<2048xf32, #tpu.memory_space<hbm>>)
        tpu.yield
      }) : () -> ()
    } else {
    }
    return
  }
}

module attributes {stable_mosaic.version = 14 : i64} {
  func.func @_moe_kernel(%arg0: i32, %arg1: i32, %arg2: memref<128x1024xf32, #tpu.memory_space<vmem>>, %arg3: memref<16x128xf32, #tpu.memory_space<vmem>>, %arg4: memref<1x1024x1024xf32, #tpu.memory_space<vmem>>, %arg5: memref<1x1024x1024xf32, #tpu.memory_space<vmem>>, %arg6: memref<1x1024x1024xf32, #tpu.memory_space<vmem>>, %arg7: memref<128x1024xf32, #tpu.memory_space<vmem>>, %arg8: memref<128x16xf32, #tpu.memory_space<vmem>>) attributes {dimension_semantics = [#tpu.dimension_semantics<arbitrary>, #tpu.dimension_semantics<arbitrary>], iteration_bounds = array<i64: 16, 2>, scalar_prefetch = 0 : i64, scratch_operands = 1 : i64, tpu.core_type = #tpu.core_type<tc>, window_params = [{pipeline_mode = #tpu.pipeline_mode<synchronous>, transform_indices = @transform_0, window_bounds = array<i64: 128, 1024>}, {pipeline_mode = #tpu.pipeline_mode<synchronous>, transform_indices = @transform_1, window_bounds = array<i64: 16, 128>}, {transform_indices = @transform_2, window_bounds = array<i64: 1, 1024, 1024>}, {transform_indices = @transform_3, window_bounds = array<i64: 1, 1024, 1024>}, {transform_indices = @transform_4, window_bounds = array<i64: 1, 1024, 1024>}, {pipeline_mode = #tpu.pipeline_mode<synchronous>, transform_indices = @transform_5, window_bounds = array<i64: 128, 1024>}]} {
    %eq3A = arith.constant 0 : i32
    %eq3A_0 = arith.cmpi eq, %arg0, %eq3A : i32
    %eq3A_1 = arith.constant 0 : i32
    %eq3A_2 = arith.cmpi eq, %arg1, %eq3A_1 : i32
    %and3A = arith.andi %eq3A_0, %eq3A_2 : i1
    %convert_element_type3A = arith.extui %and3A : i1 to i32
    %cond3A = arith.constant 0 : i32
    %cond3A_3 = arith.cmpi ne, %convert_element_type3A, %cond3A : i32
    scf.if %cond3A_3 {
      %get3A_48 = arith.constant 0 : index
      %get3A_49 = arith.constant 0 : index
      %get3A_50 = vector.load %arg3[%get3A_48, %get3A_49] : memref<16x128xf32, #tpu.memory_space<vmem>>, vector<16x128xf32>
      %transpose3A = tpu.transpose %get3A_50, [1, 0] : vector<16x128xf32> -> vector<128x16xf32>
      %swap3A = arith.constant 0 : index
      %swap3A_51 = arith.constant 0 : index
      %swap3A_52 = vector.load %arg8[%swap3A, %swap3A_51] : memref<128x16xf32, #tpu.memory_space<vmem>>, vector<128x16xf32>
      tpu.vector_store %arg8[%swap3A, %swap3A_51], %transpose3A {strides = array<i32>} : memref<128x16xf32, #tpu.memory_space<vmem>>, vector<128x16xf32>,
    } else {
    }
    %get3A = arith.constant 0 : index
    %get3A_4 = arith.constant 0 : index
    %get3A_5 = vector.load %arg2[%get3A, %get3A_4] : memref<128x1024xf32, #tpu.memory_space<vmem>>, vector<128x1024xf32>
    %get3A_6 = arith.constant 0 : index
    %get3A_7 = arith.constant 0 : index
    %get3A_8 = arith.constant 0 : index
    %get3A_9 = vector.load %arg4[%get3A_6, %get3A_7, %get3A_8] : memref<1x1024x1024xf32, #tpu.memory_space<vmem>>, vector<1x1024x1024xf32>
    %get3A_10 = vector.shape_cast %get3A_9 : vector<1x1024x1024xf32> to vector<1024x1024xf32>
    %get3A_11 = arith.constant 0 : index
    %get3A_12 = arith.constant 0 : index
    %get3A_13 = arith.constant 0 : index
    %get3A_14 = vector.load %arg5[%get3A_11, %get3A_12, %get3A_13] : memref<1x1024x1024xf32, #tpu.memory_space<vmem>>, vector<1x1024x1024xf32>
    %get3A_15 = vector.shape_cast %get3A_14 : vector<1x1024x1024xf32> to vector<1024x1024xf32>
    %get3A_16 = arith.constant 0 : index
    %get3A_17 = arith.constant 0 : index
    %get3A_18 = arith.constant 0 : index
    %get3A_19 = vector.load %arg6[%get3A_16, %get3A_17, %get3A_18] : memref<1x1024x1024xf32, #tpu.memory_space<vmem>>, vector<1x1024x1024xf32>
    %get3A_20 = vector.shape_cast %get3A_19 : vector<1x1024x1024xf32> to vector<1024x1024xf32>
    %dot_general3A = arith.constant dense<0.000000e+00> : vector<128x1024xf32>
    %dot_general3A_21 = tpu.matmul %get3A_5, %get3A_10, %dot_general3A {dimension_numbers = #tpu.dot_dimension_numbers<[1], [1], [0], [0], [0, 0, 1, 0], [], []>, transpose_lhs_hint = false} : vector<128x1024xf32>, vector<1024x1024xf32>, vector<128x1024xf32> -> vector<128x1024xf32>
    %dot_general3A_22 = arith.constant dense<0.000000e+00> : vector<128x1024xf32>
    %dot_general3A_23 = tpu.matmul %get3A_5, %get3A_15, %dot_general3A_22 {dimension_numbers = #tpu.dot_dimension_numbers<[1], [1], [0], [0], [0, 0, 1, 0], [], []>, transpose_lhs_hint = false} : vector<128x1024xf32>, vector<1024x1024xf32>, vector<128x1024xf32> -> vector<128x1024xf32>
    %logistic3A = arith.negf %dot_general3A_21 : vector<128x1024xf32>
    %logistic3A_24 = math.exp %logistic3A : vector<128x1024xf32>
    %logistic3A_25 = arith.constant 1.000000e+00 : f32
    %logistic3A_26 = vector.broadcast %logistic3A_25 : f32 to vector<128x1024xf32>
    %logistic3A_27 = arith.addf %logistic3A_26, %logistic3A_24 : vector<128x1024xf32>
    %logistic3A_28 = arith.divf %logistic3A_26, %logistic3A_27 : vector<128x1024xf32>
    %mul3A = arith.mulf %dot_general3A_21, %logistic3A_28 : vector<128x1024xf32>
    %mul3A_29 = arith.mulf %mul3A, %dot_general3A_23 : vector<128x1024xf32>
    %dot_general3A_30 = arith.constant dense<0.000000e+00> : vector<128x1024xf32>
    %dot_general3A_31 = tpu.matmul %mul3A_29, %get3A_20, %dot_general3A_30 {dimension_numbers = #tpu.dot_dimension_numbers<[1], [1], [0], [0], [0, 0, 1, 0], [], []>, transpose_lhs_hint = false} : vector<128x1024xf32>, vector<1024x1024xf32>, vector<128x1024xf32> -> vector<128x1024xf32>
    %iota3A = tpu.iota {dimensions = array<i32: 1>} : vector<128x16xi32>
    %eq3A_32 = vector.broadcast %arg0 : i32 to vector<128x16xi32>
    %eq3A_33 = arith.cmpi eq, %iota3A, %eq3A_32 : vector<128x16xi32>
    %get3A_34 = arith.constant 0 : index
    %get3A_35 = arith.constant 0 : index
    %get3A_36 = vector.load %arg8[%get3A_34, %get3A_35] : memref<128x16xf32, #tpu.memory_space<vmem>>, vector<128x16xf32>
    %jit3A = arith.constant 0.000000e+00 : f32
    %broadcast_in_dim3A = vector.broadcast %jit3A : f32 to vector<128x16xf32>
    %select_n3A = arith.select %eq3A_33, %get3A_36, %broadcast_in_dim3A : vector<128x16xi1>, vector<128x16xf32>
    %reduce_sum3A = arith.constant dense<0.000000e+00> : vector<128xf32>
    %reduce_sum3A_37 = vector.multi_reduction <add>, %select_n3A, %reduce_sum3A [1] : vector<128x16xf32> to vector<128xf32>
    %broadcast_in_dim3A_38 = vector.shape_cast %reduce_sum3A_37 : vector<128xf32> to vector<128x1xf32>
    %mul3A_39 = vector.broadcast %broadcast_in_dim3A_38 : vector<128x1xf32> to vector<128x1024xf32>
    %mul3A_40 = arith.mulf %dot_general3A_31, %mul3A_39 : vector<128x1024xf32>
    %convert_element_type3A_41 = arith.extui %and3A : i1 to i32
    %cond3A_42 = arith.constant 0 : i32
    %cond3A_43 = arith.cmpi ne, %convert_element_type3A_41, %cond3A_42 : i32
    scf.if %cond3A_43 {
      %swap3A = arith.constant 0 : index
      %swap3A_48 = arith.constant 0 : index
      %swap3A_49 = vector.load %arg7[%swap3A, %swap3A_48] : memref<128x1024xf32, #tpu.memory_space<vmem>>, vector<128x1024xf32>
      tpu.vector_store %arg7[%swap3A, %swap3A_48], %mul3A_40 {strides = array<i32>} : memref<128x1024xf32, #tpu.memory_space<vmem>>, vector<128x1024xf32>,
    } else {
    }
    %not3A = arith.constant true
    %not3A_44 = arith.xori %and3A, %not3A : i1
    %convert_element_type3A_45 = arith.extui %not3A_44 : i1 to i32
    %cond3A_46 = arith.constant 0 : i32
    %cond3A_47 = arith.cmpi ne, %convert_element_type3A_45, %cond3A_46 : i32
    scf.if %cond3A_47 {
      %get3A_48 = arith.constant 0 : index
      %get3A_49 = arith.constant 0 : index
      %get3A_50 = vector.load %arg7[%get3A_48, %get3A_49] : memref<128x1024xf32, #tpu.memory_space<vmem>>, vector<128x1024xf32>
      %add3A = arith.addf %get3A_50, %mul3A_40 : vector<128x1024xf32>
      %swap3A = arith.constant 0 : index
      %swap3A_51 = arith.constant 0 : index
      %swap3A_52 = vector.load %arg7[%swap3A, %swap3A_51] : memref<128x1024xf32, #tpu.memory_space<vmem>>, vector<128x1024xf32>
      tpu.vector_store %arg7[%swap3A, %swap3A_51], %add3A {strides = array<i32>} : memref<128x1024xf32, #tpu.memory_space<vmem>>, vector<128x1024xf32>,
    } else {
    }
    return
  }
  func.func @transform_0(%arg0: i32, %arg1: i32) -> (i32, i32) {
    %c0_i32 = arith.constant 0 : i32
    %c0_i32_0 = arith.constant 0 : i32
    %c0_i32_1 = arith.constant 0 : i32
    return %c0_i32, %c0_i32_0 : i32, i32
  }
  func.func @transform_1(%arg0: i32, %arg1: i32) -> (i32, i32) {
    %c0_i32 = arith.constant 0 : i32
    %c0_i32_0 = arith.constant 0 : i32
    %c0_i32_1 = arith.constant 0 : i32
    return %c0_i32, %c0_i32_0 : i32, i32
  }
  func.func @transform_2(%arg0: i32, %arg1: i32) -> (i32, i32, i32) {
    %c0_i32 = arith.constant 0 : i32
    %c0_i32_0 = arith.constant 0 : i32
    return %arg0, %arg1, %c0_i32 : i32, i32, i32
  }
  func.func @transform_3(%arg0: i32, %arg1: i32) -> (i32, i32, i32) {
    %c0_i32 = arith.constant 0 : i32
    %c0_i32_0 = arith.constant 0 : i32
    return %arg0, %arg1, %c0_i32 : i32, i32, i32
  }
  func.func @transform_4(%arg0: i32, %arg1: i32) -> (i32, i32, i32) {
    %c0_i32 = arith.constant 0 : i32
    %c0_i32_0 = arith.constant 0 : i32
    return %arg0, %c0_i32, %arg1 : i32, i32, i32
  }
  func.func @transform_5(%arg0: i32, %arg1: i32) -> (i32, i32) {
    %c0_i32 = arith.constant 0 : i32
    %c0_i32_0 = arith.constant 0 : i32
    %c0_i32_1 = arith.constant 0 : i32
    return %c0_i32, %c0_i32_0 : i32, i32
  }
}

</mosaic_0001>

<sc_bundles>
// kernel: kernel.4.cloned.1.call-start
scs
__scs_entry_jumppad:
0x0: {  	(pc) =	sbr.rel $0x88, $3  }
0x1: {  	(tag) =	ssettag $0x0;
	lr =	simm.s32 $0x1  }
0x2: {  	[smem:$0x3F9B] =	sst lr;
	_ =	strace $0xD0000000  }
0x3: {  	_ = 	snop  }
0x4: {  	_ = 	snop  }
0x5: {  	_ = 	snop  }
0x6: {  	_ = 	snop  }
0x7: {  	_ = 	snop  }
__scs_overlays_trampoline_lowered:
0x8: {  	[smem:$0x3FAA] =	sst s0  }
0x9: {  	[smem:$0x3FAB] =	sst s1  }
0xa: {  	[smem:$0x3FAC] =	sst s2  }
0xb: {  	[smem:$0x3FAD] =	sst s3  }
0xc: {  	[smem:$0x3FAE] =	sst s4  }
0xd: {  	[smem:$0x3FAF] =	sst s5  }
0xe: {  	[smem:$0x3FB0] =	sst s6  }
0xf: {  	[smem:$0x3FB1] =	sst s7  }
0x10: {  	[smem:$0x3FB2] =	sst s8  }
0x11: {  	[smem:$0x3FB3] =	sst s9;
	s0 =	simm.s32 @!p0 $0x0  }
0x12: {  	s1 =	sld [smem:$0x3F99];
	s0 =	simm.s32 @p0 $0x1  }
0x13: {  	[smem:$0x3FB4] =	sst s0;
	s0 =	simm.s32 @!p1 $0x0  }
0x14: {  	s2 =	sld [smem:$0x3F98];
	s0 =	simm.s32 @p1 $0x1  }
0x15: {  	[smem:$0x3FB5] =	sst s0;
	s0 =	simm.s32 @!p2 $0x0  }
0x16: {  	s3 =	sld [smem:$0x3FDB];
	s0 =	simm.s32 @p2 $0x1  }
0x17: {  	s4 =	simm.s32 $0x1BF5;
	[smem:$0x3FB7] =	sst s0  }
0x18: {  	s0 =	sld [smem:$0x3F9A];
	_ =	swait.ge [sflag:s4], $0x0  }
0x19: {  	s7 =	sld [smem:$0x3F9B]  }
0x1a: {  	s8 =	sadd.s32 $0xFFFFE003, lr  }
0x1b: {  	s9 =	sadd.s32 $0xFFFFFEF7, lr;
	s5 =	simm.s32 $0xFFFFFFFF;
	p2 =	slt.u32 s8, $0xFFFFF086  }
0x1c: {  	p1 =	slt.u32 s9, $0xF7A;
	s5 =	simm.s32 @!p2 $0x0  }
0x1d: {  	s5 =	simm.s32 @p1 $0x1;
	p0 =	seq.s32 s7, s2  }
0x1e: {  	s7 =	smul.u32 @!p0 $0xF7A, s2;
	p2 =	seq.s32 @!p0 s5, $0x0  }
0x1f: {  	s9 =	smul.u32 $0xF7A, s1;
	s8 =	simm.s32 @!p0 $0x1BF5;
	p2 =	por !p2, p0  }
0x20: {  	[sflag:s8] =	ssyncset.s32 @!p0 $0xFFFFF086;
	s6 =	sadd.s32 @!p0 s3, s7;
	s7 =	simm.s32 @!p0 $0x108  }
0x21: {  	s3 =	sadd.s32 s3, s9;
	s6 =	sadd.s32 @!p0 $0x88, s6;
	s7 =	simm.s32 @p2 $0x1082  }
0x22: {  	[simem:s7], [sflag:s8] =	dma.local @!p0 [hbm:s6], $0xF7A  }
0x23: {  	s9 =	sor.u32 $0xD0000000, s2;
	s6 =	simm.s32 $0x108;
	_ =	swait.ge @!p0 [sflag:s8], $0x0  }
0x24: {  	s3 =	sadd.s32 $0x88, s3;
	s6 =	simm.s32 @!p1 $0x1082;
	[sflag:s4] =	ssyncset.s32 $0xFFFFF086  }
0x25: {  	[simem:s6], [sflag:s4] =	dma.local [hbm:s3], $0xF7A  }
0x26: {  	[smem:$0x3F9B] =	sst s1;
	(tag) =	ssettag s2;
	_ =	strace s9  }
0x27: {  	s1 =	sld [smem:$0x3FAB]  }
0x28: {  	s2 =	sld [smem:$0x3FAC]  }
0x29: {  	s4 =	sld [smem:$0x3FAE]  }
0x2a: {  	p0 =	seq.s32 s5, $0x0;
	s5 =	sld [smem:$0x3FAF]  }
0x2b: {  	s6 =	sld [smem:$0x3FB0]  }
0x2c: {  	s7 =	sld [smem:$0x3FB1]  }
0x2d: {  	s3 =	simm.s32 $0x108;
	s8 =	sld [smem:$0x3FB2]  }
0x2e: {  	s3 =	simm.s32 @!p0 $0x1082;
	s9 =	sld [smem:$0x3FB3]  }
0x2f: {  	lr =	sadd.s32 s0, s3;
	s0 =	sld [smem:$0x3FAA]  }
0x30: {  	s3 =	sld [smem:$0x3FAD]  }
0x31: {  	[smem:$0x3FB6] =	sst s10  }
0x32: {  	s10 =	sld [smem:$0x3FB4];
	_ =	sdelay $0x3  }
0x33: {  	p0 =	seq.s32 s10, $0x1;
	s10 =	sld [smem:$0x3FB6];
	_ =	sdelay $0x3  }
0x34: {  	[smem:$0x3FB6] =	sst s10  }
0x35: {  	s10 =	sld [smem:$0x3FB5];
	_ =	sdelay $0x3  }
0x36: {  	p1 =	seq.s32 s10, $0x1;
	s10 =	sld [smem:$0x3FB6];
	_ =	sdelay $0x3  }
0x37: {  	[smem:$0x3FB6] =	sst s10  }
0x38: {  	s10 =	sld [smem:$0x3FB7]  }
0x39: {  	_ = 	snop;
	(pc) =	sbr.ind lr, $3  }
0x3a: {  	_ = 	snop  }
0x3b: {  	_ = 	snop  }
0x3c: {  	p2 =	seq.s32 s10, $0x1;
	s10 =	sld [smem:$0x3FB6]  }
0x3d: {  	_ =	shalt  }
0x3e: {  	_ =	shalt  }
0x3f: {  	_ =	shalt  }
0x40: {  	_ =	shalt  }
0x41: {  	_ =	shalt  }
0x42: {  	_ =	shalt  }
0x43: {  	_ =	shalt  }
0x44: {  	_ =	shalt  }
0x45: {  	_ =	shalt  }
0x46: {  	_ =	shalt  }
0x47: {  	_ =	shalt  }
0x48: {  	_ =	shalt  }
0x49: {  	_ =	shalt  }
0x4a: {  	_ =	shalt  }
0x4b: {  	_ =	shalt  }
0x4c: {  	_ =	shalt  }
0x4d: {  	_ =	shalt  }
0x4e: {  	_ =	shalt  }
0x4f: {  	_ =	shalt  }
0x50: {  	_ =	shalt  }
0x51: {  	_ =	shalt  }
0x52: {  	_ =	shalt  }
0x53: {  	_ =	shalt  }
0x54: {  	_ =	shalt  }
0x55: {  	_ =	shalt  }
0x56: {  	_ =	shalt  }
0x57: {  	_ =	shalt  }
0x58: {  	_ =	shalt  }
0x59: {  	_ =	shalt  }
0x5a: {  	_ =	shalt  }
0x5b: {  	_ =	shalt  }
0x5c: {  	_ =	shalt  }
0x5d: {  	_ =	shalt  }
0x5e: {  	_ =	shalt  }
0x5f: {  	_ =	shalt  }
0x60: {  	_ =	shalt  }
0x61: {  	_ =	shalt  }
0x62: {  	_ =	shalt  }
0x63: {  	_ =	shalt  }
0x64: {  	_ =	shalt  }
0x65: {  	_ =	shalt  }
0x66: {  	_ =	shalt  }
0x67: {  	_ =	shalt  }
0x68: {  	_ =	shalt  }
0x69: {  	_ =	shalt  }
0x6a: {  	_ =	shalt  }
0x6b: {  	_ =	shalt  }
0x6c: {  	_ =	shalt  }
0x6d: {  	_ =	shalt  }
0x6e: {  	_ =	shalt  }
0x6f: {  	_ =	shalt  }
0x70: {  	_ =	shalt  }
0x71: {  	_ =	shalt  }
0x72: {  	_ =	shalt  }
0x73: {  	_ =	shalt  }
0x74: {  	_ =	shalt  }
0x75: {  	_ =	shalt  }
0x76: {  	_ =	shalt  }
0x77: {  	_ =	shalt  }
0x78: {  	_ =	shalt  }
0x79: {  	_ =	shalt  }
0x7a: {  	_ =	shalt  }
0x7b: {  	_ =	shalt  }
0x7c: {  	_ =	shalt  }
0x7d: {  	_ =	shalt  }
0x7e: {  	_ =	shalt  }
0x7f: {  	_ =	shalt  }
0x80: {  	_ =	shalt  }
0x81: {  	_ =	shalt  }
0x82: {  	_ =	shalt  }
0x83: {  	_ =	shalt  }
0x84: {  	_ =	shalt  }
0x85: {  	_ =	shalt  }
0x86: {  	_ =	shalt  }
0x87: {  	_ =	shalt  }
.Lfunc_end0:
.L_simem_size_0:
called_computation_lowered:
.L_overlay_start_0:
0x88: {  	s2 =	sld [smem:$0x3FD9]  }
0x89: {  	s3 =	sld [smem:$0x3FFE];
	_ =	sdelay $0x1  }
0x8a: {  	s1 =	srdreg.scid  }
0x8b: {  	s0 =	sand.u32 $0x1, s1  }
0x8c: {  	s18 =	sshll.u32 s0, $0xA;
	s2 =	sadd.s32 s3, s2  }
0x8d: {  	s2 =	sadd.s32 s2, s18  }
0x8e: {  	[smem:$0x3FC2] =	sst s2  }
0x8f: {  	_ = 	snop  }
0x90: {  	s2 =	sld [smem:$0x3FC8]  }
0x91: {  	s19 =	sld [smem:$0x3FC7]  }
0x92: {  	s4 =	sld [smem:$0x3FD0];
	(tm) =	ssettm $0x1  }
0x93: {  	s5 =	sld [smem:$0x3FFB];
	_ =	sdelay $0x3  }
0x94: {  	_ =	strace s5  }
0x95: {  	s5 =	sld [smem:$0x3FFC];
	_ =	sdelay $0x3  }
0x96: {  	_ =	strace s5  }
0x97: {  	s5 =	sld [smem:$0x3FFD];
	_ =	sdelay $0x3  }
0x98: {  	_ =	strace s5  }
0x99: {  	_ =	strace $0x8FFFFFFF  }
0x9a: {  	s20 =	sld [smem:$0x3FDB];
	_ =	sdelay $0x1  }
0x9b: {  	s6 =	simm.s32 $_scs_section_size  }
0x9c: {  	s7 =	simm.s32 $_size__tile_overlayer_lowered;
	s8 =	simm.s32 $_tile_overlayer_lowered  }
0x9d: {  	s23 =	simm.s32 $0x1BFF;
	s22 =	sshll.u32 s8, $0x1;
	s5 =	sadd.s32 s6, s20  }
0x9e: {  	s9 =	simm.s32 $0x0;
	s21 =	sshll.u32 s7, $0x1;
	s7 =	sadd.s32 s22, s5  }
0x9f: {  	[timem:s9], [sflag:s23] =	dma.local [hbm:s7], s21  }
0xa0: {  	_ =	swait.ge [sflag:s23], s21  }
0xa1: {  	s6 =	ssub.s32 $0x0, s21;
	[sflag:s23] =	ssyncset.done $0x0  }
0xa2: {  	[sflag:s23] =	ssyncadd.s32 s6;
	_ =	sdelay $0x1  }
0xa3: {  	s24 =	simm.s32 $0x1B8B  }
0xa4: {  	_ =	swait.ge [sflag:s24], $0x1  }
0xa5: {  	[sflag:s24] =	ssyncset.done $0x0  }
0xa6: {  	s25 =	simm.s32 $0x1B8E;
	[sflag:s24] =	ssyncadd.s32 $0xFFFFFFFF  }
0xa7: {  	s26 =	simm.s32 $execute0_lowered;
	[smem:$0x3FD2] =	sst s25  }
0xa8: {  	s6 =	sshll.u32 s26, $0x1;
	_ =	strace $0x80000046;
	[dreg:$0x1] =	wrdreg $0xFFFFFFFF  }
0xa9: {  	s28 =	simm.s32 $_size_execute0_lowered;
	s5 =	sadd.s32 s5, s6;
	[dreg:$0x0] =	wrdreg $0x0  }
0xaa: {  	s6 =	sshll.u32 s28, $0x1;
	[dreg:$0x2] =	wrdreg s5  }
0xab: {  	[dreg:$0x3] =	wrdreg s6  }
0xac: {  	[dreg:$0x4] =	wrdreg $0xC0  }
0xad: {  	_ =	task [dreg:s9], $0x5FFFF  }
0xae: {  	[dreg:$0x1] =	wrdreg $0xFFFFFFFF  }
0xaf: {  	[dreg:$0x0] =	wrdreg $0x60  }
0xb0: {  	[dreg:$0x2] =	wrdreg s19  }
0xb1: {  	[dreg:$0x3] =	wrdreg s2  }
0xb2: {  	[dreg:$0x4] =	wrdreg s4  }
0xb3: {  	[dreg:$0x5] =	wrdreg $0x9  }
0xb4: {  	_ =	task.clear_ibuf [dreg:s9], $0x6FFFF;
	_ =	strace $0x90000046  }
0xb5: {  	s29 =	simm.s32 $0x9;
	_ =	strace $0x80000048  }
0xb6: {  	_ =	swait.ge [sflag:s29], $0x1  }
0xb7: {  	[sflag:s29] =	ssyncadd.s32 $0xFFFFFFFF  }
0xb8: {  	_ =	strace $0x90000048  }
0xb9: {  	_ =	sfence  }
0xba: {  	s30 =	sld [smem:$0x0];
	_ =	sdelay $0x2  }
0xbb: {  	s31 =	sshll.u32 s1, $0xD;
	s1 =	sshrl.u32 s1, $0x2  }
0xbc: {  	s3 =	sand.u32 $0x4000, s31;
	s1 =	sadd.s32 s1, s30  }
0xbd: {  	s0 =	sor.u32 s3, s0;
	s1 =	sshll.u32 s1, $0x11  }
0xbe: {  	s0 =	sor.u32 s1, s0  }
0xbf: {  	s0 =	sadd.s32 $0x8F2B, s0  }
0xc0: {  	[sflag:s0] =	ssyncadd.remote.s32 $0x1  }
0xc1: {  	_ =	sfence.sel $0xFFFF  }
0xc2: {  	[dreg:$0x0] =	wrdreg $0xFFFFFFFF;
	(pc) =	sbr.abs _section_cstart, $3  }
0xc3: {  	[dreg:$0x1] =	wrdreg $0xFFFFFFFF  }
0xc4: {  	_ =	task.clear_ibuf [dreg:s9], $0x2FFFF;
	_ =	strace $0x9FFFFFFF  }
0xc5: {  	(tm) =	ssettm $0x7FFFFFFF  }
tec
execute0_lowered:
.L_overlay_start_1:
0x0: {  	(tag) =	ssettag $0x1  }
0x1: {  	s0 =	srdreg.scid  }
0x2: {  	s5 =	sand.u32 $0x1, s0;
	s0 =	stileid.u32  }
0x3: {  	s6 =	sshll.u32 s0, $0x1;
	s7 =	ssub.s32 $0x0, s5  }
0x4: {  	p0 =	sne.s32 s6, s7  }
.Ltmp0:
0x5: {  	_ = 	snop;
	(pc) =	sbr.rel @p0 .LBB2_3-.Ltmp0, $4  }
0x6: {  	s1 =	rddreg [dreg:$0x0]  }
0x7: {  	s3 =	rddreg [dreg:$0x1]  }
0x8: {  	s4 =	rddreg [dreg:$0x2]  }
0x9: {  	s2 =	rddreg [dreg:$0x3];
	_ =	strace $0x80000047  }
0xa: {  	s5 =	ssub.s32 $0x2, s5  }
0xb: {  	s6 =	sshrl.u32 s5, $0x1  }
0xc: {  	s7 =	simm.s32 $0x1;
	s8 =	simm.s32 $0x100;
	s5 =	ssub.s32 s5, s6  }
0xd: {  	s9 =	simm.s32 $0x200;
	s6 =	simm.s32 $0x0;
	s5 =	smax.u32 s5, $0x1  }
.LBB2_2:
0xe: {  	[tilespmem:s6], [sflag:$0x1] =	stream.linear.gather [hbm4b:s1+s6], $0x100, $0x38;
	[tilespmem:$0xA00] =	vst v63  }
0xf: {  	_ =	swait.ge [sflag:s7], $0x100  }
0x10: {  	[sflag:s7] =	ssyncset.done $0x0  }
0x11: {  	[sflag:s7] =	ssyncadd.s32 $0xFFFFFF00  }
0x12: {  	[tilespmem:s8], [sflag:$0x1] =	stream.linear.gather [hbm4b:s3+s6], $0x100, $0x38;
	[tilespmem:$0xA00] =	vst v63  }
0x13: {  	_ =	swait.ge [sflag:s7], $0x100  }
0x14: {  	[sflag:s7] =	ssyncset.done $0x0  }
0x15: {  	[sflag:s7] =	ssyncadd.s32 $0xFFFFFF00  }
0x16: {  	v14 =	vld [tilespmem:$0x0]  }
0x17: {  	v16 =	vld [tilespmem:$0x80];
	_ =	sdelay $0x3  }
0x18: {  	v15 =	vld [tilespmem:$0x100]  }
0x19: {  	v17 =	vld [tilespmem:$0x180];
	vm0 =	veq.s32 v14, $0x0;
	vm14 =	veq.s32 v16, $0x0  }
0x1a: {  	vm15 =	veq.s32 v14, $0x1;
	vm1 =	veq.s32 v16, $0x1;
	vm4 =	veq.s32 v14, $0x2  }
0x1b: {  	vm5 =	veq.s32 v16, $0x2;
	vm6 =	veq.s32 v14, $0x3;
	vm7 =	veq.s32 v16, $0x3  }
0x1c: {  	vm8 =	veq.s32 v14, $0x4;
	vm9 =	veq.s32 v16, $0x4;
	vm10 =	veq.s32 v14, $0x5  }
0x1d: {  	vm11 =	veq.s32 v16, $0x5;
	vm12 =	veq.s32 v14, $0x6;
	vm13 =	veq.s32 v16, $0x6  }
0x1e: {  	v0 =	vnsel vm0, $0x0, v15;
	v1 =	vnsel vm14, $0x0, v17;
	v36 =	vnsel vm15, $0x0, v15  }
0x1f: {  	v2 =	vnsel vm1, $0x0, v17;
	v37 =	vnsel vm4, $0x0, v15;
	v3 =	vnsel vm5, $0x0, v17  }
0x20: {  	v38 =	vnsel vm6, $0x0, v15;
	v4 =	vnsel vm7, $0x0, v17;
	v39 =	vnsel vm8, $0x0, v15  }
0x21: {  	v5 =	vnsel vm9, $0x0, v17;
	v40 =	vnsel vm10, $0x0, v15;
	v6 =	vnsel vm11, $0x0, v17  }
0x22: {  	v41 =	vnsel vm12, $0x0, v15;
	v7 =	vnsel vm13, $0x0, v17;
	vm14 =	veq.s32 v14, $0x7  }
0x23: {  	vm15 =	veq.s32 v16, $0x7;
	vm4 =	veq.s32 v14, $0x8;
	vm5 =	veq.s32 v16, $0x8  }
0x24: {  	vm6 =	veq.s32 v14, $0x9;
	vm7 =	veq.s32 v16, $0x9;
	vm8 =	veq.s32 v14, $0xA  }
0x25: {  	vm9 =	veq.s32 v16, $0xA;
	vm10 =	veq.s32 v14, $0xB;
	v1 =	vadd.f32 v1, v0  }
0x26: {  	vm11 =	veq.s32 v16, $0xB;
	v0 =	vadd.f32 v2, v36;
	v2 =	vadd.f32 v3, v37  }
0x27: {  	vm12 =	veq.s32 v14, $0xC;
	v4 =	vadd.f32 v4, v38;
	v3 =	vadd.f32 v5, v39  }
0x28: {  	vm13 =	veq.s32 v16, $0xC;
	v5 =	vadd.f32 v6, v40;
	v7 =	vadd.f32 v7, v41  }
0x29: {  	v30 =	vld [tilespmem:$0x10];
	v42 =	vnsel vm14, $0x0, v15;
	v8 =	vnsel vm15, $0x0, v17;
	v43 =	vnsel vm4, $0x0, v15  }
0x2a: {  	v31 =	vld [tilespmem:$0x90];
	v9 =	vnsel vm5, $0x0, v17;
	v44 =	vnsel vm6, $0x0, v15;
	v10 =	vnsel vm7, $0x0, v17  }
0x2b: {  	v45 =	vnsel vm8, $0x0, v15;
	v11 =	vnsel vm9, $0x0, v17;
	v46 =	vnsel vm10, $0x0, v15  }
0x2c: {  	v12 =	vnsel vm11, $0x0, v17;
	v47 =	vnsel vm12, $0x0, v15;
	v13 =	vnsel vm13, $0x0, v17  }
0x2d: {  	vm14 =	veq.s32 v14, $0xD;
	vm15 =	veq.s32 v16, $0xD;
	vm4 =	veq.s32 v14, $0xE  }
0x2e: {  	vm5 =	veq.s32 v16, $0xE;
	vm6 =	veq.s32 v14, $0xF;
	vm7 =	veq.s32 v16, $0xF  }
0x2f: {  	v32 =	vld [tilespmem:$0x110];
	vm8 =	veq.s32 v30, $0x0;
	vm9 =	veq.s32 v31, $0x0;
	vm10 =	veq.s32 v30, $0x1  }
0x30: {  	v33 =	vld [tilespmem:$0x190];
	vm11 =	veq.s32 v31, $0x1;
	v6 =	vadd.f32 v8, v42;
	v8 =	vadd.f32 v9, v43  }
0x31: {  	vm12 =	veq.s32 v30, $0x2;
	v10 =	vadd.f32 v10, v44;
	v9 =	vadd.f32 v11, v45  }
0x32: {  	vm13 =	veq.s32 v31, $0x2;
	v11 =	vadd.f32 v12, v46;
	v13 =	vadd.f32 v13, v47  }
0x33: {  	v48 =	vnsel vm14, $0x0, v15;
	v18 =	vnsel vm15, $0x0, v17;
	v49 =	vnsel vm4, $0x0, v15  }
0x34: {  	v19 =	vnsel vm5, $0x0, v17;
	v15 =	vnsel vm6, $0x0, v15;
	v16 =	vnsel vm7, $0x0, v17  }
0x35: {  	v50 =	vnsel vm8, $0x0, v32;
	v51 =	vnsel vm9, $0x0, v33;
	v52 =	vnsel vm10, $0x0, v32  }
0x36: {  	v53 =	vnsel vm11, $0x0, v33;
	v54 =	vnsel vm12, $0x0, v32;
	v55 =	vnsel vm13, $0x0, v33  }
0x37: {  	vm14 =	veq.s32 v30, $0x3;
	vm15 =	veq.s32 v31, $0x3;
	vm4 =	veq.s32 v30, $0x4  }
0x38: {  	vm5 =	veq.s32 v31, $0x4;
	vm6 =	veq.s32 v30, $0x5;
	vm7 =	veq.s32 v31, $0x5  }
0x39: {  	vm8 =	veq.s32 v30, $0x6;
	vm9 =	veq.s32 v31, $0x6;
	vm10 =	veq.s32 v30, $0x7  }
0x3a: {  	vm11 =	veq.s32 v31, $0x7;
	v12 =	vadd.f32 v18, v48;
	v14 =	vadd.f32 v19, v49  }
0x3b: {  	vm12 =	veq.s32 v30, $0x8;
	v16 =	vadd.f32 v16, v15;
	v15 =	vadd.f32 v51, v50  }
0x3c: {  	vm13 =	veq.s32 v31, $0x8;
	v17 =	vadd.f32 v53, v52;
	v19 =	vadd.f32 v55, v54  }
0x3d: {  	v56 =	vnsel vm14, $0x0, v32;
	v20 =	vnsel vm15, $0x0, v33;
	v57 =	vnsel vm4, $0x0, v32  }
0x3e: {  	v21 =	vnsel vm5, $0x0, v33;
	v58 =	vnsel vm6, $0x0, v32;
	v22 =	vnsel vm7, $0x0, v33  }
0x3f: {  	v59 =	vnsel vm8, $0x0, v32;
	v23 =	vnsel vm9, $0x0, v33;
	v60 =	vnsel vm10, $0x0, v32  }
0x40: {  	v24 =	vnsel vm11, $0x0, v33;
	v61 =	vnsel vm12, $0x0, v32;
	v25 =	vnsel vm13, $0x0, v33  }
0x41: {  	vm14 =	veq.s32 v30, $0x9;
	vm15 =	veq.s32 v31, $0x9;
	vm4 =	veq.s32 v30, $0xA  }
0x42: {  	vm5 =	veq.s32 v31, $0xA;
	vm6 =	veq.s32 v30, $0xB;
	vm7 =	veq.s32 v31, $0xB  }
0x43: {  	vm8 =	veq.s32 v30, $0xC;
	vm9 =	veq.s32 v31, $0xC;
	vm10 =	veq.s32 v30, $0xD  }
0x44: {  	vm11 =	veq.s32 v31, $0xD;
	v18 =	vadd.f32 v20, v56;
	v20 =	vadd.f32 v21, v57  }
0x45: {  	vm12 =	veq.s32 v30, $0xE;
	v22 =	vadd.f32 v22, v58;
	v21 =	vadd.f32 v23, v59  }
0x46: {  	vm13 =	veq.s32 v31, $0xE;
	v23 =	vadd.f32 v24, v60;
	v25 =	vadd.f32 v25, v61  }
0x47: {  	v62 =	vnsel vm14, $0x0, v32;
	v26 =	vnsel vm15, $0x0, v33;
	v63 =	vnsel vm4, $0x0, v32  }
0x48: {  	v27 =	vnsel vm5, $0x0, v33;
	v34 =	vnsel vm6, $0x0, v32;
	v28 =	vnsel vm7, $0x0, v33  }
0x49: {  	v35 =	vnsel vm8, $0x0, v32;
	v29 =	vnsel vm9, $0x0, v33;
	v36 =	vnsel vm10, $0x0, v32  }
0x4a: {  	v47 =	vld [tilespmem:$0x20];
	v37 =	vnsel vm12, $0x0, v32;
	vm14 =	veq.s32 v30, $0xF;
	v24 =	vadd.f32 v26, v62  }
0x4b: {  	v48 =	vld [tilespmem:$0x120];
	vm15 =	veq.s32 v31, $0xF;
	v26 =	vadd.f32 v27, v63;
	v27 =	vadd.f32 v28, v34  }
0x4c: {  	v49 =	vld [tilespmem:$0xA0];
	v28 =	vadd.f32 v29, v35;
	v34 =	vnsel vm11, $0x0, v33;
	v35 =	vnsel vm13, $0x0, v33  }
0x4d: {  	v30 =	vnsel vm14, $0x0, v32;
	v38 =	vnsel vm15, $0x0, v33;
	v29 =	vadd.f32 v34, v36  }
0x4e: {  	v31 =	vadd.f32 v35, v37;
	v30 =	vadd.f32 v38, v30  }
0x4f: {  	vm4 =	veq.s32 v47, $0x0;
	vm6 =	veq.s32 v47, $0x1;
	vm8 =	veq.s32 v47, $0x2  }
0x50: {  	vm10 =	veq.s32 v47, $0x3;
	vm12 =	veq.s32 v47, $0x4;
	vm14 =	veq.s32 v47, $0x5  }
0x51: {  	vm5 =	veq.s32 v49, $0x0;
	v39 =	vnsel vm4, $0x0, v48;
	v41 =	vnsel vm6, $0x0, v48  }
0x52: {  	v50 =	vld [tilespmem:$0x1A0];
	vm7 =	veq.s32 v49, $0x1;
	vm9 =	veq.s32 v49, $0x2;
	v43 =	vnsel vm8, $0x0, v48  }
0x53: {  	vm11 =	veq.s32 v49, $0x3;
	v45 =	vnsel vm10, $0x0, v48;
	v46 =	vnsel vm12, $0x0, v48  }
0x54: {  	vm13 =	veq.s32 v49, $0x4;
	vm15 =	veq.s32 v49, $0x5;
	v51 =	vnsel vm14, $0x0, v48  }
0x55: {  	vm4 =	veq.s32 v47, $0x6;
	vm6 =	veq.s32 v47, $0x7;
	vm8 =	veq.s32 v47, $0x8  }
0x56: {  	vm10 =	veq.s32 v47, $0x9;
	vm12 =	veq.s32 v47, $0xA;
	vm14 =	veq.s32 v47, $0xB  }
0x57: {  	v40 =	vnsel vm5, $0x0, v50;
	v42 =	vnsel vm7, $0x0, v50;
	v44 =	vnsel vm9, $0x0, v50  }
0x58: {  	v36 =	vnsel vm11, $0x0, v50;
	v37 =	vnsel vm13, $0x0, v50;
	v38 =	vnsel vm15, $0x0, v50  }
0x59: {  	vm5 =	veq.s32 v49, $0x6;
	v52 =	vnsel vm4, $0x0, v48;
	v53 =	vnsel vm6, $0x0, v48  }
0x5a: {  	vm7 =	veq.s32 v49, $0x7;
	vm9 =	veq.s32 v49, $0x8;
	v54 =	vnsel vm8, $0x0, v48  }
0x5b: {  	vm11 =	veq.s32 v49, $0x9;
	v56 =	vnsel vm10, $0x0, v48;
	v57 =	vnsel vm12, $0x0, v48  }
0x5c: {  	vm13 =	veq.s32 v49, $0xA;
	vm15 =	veq.s32 v49, $0xB;
	v58 =	vnsel vm14, $0x0, v48  }
0x5d: {  	vm4 =	veq.s32 v47, $0xC;
	vm6 =	veq.s32 v47, $0xD;
	v32 =	vadd.f32 v40, v39  }
0x5e: {  	vm8 =	veq.s32 v47, $0xE;
	v34 =	vadd.f32 v42, v41;
	v33 =	vadd.f32 v44, v43  }
0x5f: {  	vm10 =	veq.s32 v47, $0xF;
	v35 =	vadd.f32 v36, v45;
	v37 =	vadd.f32 v37, v46  }
0x60: {  	v36 =	vadd.f32 v38, v51;
	v39 =	vnsel vm5, $0x0, v50;
	v40 =	vnsel vm7, $0x0, v50  }
0x61: {  	v55 =	vnsel vm9, $0x0, v50;
	v41 =	vnsel vm11, $0x0, v50;
	v43 =	vnsel vm13, $0x0, v50  }
0x62: {  	v44 =	vnsel vm15, $0x0, v50;
	vm5 =	veq.s32 v49, $0xC;
	v59 =	vnsel vm4, $0x0, v48  }
0x63: {  	v60 =	vnsel vm6, $0x0, v48;
	vm7 =	veq.s32 v49, $0xD;
	vm9 =	veq.s32 v49, $0xE  }
0x64: {  	v61 =	vnsel vm8, $0x0, v48;
	v39 =	vadd.f32 v39, v52;
	v38 =	vadd.f32 v55, v54;
	v54 =	vld [tilespmem:$0x30]  }
0x65: {  	vm11 =	veq.s32 v49, $0xF;
	v42 =	vadd.f32 v40, v53;
	v40 =	vadd.f32 v41, v56;
	v56 =	vld [tilespmem:$0xB0]  }
0x66: {  	v47 =	vnsel vm10, $0x0, v48;
	v43 =	vadd.f32 v43, v57;
	v41 =	vadd.f32 v44, v58  }
0x67: {  	v45 =	vnsel vm5, $0x0, v50;
	v46 =	vnsel vm7, $0x0, v50;
	v51 =	vnsel vm9, $0x0, v50  }
0x68: {  	v55 =	vld [tilespmem:$0x130];
	v62 =	vnsel vm11, $0x0, v50;
	v44 =	vadd.f32 v45, v59;
	v46 =	vadd.f32 v46, v60  }
0x69: {  	v57 =	vld [tilespmem:$0x1B0];
	v45 =	vadd.f32 v51, v61;
	v47 =	vadd.f32 v62, v47  }
0x6a: {  	vm12 =	veq.s32 v54, $0x0;
	vm13 =	veq.s32 v56, $0x0;
	vm14 =	veq.s32 v54, $0x1  }
0x6b: {  	vm15 =	veq.s32 v56, $0x1;
	vm4 =	veq.s32 v54, $0x2;
	vm5 =	veq.s32 v56, $0x2  }
0x6c: {  	vm6 =	veq.s32 v54, $0x3;
	vm7 =	veq.s32 v56, $0x3;
	vm8 =	veq.s32 v54, $0x4  }
0x6d: {  	vm9 =	veq.s32 v56, $0x4;
	vm10 =	veq.s32 v54, $0x5;
	vm11 =	veq.s32 v56, $0x5  }
0x6e: {  	v63 =	vnsel vm12, $0x0, v55;
	v52 =	vnsel vm13, $0x0, v57;
	v53 =	vnsel vm14, $0x0, v55  }
0x6f: {  	v58 =	vnsel vm15, $0x0, v57;
	v59 =	vnsel vm4, $0x0, v55;
	v60 =	vnsel vm5, $0x0, v57  }
0x70: {  	v61 =	vnsel vm6, $0x0, v55;
	v62 =	vnsel vm8, $0x0, v55;
	vm12 =	veq.s32 v54, $0x6  }
0x71: {  	[tilespmem:$0x200] =	vst v1;
	vm13 =	veq.s32 v56, $0x6;
	vm14 =	veq.s32 v54, $0x7;
	vm15 =	veq.s32 v56, $0x7  }
0x72: {  	[tilespmem:$0x280] =	vst v0;
	vm4 =	veq.s32 v54, $0x8;
	vm5 =	veq.s32 v56, $0x8;
	vm6 =	veq.s32 v54, $0x9  }
0x73: {  	[tilespmem:$0x300] =	vst v2;
	vm8 =	veq.s32 v54, $0xA;
	v49 =	vadd.f32 v52, v63;
	v48 =	vadd.f32 v58, v53  }
0x74: {  	[tilespmem:$0x380] =	vst v4;
	v50 =	vadd.f32 v60, v59;
	v52 =	vnsel vm7, $0x0, v57;
	v53 =	vnsel vm9, $0x0, v57  }
0x75: {  	[tilespmem:$0x400] =	vst v3;
	v63 =	vnsel vm10, $0x0, v55;
	v58 =	vnsel vm11, $0x0, v57;
	v59 =	vnsel vm12, $0x0, v55  }
0x76: {  	[tilespmem:$0x480] =	vst v5;
	v60 =	vnsel vm13, $0x0, v57;
	vm7 =	veq.s32 v56, $0x9;
	vm9 =	veq.s32 v56, $0xA  }
0x77: {  	[tilespmem:$0x500] =	vst v7;
	vm10 =	veq.s32 v54, $0xB;
	vm11 =	veq.s32 v56, $0xB;
	vm12 =	veq.s32 v54, $0xC  }
0x78: {  	[tilespmem:$0x580] =	vst v6;
	vm13 =	veq.s32 v56, $0xC;
	v51 =	vadd.f32 v52, v61;
	v1 =	vadd.f32 v53, v62  }
0x79: {  	[tilespmem:$0x600] =	vst v8;
	v0 =	vadd.f32 v58, v63;
	v2 =	vadd.f32 v60, v59;
	v61 =	vnsel vm14, $0x0, v55  }
0x7a: {  	[tilespmem:$0x680] =	vst v10;
	v62 =	vnsel vm15, $0x0, v57;
	v63 =	vnsel vm4, $0x0, v55;
	v52 =	vnsel vm5, $0x0, v57  }
0x7b: {  	[tilespmem:$0x700] =	vst v9;
	v53 =	vnsel vm6, $0x0, v55;
	v58 =	vnsel vm7, $0x0, v57;
	v59 =	vnsel vm8, $0x0, v55  }
0x7c: {  	[tilespmem:$0x880] =	vst v12;
	v60 =	vnsel vm9, $0x0, v57;
	v12 =	vnsel vm13, $0x0, v57;
	vm14 =	veq.s32 v54, $0xD  }
0x7d: {  	[tilespmem:$0x780] =	vst v11;
	vm15 =	veq.s32 v56, $0xD;
	vm4 =	veq.s32 v54, $0xE;
	vm5 =	veq.s32 v56, $0xE  }
0x7e: {  	[tilespmem:$0x800] =	vst v13;
	vm6 =	veq.s32 v54, $0xF;
	v3 =	vadd.f32 v62, v61;
	v4 =	vadd.f32 v52, v63  }
0x7f: {  	[tilespmem:$0x900] =	vst v14;
	vm7 =	veq.s32 v56, $0xF;
	v5 =	vadd.f32 v58, v53;
	v6 =	vadd.f32 v60, v59;
	v52 =	vld [tilespmem:$0x40]  }
0x80: {  	[tilespmem:$0x980] =	vst v16;
	v61 =	vnsel vm10, $0x0, v55;
	v62 =	vnsel vm11, $0x0, v57;
	v63 =	vnsel vm12, $0x0, v55;
	v58 =	vld [tilespmem:$0xC0]  }
0x81: {  	[tilespmem:$0x210] =	vst v15;
	v13 =	vnsel vm14, $0x0, v55;
	v14 =	vnsel vm15, $0x0, v57;
	v16 =	vnsel vm4, $0x0, v55  }
0x82: {  	[tilespmem:$0x290] =	vst v17;
	v54 =	vnsel vm5, $0x0, v57;
	v60 =	vnsel vm6, $0x0, v55;
	v7 =	vadd.f32 v62, v61  }
0x83: {  	[tilespmem:$0x310] =	vst v19;
	v53 =	vld [tilespmem:$0x140];
	v8 =	vadd.f32 v12, v63;
	v9 =	vadd.f32 v14, v13;
	v61 =	vnsel vm7, $0x0, v57  }
0x84: {  	[tilespmem:$0x390] =	vst v18;
	v59 =	vld [tilespmem:$0x1C0];
	v10 =	vadd.f32 v54, v16;
	v11 =	vadd.f32 v61, v60;
	vm8 =	veq.s32 v52, $0x0  }
0x85: {  	[tilespmem:$0x410] =	vst v20;
	vm9 =	veq.s32 v58, $0x0;
	vm10 =	veq.s32 v52, $0x1;
	vm11 =	veq.s32 v58, $0x1  }
0x86: {  	[tilespmem:$0x490] =	vst v22;
	vm12 =	veq.s32 v52, $0x2;
	vm13 =	veq.s32 v58, $0x2;
	vm14 =	veq.s32 v52, $0x3  }
0x87: {  	[tilespmem:$0x510] =	vst v21;
	vm15 =	veq.s32 v58, $0x3;
	vm4 =	veq.s32 v52, $0x4;
	vm5 =	veq.s32 v58, $0x4  }
0x88: {  	[tilespmem:$0x590] =	vst v23;
	vm6 =	veq.s32 v52, $0x5;
	vm7 =	veq.s32 v58, $0x5;
	v62 =	vnsel vm8, $0x0, v53  }
0x89: {  	[tilespmem:$0x610] =	vst v25;
	v63 =	vnsel vm9, $0x0, v59;
	v16 =	vnsel vm10, $0x0, v53;
	v17 =	vnsel vm11, $0x0, v59  }
0x8a: {  	[tilespmem:$0x690] =	vst v24;
	v18 =	vnsel vm12, $0x0, v53;
	v19 =	vnsel vm13, $0x0, v59;
	v20 =	vnsel vm14, $0x0, v53  }
0x8b: {  	[tilespmem:$0x710] =	vst v26;
	v21 =	vnsel vm15, $0x0, v59;
	v22 =	vnsel vm4, $0x0, v53;
	v23 =	vnsel vm5, $0x0, v59  }
0x8c: {  	[tilespmem:$0x790] =	vst v27;
	v24 =	vnsel vm6, $0x0, v53;
	v25 =	vnsel vm7, $0x0, v59;
	vm8 =	veq.s32 v52, $0x6  }
0x8d: {  	[tilespmem:$0x810] =	vst v28;
	vm9 =	veq.s32 v58, $0x6;
	vm10 =	veq.s32 v52, $0x7;
	vm11 =	veq.s32 v58, $0x7  }
0x8e: {  	[tilespmem:$0x890] =	vst v29;
	vm12 =	veq.s32 v52, $0x8;
	vm13 =	veq.s32 v58, $0x8;
	vm14 =	veq.s32 v52, $0x9  }
0x8f: {  	[tilespmem:$0x910] =	vst v31;
	vm15 =	veq.s32 v58, $0x9;
	vm4 =	veq.s32 v52, $0xA;
	vm5 =	veq.s32 v58, $0xA  }
0x90: {  	[tilespmem:$0x990] =	vst v30;
	vm6 =	veq.s32 v52, $0xB;
	v12 =	vadd.f32 v63, v62;
	v13 =	vadd.f32 v17, v16  }
0x91: {  	[tilespmem:$0x220] =	vst v32;
	vm7 =	veq.s32 v58, $0xB;
	v15 =	vadd.f32 v19, v18;
	v14 =	vadd.f32 v21, v20  }
0x92: {  	[tilespmem:$0x2A0] =	vst v34;
	v16 =	vadd.f32 v23, v22;
	v17 =	vadd.f32 v25, v24;
	v26 =	vnsel vm8, $0x0, v53  }
0x93: {  	[tilespmem:$0x320] =	vst v33;
	v27 =	vnsel vm9, $0x0, v59;
	v28 =	vnsel vm10, $0x0, v53;
	v29 =	vnsel vm11, $0x0, v59  }
0x94: {  	[tilespmem:$0x3A0] =	vst v35;
	v30 =	vnsel vm12, $0x0, v53;
	v31 =	vnsel vm13, $0x0, v59;
	v32 =	vnsel vm14, $0x0, v53  }
0x95: {  	[tilespmem:$0x420] =	vst v37;
	v33 =	vnsel vm15, $0x0, v59;
	v34 =	vnsel vm4, $0x0, v53;
	v35 =	vnsel vm5, $0x0, v59  }
0x96: {  	[tilespmem:$0x520] =	vst v39;
	v37 =	vnsel vm6, $0x0, v53;
	v39 =	vnsel vm7, $0x0, v59;
	vm8 =	veq.s32 v52, $0xC  }
0x97: {  	vm9 =	veq.s32 v58, $0xC;
	vm10 =	veq.s32 v52, $0xD;
	vm11 =	veq.s32 v58, $0xD  }
0x98: {  	[tilespmem:$0x4A0] =	vst v36;
	vm12 =	veq.s32 v52, $0xE;
	vm13 =	veq.s32 v58, $0xE;
	v18 =	vadd.f32 v27, v26  }
0x99: {  	[tilespmem:$0x5A0] =	vst v42;
	vm14 =	veq.s32 v52, $0xF;
	v19 =	vadd.f32 v29, v28;
	v20 =	vadd.f32 v31, v30;
	v29 =	vld [tilespmem:$0x50]  }
0x9a: {  	[tilespmem:$0x620] =	vst v38;
	vm15 =	veq.s32 v58, $0xF;
	v21 =	vadd.f32 v33, v32;
	v22 =	vadd.f32 v35, v34;
	v33 =	vld [tilespmem:$0xD0]  }
0x9b: {  	[tilespmem:$0x6A0] =	vst v40;
	v23 =	vadd.f32 v39, v37;
	v42 =	vnsel vm8, $0x0, v53;
	v54 =	vnsel vm9, $0x0, v59  }
0x9c: {  	[tilespmem:$0x720] =	vst v43;
	v55 =	vnsel vm10, $0x0, v53;
	v56 =	vnsel vm11, $0x0, v59;
	v57 =	vnsel vm12, $0x0, v53  }
0x9d: {  	[tilespmem:$0x7A0] =	vst v41;
	v30 =	vld [tilespmem:$0x150];
	v60 =	vnsel vm13, $0x0, v59;
	v61 =	vnsel vm14, $0x0, v53;
	v24 =	vadd.f32 v54, v42  }
0x9e: {  	[tilespmem:$0x820] =	vst v44;
	v34 =	vld [tilespmem:$0x1D0];
	v62 =	vnsel vm15, $0x0, v59;
	v25 =	vadd.f32 v56, v55;
	v26 =	vadd.f32 v60, v57  }
0x9f: {  	[tilespmem:$0x8A0] =	vst v46;
	v27 =	vadd.f32 v62, v61;
	vm4 =	veq.s32 v29, $0x0;
	vm5 =	veq.s32 v33, $0x0  }
0xa0: {  	[tilespmem:$0x920] =	vst v45;
	vm6 =	veq.s32 v29, $0x1;
	vm7 =	veq.s32 v33, $0x1;
	vm8 =	veq.s32 v29, $0x2  }
0xa1: {  	[tilespmem:$0x9A0] =	vst v47;
	vm9 =	veq.s32 v33, $0x2;
	vm10 =	veq.s32 v29, $0x3;
	vm11 =	veq.s32 v33, $0x3  }
0xa2: {  	[tilespmem:$0x230] =	vst v49;
	vm12 =	veq.s32 v29, $0x4;
	vm13 =	veq.s32 v33, $0x4;
	vm14 =	veq.s32 v29, $0x5  }
0xa3: {  	[tilespmem:$0x2B0] =	vst v48;
	vm15 =	veq.s32 v33, $0x5;
	v63 =	vnsel vm4, $0x0, v30;
	v35 =	vnsel vm5, $0x0, v34  }
0xa4: {  	[tilespmem:$0x330] =	vst v50;
	v36 =	vnsel vm6, $0x0, v30;
	v37 =	vnsel vm7, $0x0, v34;
	v38 =	vnsel vm8, $0x0, v30  }
0xa5: {  	[tilespmem:$0x3B0] =	vst v51;
	v39 =	vnsel vm9, $0x0, v34;
	v40 =	vnsel vm10, $0x0, v30;
	v41 =	vnsel vm11, $0x0, v34  }
0xa6: {  	[tilespmem:$0x430] =	vst v1;
	v42 =	vnsel vm12, $0x0, v30;
	v43 =	vnsel vm13, $0x0, v34;
	v44 =	vnsel vm14, $0x0, v30  }
0xa7: {  	[tilespmem:$0x4B0] =	vst v0;
	v45 =	vnsel vm15, $0x0, v34;
	vm4 =	veq.s32 v29, $0x6;
	vm5 =	veq.s32 v33, $0x6  }
0xa8: {  	[tilespmem:$0x530] =	vst v2;
	vm6 =	veq.s32 v29, $0x7;
	vm7 =	veq.s32 v33, $0x7;
	vm8 =	veq.s32 v29, $0x8  }
0xa9: {  	[tilespmem:$0x5B0] =	vst v3;
	vm9 =	veq.s32 v33, $0x8;
	vm10 =	veq.s32 v29, $0x9;
	vm11 =	veq.s32 v33, $0x9  }
0xaa: {  	[tilespmem:$0x630] =	vst v4;
	vm12 =	veq.s32 v29, $0xA;
	vm13 =	veq.s32 v33, $0xA;
	v28 =	vadd.f32 v35, v63  }
0xab: {  	[tilespmem:$0x6B0] =	vst v5;
	vm14 =	veq.s32 v29, $0xB;
	v31 =	vadd.f32 v37, v36;
	v32 =	vadd.f32 v39, v38  }
0xac: {  	[tilespmem:$0x730] =	vst v6;
	vm15 =	veq.s32 v33, $0xB;
	v35 =	vadd.f32 v41, v40;
	v2 =	vadd.f32 v43, v42  }
0xad: {  	[tilespmem:$0x7B0] =	vst v7;
	v3 =	vadd.f32 v45, v44;
	v46 =	vnsel vm4, $0x0, v30;
	v47 =	vnsel vm5, $0x0, v34  }
0xae: {  	v0 =	vld [tilespmem:$0x60];
	[tilespmem:$0x830] =	vst v8;
	v48 =	vnsel vm6, $0x0, v30;
	v49 =	vnsel vm7, $0x0, v34;
	v50 =	vnsel vm8, $0x0, v30  }
0xaf: {  	[tilespmem:$0x240] =	vst v12;
	v12 =	vld [tilespmem:$0xE0];
	v51 =	vnsel vm9, $0x0, v34;
	v52 =	vnsel vm10, $0x0, v30;
	v53 =	vnsel vm11, $0x0, v34  }
0xb0: {  	[tilespmem:$0x8B0] =	vst v9;
	v54 =	vnsel vm12, $0x0, v30;
	v55 =	vnsel vm13, $0x0, v34;
	v56 =	vnsel vm14, $0x0, v30  }
0xb1: {  	[tilespmem:$0x930] =	vst v10;
	v57 =	vnsel vm15, $0x0, v34;
	vm4 =	veq.s32 v29, $0xC;
	vm5 =	veq.s32 v33, $0xC  }
0xb2: {  	[tilespmem:$0x9B0] =	vst v11;
	vm6 =	veq.s32 v29, $0xD;
	vm7 =	veq.s32 v33, $0xD;
	vm8 =	veq.s32 v29, $0xE  }
0xb3: {  	[tilespmem:$0x2C0] =	vst v13;
	vm9 =	veq.s32 v33, $0xE;
	vm10 =	veq.s32 v29, $0xF;
	vm11 =	veq.s32 v33, $0xF  }
0xb4: {  	v1 =	vld [tilespmem:$0x160];
	[tilespmem:$0x340] =	vst v15;
	vm12 =	veq.s32 v0, $0x0;
	vm13 =	veq.s32 v12, $0x0;
	v4 =	vadd.f32 v47, v46  }
0xb5: {  	[tilespmem:$0x3C0] =	vst v14;
	v14 =	vld [tilespmem:$0x1E0];
	vm14 =	veq.s32 v0, $0x1;
	v5 =	vadd.f32 v49, v48;
	v6 =	vadd.f32 v51, v50  }
0xb6: {  	[tilespmem:$0x440] =	vst v16;
	vm15 =	veq.s32 v12, $0x1;
	v7 =	vadd.f32 v53, v52;
	v8 =	vadd.f32 v55, v54  }
0xb7: {  	[tilespmem:$0x4C0] =	vst v17;
	v9 =	vadd.f32 v57, v56;
	v58 =	vnsel vm4, $0x0, v30;
	v59 =	vnsel vm5, $0x0, v34  }
0xb8: {  	[tilespmem:$0x540] =	vst v18;
	v60 =	vnsel vm6, $0x0, v30;
	v61 =	vnsel vm7, $0x0, v34;
	v62 =	vnsel vm8, $0x0, v30  }
0xb9: {  	[tilespmem:$0x5C0] =	vst v19;
	v63 =	vnsel vm9, $0x0, v34;
	v33 =	vnsel vm10, $0x0, v30;
	v36 =	vnsel vm11, $0x0, v34  }
0xba: {  	[tilespmem:$0x640] =	vst v20;
	v37 =	vnsel vm12, $0x0, v1;
	v38 =	vnsel vm13, $0x0, v14;
	v39 =	vnsel vm14, $0x0, v1  }
0xbb: {  	[tilespmem:$0x6C0] =	vst v21;
	v40 =	vnsel vm15, $0x0, v14;
	vm4 =	veq.s32 v0, $0x2;
	vm5 =	veq.s32 v12, $0x2  }
0xbc: {  	[tilespmem:$0x740] =	vst v22;
	vm6 =	veq.s32 v0, $0x3;
	vm7 =	veq.s32 v12, $0x3;
	vm8 =	veq.s32 v0, $0x4  }
0xbd: {  	[tilespmem:$0x7C0] =	vst v23;
	vm9 =	veq.s32 v12, $0x4;
	vm10 =	veq.s32 v0, $0x5;
	vm11 =	veq.s32 v12, $0x5  }
0xbe: {  	[tilespmem:$0x840] =	vst v24;
	vm12 =	veq.s32 v0, $0x6;
	vm13 =	veq.s32 v12, $0x6;
	v10 =	vadd.f32 v59, v58  }
0xbf: {  	[tilespmem:$0x8C0] =	vst v25;
	vm14 =	veq.s32 v0, $0x7;
	v11 =	vadd.f32 v61, v60;
	v13 =	vadd.f32 v63, v62  }
0xc0: {  	[tilespmem:$0x940] =	vst v26;
	vm15 =	veq.s32 v12, $0x7;
	v15 =	vadd.f32 v36, v33;
	v16 =	vadd.f32 v38, v37  }
0xc1: {  	[tilespmem:$0x9C0] =	vst v27;
	v17 =	vadd.f32 v40, v39;
	v41 =	vnsel vm4, $0x0, v1;
	v42 =	vnsel vm5, $0x0, v14  }
0xc2: {  	v43 =	vnsel vm6, $0x0, v1;
	v44 =	vnsel vm7, $0x0, v14;
	v45 =	vnsel vm8, $0x0, v1;
	[tilespmem:$0x250] =	vst v28  }
0xc3: {  	v46 =	vnsel vm9, $0x0, v14;
	[tilespmem:$0x2D0] =	vst v31;
	v47 =	vnsel vm10, $0x0, v1;
	v48 =	vnsel vm11, $0x0, v14  }
0xc4: {  	[tilespmem:$0x350] =	vst v32;
	v49 =	vnsel vm12, $0x0, v1;
	v50 =	vnsel vm13, $0x0, v14;
	v51 =	vnsel vm14, $0x0, v1  }
0xc5: {  	[tilespmem:$0x3D0] =	vst v35;
	v52 =	vnsel vm15, $0x0, v14;
	vm4 =	veq.s32 v0, $0x8;
	vm5 =	veq.s32 v12, $0x8  }
0xc6: {  	[tilespmem:$0x450] =	vst v2;
	vm6 =	veq.s32 v0, $0x9;
	vm7 =	veq.s32 v12, $0x9;
	vm8 =	veq.s32 v0, $0xA  }
0xc7: {  	[tilespmem:$0x4D0] =	vst v3;
	vm9 =	veq.s32 v12, $0xA;
	vm10 =	veq.s32 v0, $0xB;
	vm11 =	veq.s32 v12, $0xB  }
0xc8: {  	vm12 =	veq.s32 v0, $0xC;
	vm13 =	veq.s32 v12, $0xC;
	v18 =	vadd.f32 v42, v41;
	[tilespmem:$0x550] =	vst v4  }
0xc9: {  	vm14 =	veq.s32 v0, $0xD;
	v19 =	vadd.f32 v44, v43;
	v20 =	vadd.f32 v46, v45;
	[tilespmem:$0x5D0] =	vst v5  }
0xca: {  	vm15 =	veq.s32 v12, $0xD;
	v21 =	vadd.f32 v48, v47;
	v22 =	vadd.f32 v50, v49;
	[tilespmem:$0x650] =	vst v6  }
0xcb: {  	v24 =	vld [tilespmem:$0xF0];
	v53 =	vadd.f32 v52, v51;
	v54 =	vnsel vm4, $0x0, v1;
	v55 =	vnsel vm5, $0x0, v14;
	[tilespmem:$0x6D0] =	vst v7  }
0xcc: {  	v56 =	vnsel vm6, $0x0, v1;
	v57 =	vnsel vm7, $0x0, v14;
	v58 =	vnsel vm8, $0x0, v1;
	[tilespmem:$0x750] =	vst v8  }
0xcd: {  	v59 =	vnsel vm9, $0x0, v14;
	[tilespmem:$0x7D0] =	vst v9;
	v60 =	vnsel vm10, $0x0, v1;
	v61 =	vnsel vm11, $0x0, v14  }
0xce: {  	v62 =	vnsel vm12, $0x0, v1;
	v23 =	vnsel vm13, $0x0, v14;
	v25 =	vnsel vm14, $0x0, v1;
	[tilespmem:$0x850] =	vst v10  }
0xcf: {  	v26 =	vnsel vm15, $0x0, v14;
	vm4 =	veq.s32 v0, $0xE;
	vm5 =	veq.s32 v12, $0xE;
	[tilespmem:$0x8D0] =	vst v11  }
0xd0: {  	v27 =	vld [tilespmem:$0x1F0];
	vm6 =	veq.s32 v0, $0xF;
	vm7 =	veq.s32 v12, $0xF;
	vm9 =	veq.s32 v24, $0x0;
	[tilespmem:$0x950] =	vst v13  }
0xd1: {  	vm11 =	veq.s32 v24, $0x1;
	v4 =	vadd.f32 v55, v54;
	v5 =	vadd.f32 v57, v56;
	[tilespmem:$0x9D0] =	vst v15  }
0xd2: {  	vm13 =	veq.s32 v24, $0x2;
	v6 =	vadd.f32 v59, v58;
	v7 =	vadd.f32 v61, v60;
	[tilespmem:$0x260] =	vst v16  }
0xd3: {  	vm15 =	veq.s32 v24, $0x3;
	v8 =	vadd.f32 v23, v62;
	v10 =	vadd.f32 v26, v25;
	[tilespmem:$0x2E0] =	vst v17  }
0xd4: {  	v28 =	vnsel vm4, $0x0, v1;
	v29 =	vnsel vm5, $0x0, v14;
	v1 =	vnsel vm6, $0x0, v1;
	[tilespmem:$0x360] =	vst v18  }
0xd5: {  	v12 =	vnsel vm7, $0x0, v14;
	v31 =	vnsel vm9, $0x0, v27;
	v33 =	vnsel vm11, $0x0, v27;
	[tilespmem:$0x3E0] =	vst v19  }
0xd6: {  	v35 =	vnsel vm13, $0x0, v27;
	v37 =	vnsel vm15, $0x0, v27;
	vm5 =	veq.s32 v24, $0x4;
	[tilespmem:$0x460] =	vst v20  }
0xd7: {  	vm7 =	veq.s32 v24, $0x5;
	vm9 =	veq.s32 v24, $0x6;
	vm11 =	veq.s32 v24, $0x7;
	[tilespmem:$0x4E0] =	vst v21  }
0xd8: {  	vm13 =	veq.s32 v24, $0x8;
	vm15 =	veq.s32 v24, $0x9;
	v0 =	vadd.f32 v29, v28;
	[tilespmem:$0x560] =	vst v22  }
0xd9: {  	v2 =	vld [tilespmem:$0x70];
	v1 =	vadd.f32 v12, v1;
	[tilespmem:$0x5E0] =	vst v53;
	v39 =	vnsel vm5, $0x0, v27;
	v41 =	vnsel vm7, $0x0, v27  }
0xda: {  	v63 =	vld [tilespmem:$0x170];
	v43 =	vnsel vm9, $0x0, v27;
	v46 =	vnsel vm11, $0x0, v27;
	v48 =	vnsel vm13, $0x0, v27;
	[tilespmem:$0x660] =	vst v4  }
0xdb: {  	v51 =	vnsel vm15, $0x0, v27;
	vm5 =	veq.s32 v24, $0xA;
	vm7 =	veq.s32 v24, $0xB;
	[tilespmem:$0x6E0] =	vst v5  }
0xdc: {  	vm9 =	veq.s32 v24, $0xC;
	vm11 =	veq.s32 v24, $0xD;
	vm13 =	veq.s32 v24, $0xE;
	[tilespmem:$0x760] =	vst v6  }
0xdd: {  	vm15 =	veq.s32 v24, $0xF;
	[tilespmem:$0x7E0] =	vst v7;
	v54 =	vnsel vm5, $0x0, v27;
	v56 =	vnsel vm7, $0x0, v27  }
0xde: {  	[tilespmem:$0x860] =	vst v8;
	v58 =	vnsel vm9, $0x0, v27;
	v60 =	vnsel vm11, $0x0, v27;
	vm8 =	veq.s32 v2, $0x0  }
0xdf: {  	[tilespmem:$0x8E0] =	vst v10;
	v62 =	vnsel vm13, $0x0, v27;
	vm10 =	veq.s32 v2, $0x1;
	v30 =	vnsel vm8, $0x0, v63  }
0xe0: {  	vm12 =	veq.s32 v2, $0x2;
	[tilespmem:$0x960] =	vst v0;
	v32 =	vnsel vm10, $0x0, v63;
	v12 =	vadd.f32 v31, v30  }
0xe1: {  	vm14 =	veq.s32 v2, $0x3;
	[tilespmem:$0x9E0] =	vst v1;
	v34 =	vnsel vm12, $0x0, v63;
	v13 =	vadd.f32 v33, v32  }
0xe2: {  	vm4 =	veq.s32 v2, $0x4;
	v36 =	vnsel vm14, $0x0, v63;
	v3 =	vadd.f32 v35, v34;
	[tilespmem:$0x270] =	vst v12  }
0xe3: {  	vm6 =	veq.s32 v2, $0x5;
	v38 =	vnsel vm4, $0x0, v63;
	v4 =	vadd.f32 v37, v36;
	[tilespmem:$0x2F0] =	vst v13  }
0xe4: {  	v40 =	vnsel vm6, $0x0, v63;
	vm8 =	veq.s32 v2, $0x6;
	v5 =	vadd.f32 v39, v38;
	[tilespmem:$0x370] =	vst v3  }
0xe5: {  	vm10 =	veq.s32 v2, $0x7;
	v6 =	vadd.f32 v41, v40;
	v42 =	vnsel vm8, $0x0, v63;
	[tilespmem:$0x3F0] =	vst v4  }
0xe6: {  	vm12 =	veq.s32 v2, $0x8;
	v45 =	vnsel vm10, $0x0, v63;
	v44 =	vadd.f32 v43, v42;
	[tilespmem:$0x470] =	vst v5  }
0xe7: {  	vm14 =	veq.s32 v2, $0x9;
	v47 =	vnsel vm12, $0x0, v63;
	v1 =	vadd.f32 v46, v45;
	[tilespmem:$0x4F0] =	vst v6  }
0xe8: {  	vm6 =	veq.s32 v2, $0xB;
	v50 =	vnsel vm14, $0x0, v63;
	v49 =	vadd.f32 v48, v47;
	[tilespmem:$0x570] =	vst v44  }
0xe9: {  	vm4 =	veq.s32 v2, $0xA;
	v55 =	vnsel vm6, $0x0, v63;
	v52 =	vadd.f32 v51, v50;
	[tilespmem:$0x5F0] =	vst v1  }
0xea: {  	v53 =	vnsel vm4, $0x0, v63;
	vm10 =	veq.s32 v2, $0xD;
	v0 =	vadd.f32 v56, v55;
	[tilespmem:$0x670] =	vst v49  }
0xeb: {  	vm8 =	veq.s32 v2, $0xC;
	v59 =	vnsel vm10, $0x0, v63;
	v5 =	vadd.f32 v54, v53;
	[tilespmem:$0x6F0] =	vst v52  }
0xec: {  	vm12 =	veq.s32 v2, $0xE;
	v57 =	vnsel vm8, $0x0, v63;
	v3 =	vadd.f32 v60, v59;
	[tilespmem:$0x7F0] =	vst v0  }
0xed: {  	vm14 =	veq.s32 v2, $0xF;
	v61 =	vnsel vm12, $0x0, v63;
	v1 =	vadd.f32 v58, v57;
	[tilespmem:$0x770] =	vst v5  }
0xee: {  	v2 =	vnsel vm14, $0x0, v63;
	v63 =	vnsel vm15, $0x0, v27;
	v0 =	vadd.f32 v62, v61;
	[tilespmem:$0x8F0] =	vst v3  }
0xef: {  	[tilespmem:$0x870] =	vst v1;
	v1 =	vadd.f32 v63, v2  }
0xf0: {  	p0 =	sne.s32 s5, $0x1;
	[tilespmem:$0x970] =	vst v0  }
.Ltmp1:
0xf1: {  	[tilespmem:$0x9F0] =	vst v1;
	(pc) =	sbr.rel @p0 .LBB2_2-.Ltmp1, $4  }
0xf2: {  	[hbm4b:s4+s6] =	stream.linear.scatter [tilespmem:s9], [sflag:$0x1], $0x800, $0x38;
	[tilespmem:$0xA00] =	vst v63  }
0xf3: {  	_ =	swait.ge [sflag:s7], $0x800  }
0xf4: {  	[sflag:s7] =	ssyncset.done $0x0  }
0xf5: {  	s5 =	sadd.s32 $0xFFFFFFFF, s5;
	[sflag:s7] =	ssyncadd.s32 $0xFFFFF800  }
.LBB2_3:
0xf6: {  	_ =	sfence.sel $0x180000  }
0xf7: {  	[bflag:$0x0] =	sbarrier.arrive $0xFFFF  }
0xf8: {  	p0 =	sne.s32 s0, $0x0;
	_ =	strace $0x90000047  }
0xf9: {  	s0 =	sadd.s32 @!p0 $0x100000, s2;
	[bflag:$0x2] =	sbarrier.arrive $0xFFFF  }
0xfa: {  	[sflag:s0] =	ssyncadd.tile.s32 @!p0 $0x1;
	_ =	shalt  }
.Lfunc_end2:
_tile_overlayer_lowered:
.L_overlay_start_2:
0xfb: {  	(tag) =	ssettag $0x2  }
0xfc: {  	s0 =	rddreg [dreg:$0x0];
	s2 =	stileid.u32  }
0xfd: {  	s1 =	rddreg [dreg:$0x1];
	p0 =	sne.s32 s2, $0x0  }
0xfe: {  	s3 =	rddreg [dreg:$0x2];
	[bflag:$0x3] =	sbarrier.arrive $0xFFFF;
	s2 =	simm.s32 @!p0 $0x1C01  }
0xff: {  	[timem:s3], [sflag:s2] =	dma.local @!p0 [hbm:s0], s1  }
0x100: {  	s0 =	simm.s32 @!p0 $0x1  }
0x101: {  	_ =	swait.ge @!p0 [sflag:s0], s1  }
0x102: {  	s1 =	ssub.s32 @!p0 $0x0, s1;
	[sflag:s0] =	ssyncset.done @!p0 $0x0  }
0x103: {  	[sflag:s0] =	ssyncadd.s32 @!p0 s1  }
0x104: {  	[bflag:$0x3] =	sbarrier.arrive $0xFFFF  }
0x105: {  	_ =	shalt  }

</sc_bundles>
